<compile_context>
chip_gen: v7x
topology: tpu7x:2x2x1
jax: 0.10.2.dev20260603
libtpu: 0.0.44.dev20260713+nightly
codegen_flags: <defaults>
</compile_context>

<pallas_src>
import functools

import jax
import jax.numpy as jnp
from jax import lax
from jax.experimental import pallas as pl
from jax.experimental.pallas import tpu as pltpu
from jax.experimental.pallas import tpu_sc as plsc

EMBED = 32
POS_V = 64
BATCH = 4096
SEQ = 128

NC, NS = 2, 16
NW = NC * NS
SEQ_PER_W = BATCH // NW
CHUNK = 4
NCHUNK = SEQ_PER_W // CHUNK
NBUF = 4
NLANE = 16
SBLK = SEQ // NLANE


def _transpose_add(rows_v, trows_v, pos_stage):
    lanes = lax.iota(jnp.int32, NLANE)

    @plsc.parallel_loop(0, SEQ)
    def body(s):
        svec = jnp.zeros((NLANE,), jnp.int32) + s
        ps = jnp.minimum(s, POS_V - 1)
        for h in range(EMBED // NLANE):
            sl = pl.ds(h * NLANE, NLANE)
            evec = lanes + h * NLANE
            p = pos_stage[ps, sl]
            for j in range(CHUNK):
                plsc.store_scatter(
                    trows_v.at[j], [evec, svec], rows_v[j, s, sl] + p)


def _sc_body(tok_hbm, pos_hbm, patch_hbm, out_hbm, idx_v, pos_stage,
             rows_v, trows_v, gsems, ssems):
    wid = lax.axis_index("s") * NC + lax.axis_index("c")
    seq0 = wid * SEQ_PER_W

    pltpu.sync_copy(patch_hbm.at[pl.ds(seq0, SEQ_PER_W)], idx_v)
    pltpu.sync_copy(pos_hbm, pos_stage)

    def issue_gathers(c, b):
        for j in range(CHUNK):
            pltpu.async_copy(
                tok_hbm.at[idx_v.at[c * CHUNK + j]],
                rows_v.at[b, j],
                gsems.at[b],
            )

    def wait_gathers(c, b):
        pltpu.make_async_copy(
            out_hbm.at[pl.ds(seq0, CHUNK)],
            rows_v.at[b],
            gsems.at[b],
        ).wait()

    issue_gathers(0, 0)
    issue_gathers(1, 1)

    def outer(c4, _):
        for u in range(NBUF):
            c = c4 * NBUF + u
            tb = u % 2

            @pl.when(c + 2 < NCHUNK)
            def _():
                issue_gathers(c + 2, (u + 2) % NBUF)

            wait_gathers(c, u)

            if u >= 2:
                _wait_store(out_hbm, trows_v, ssems, seq0, tb)
            else:
                @pl.when(c4 >= 1)
                def _():
                    _wait_store(out_hbm, trows_v, ssems, seq0, tb)

            _transpose_add(rows_v.at[u], trows_v.at[tb], pos_stage)
            pltpu.async_copy(
                trows_v.at[tb, :, :, pl.ds(0, SEQ)],
                out_hbm.at[pl.ds(seq0 + c * CHUNK, CHUNK)],
                ssems.at[tb],
            )
        return 0

    lax.fori_loop(0, NCHUNK // NBUF, outer, 0, unroll=False)
    for tb in range(2):
        _wait_store(out_hbm, trows_v, ssems, seq0, tb)


def _wait_store(out_hbm, trows_v, ssems, seq0, tb):
    pltpu.make_async_copy(
        trows_v.at[tb, :, :, pl.ds(0, SEQ)],
        out_hbm.at[pl.ds(seq0, CHUNK)],
        ssems.at[tb],
    ).wait()


@functools.partial(
    pl.kernel,
    out_type=jax.ShapeDtypeStruct((BATCH, EMBED, SEQ), jnp.float32),
    mesh=plsc.VectorSubcoreMesh(core_axis_name="c", subcore_axis_name="s"),
    scratch_types=[
        pltpu.VMEM((SEQ_PER_W, SEQ), jnp.int32),
        pltpu.VMEM((POS_V, EMBED), jnp.float32),
        pltpu.VMEM((NBUF, CHUNK, SEQ, EMBED), jnp.float32),
        pltpu.VMEM((2, CHUNK, EMBED, SEQ + 1), jnp.float32),
        pltpu.SemaphoreType.DMA((NBUF,)),
        pltpu.SemaphoreType.DMA((2,)),
    ],
    compiler_params=pltpu.CompilerParams(
        use_tc_tiling_on_sc=False, needs_layout_passes=False),
)
def _sc_embed(tok_hbm, pos_hbm, patch_hbm, out_hbm, idx_v, pos_stage,
              rows_v, trows_v, gsems, ssems):
    _sc_body(tok_hbm, pos_hbm, patch_hbm, out_hbm, idx_v, pos_stage,
             rows_v, trows_v, gsems, ssems)


def kernel(patches, token_table, pos_table):
    patches = patches.astype(jnp.int32)
    out_t = _sc_embed(token_table, pos_table, patches)
    return jnp.swapaxes(out_t, 1, 2)

# --- scband reference (transcript-rebuilt; emitter-appended) ---
"""Pipeline reference for scband-token-and-position-embedding-10677288698078 (READ-ONLY COPY).

The authoritative reference and input builder live on the scoring server;
editing this copy changes nothing except your own understanding.
"""

import jax, jax.numpy as jnp
import numpy as np

EMBED_DIM = 32
MLP_DIM = 128
TOKEN_VOCAB = 1024
POS_VOCAB = 64
BATCH = 4096
SEQ = 128


def setup_inputs(seed: int = 0) -> dict:
    key = jax.random.key(seed)
    k1, k2, k3 = jax.random.split(key, 3)
    patches = jax.random.randint(k1, (BATCH, SEQ), 0, TOKEN_VOCAB, dtype=jnp.int64 if jax.config.jax_enable_x64 else jnp.int32)
    token_table = jax.random.normal(k2, (TOKEN_VOCAB, EMBED_DIM), dtype=jnp.float32) * 0.05
    pos_table = jax.random.normal(k3, (POS_VOCAB, EMBED_DIM), dtype=jnp.float32) * 0.05
    return {"patches": patches, "token_table": token_table, "pos_table": pos_table}


def reference(patches, token_table, pos_table):
    # positions = tf.range(0, mlp_dim) -> pos_emb lookup
    # NOTE: original TF module indexes pos_emb (input_dim=64) with indices up to 127;
    # jnp.take's default 'clip' out-of-bounds semantics keep this runnable (clamps to row 63),
    # matching GPU-style permissive gather behavior.
    positions = jnp.arange(0, MLP_DIM, 1)
    pos = jnp.take(pos_table, positions, axis=0)  # [MLP_DIM, EMBED_DIM]
    tok = jnp.take(token_table, patches, axis=0)  # [BATCH, SEQ, EMBED_DIM]
    data_prep = tok + pos  # broadcast add over batch
    return data_prep

if __name__ == "__main__":
    import jax
    _d = setup_inputs()
    print(jax.jit(kernel)(*tuple(_d.values())))

</pallas_src>

<mosaic_0001>
#map = affine_map<(d0, d1) -> (0, 0)>
#map1 = affine_map<(d0, d1) -> (0, 0, 0)>
module attributes {stable_mosaic.version = 14 : i64} {
  func.func @_sc_embed(%arg0: i32, %arg1: i32, %arg2: memref<1024x32xf32, #tpu.memory_space<hbm>>, %arg3: memref<64x32xf32, #tpu.memory_space<hbm>>, %arg4: memref<4096x128xi32, #tpu.memory_space<hbm>>, %arg5: memref<4096x32x128xf32, #tpu.memory_space<hbm>>, %arg6: memref<128x128xi32, #tpu.memory_space<vmem>>, %arg7: memref<64x32xf32, #tpu.memory_space<vmem>>, %arg8: memref<4x4x128x32xf32, #tpu.memory_space<vmem>>, %arg9: memref<2x4x32x129xf32, #tpu.memory_space<vmem>>, %arg10: memref<4x!tpu.dma_semaphore, #tpu.memory_space<semaphore_mem>>, %arg11: memref<2x!tpu.dma_semaphore, #tpu.memory_space<semaphore_mem>>) attributes {dimension_semantics = [#tpu.dimension_semantics<core_parallel>, #tpu.dimension_semantics<subcore_parallel>], iteration_bounds = array<i64: 2, 16>, scalar_prefetch = 0 : i64, scratch_operands = 6 : i64, tpu.core_type = #tpu.core_type<sc_vector_subcore>, window_params = [{transform_indices = #map}, {transform_indices = #map}, {transform_indices = #map}, {transform_indices = #map1}]} {
    %mul3A = arith.constant 2 : i32
    %mul3A_0 = arith.muli %arg1, %mul3A : i32
    %add3A = arith.addi %mul3A_0, %arg0 : i32
    %mul3A_1 = arith.constant 128 : i32
    %mul3A_2 = arith.muli %add3A, %mul3A_1 : i32
    "tpu.region"() ({
      %run_scoped3A = tpu.sem_alloc : memref<!tpu.dma_semaphore, #tpu.memory_space<semaphore_mem>>
      %dma_start3A_175 = arith.constant 0 : i32
      %dma_start3A_176 = tpu.memref_slice %arg4[%mul3A_2, %dma_start3A_175] : memref<4096x128xi32, #tpu.memory_space<hbm>> -> memref<128x128xi32, #tpu.memory_space<hbm>>
      %dma_start3A_177 = arith.constant 0 : i32
      %dma_start3A_178 = tpu.memref_slice %arg4[%mul3A_2, %dma_start3A_177] : memref<4096x128xi32, #tpu.memory_space<hbm>> -> memref<128x128xi32, #tpu.memory_space<hbm>>
      tpu.enqueue_dma source(%dma_start3A_178 : memref<128x128xi32, #tpu.memory_space<hbm>>) target(%arg6 : memref<128x128xi32, #tpu.memory_space<vmem>>) target_semaphore(%run_scoped3A : memref<!tpu.dma_semaphore, #tpu.memory_space<semaphore_mem>>)
      %dma_wait3A_179 = arith.constant 0 : i32
      %dma_wait3A_180 = tpu.memref_slice %arg4[%mul3A_2, %dma_wait3A_179] : memref<4096x128xi32, #tpu.memory_space<hbm>> -> memref<128x128xi32, #tpu.memory_space<hbm>>
      %dma_wait3A_181 = arith.constant 0 : i32
      %dma_wait3A_182 = tpu.memref_slice %arg4[%mul3A_2, %dma_wait3A_181] : memref<4096x128xi32, #tpu.memory_space<hbm>> -> memref<128x128xi32, #tpu.memory_space<hbm>>
      tpu.wait_dma2 semaphore(%run_scoped3A : memref<!tpu.dma_semaphore, #tpu.memory_space<semaphore_mem>>) src(%dma_wait3A_182 : memref<128x128xi32, #tpu.memory_space<hbm>>) dst(%arg6 : memref<128x128xi32, #tpu.memory_space<vmem>>)
      tpu.yield
    }) : () -> ()
    "tpu.region"() ({
      %run_scoped3A = tpu.sem_alloc : memref<!tpu.dma_semaphore, #tpu.memory_space<semaphore_mem>>
      tpu.enqueue_dma source(%arg3 : memref<64x32xf32, #tpu.memory_space<hbm>>) target(%arg7 : memref<64x32xf32, #tpu.memory_space<vmem>>) target_semaphore(%run_scoped3A : memref<!tpu.dma_semaphore, #tpu.memory_space<semaphore_mem>>)
      tpu.wait_dma2 semaphore(%run_scoped3A : memref<!tpu.dma_semaphore, #tpu.memory_space<semaphore_mem>>) src(%arg3 : memref<64x32xf32, #tpu.memory_space<hbm>>) dst(%arg7 : memref<64x32xf32, #tpu.memory_space<vmem>>)
      tpu.yield
    }) : () -> ()
    %dma_start3A = arith.constant 0 : i32
    %dma_start3A_3 = arith.constant 0 : i32
    %dma_start3A_4 = arith.constant 0 : i32
    %dma_start3A_5 = arith.constant 0 : i32
    %dma_start3A_6 = arith.constant 0 : i32
    %dma_start3A_7 = arith.constant 0 : i32
    %dma_start3A_8 = tpu.memref_slice %arg8[%dma_start3A_3, %dma_start3A_4, %dma_start3A_6, %dma_start3A_7] : memref<4x4x128x32xf32, #tpu.memory_space<vmem>> -> memref<1x1x128x32xf32, #tpu.memory_space<vmem>>
    %dma_start3A_9 = tpu.memref_squeeze %dma_start3A_8 : memref<1x1x128x32xf32, #tpu.memory_space<vmem>> -> memref<128x32xf32, #tpu.memory_space<vmem>>
    %dma_start3A_10 = arith.constant 0 : i32
    %dma_start3A_11 = tpu.memref_slice %arg6[%dma_start3A, %dma_start3A_10] : memref<128x128xi32, #tpu.memory_space<vmem>> -> memref<1x128xi32, #tpu.memory_space<vmem>>
    %dma_start3A_12 = tpu.memref_squeeze %dma_start3A_11 : memref<1x128xi32, #tpu.memory_space<vmem>> -> memref<128xi32, #tpu.memory_space<vmem>>
    %dma_start3A_13 = arith.constant 0 : i32
    %dma_start3A_14 = arith.constant 0 : i32
    %dma_start3A_15 = tpu.memref_slice %arg2[%dma_start3A_13, %dma_start3A_14] : memref<1024x32xf32, #tpu.memory_space<hbm>> -> memref<1024x32xf32, #tpu.memory_space<hbm>>
    %dma_start3A_16 = tpu.memref_slice %arg10[%dma_start3A_5] : memref<4x!tpu.dma_semaphore, #tpu.memory_space<semaphore_mem>> -> memref<1x!tpu.dma_semaphore, #tpu.memory_space<semaphore_mem>>
    %dma_start3A_17 = tpu.memref_squeeze %dma_start3A_16 : memref<1x!tpu.dma_semaphore, #tpu.memory_space<semaphore_mem>> -> memref<!tpu.dma_semaphore, #tpu.memory_space<semaphore_mem>>
    tpu.enqueue_indirect_dma source(%dma_start3A_15 : memref<1024x32xf32, #tpu.memory_space<hbm>>) target(%dma_start3A_9 : memref<128x32xf32, #tpu.memory_space<vmem>>) offsets(%dma_start3A_12 : memref<128xi32, #tpu.memory_space<vmem>>) semaphore(%dma_start3A_17 : memref<!tpu.dma_semaphore, #tpu.memory_space<semaphore_mem>>)
    %dma_start3A_18 = arith.constant 1 : i32
    %dma_start3A_19 = arith.constant 0 : i32
    %dma_start3A_20 = arith.constant 1 : i32
    %dma_start3A_21 = arith.constant 0 : i32
    %dma_start3A_22 = arith.constant 0 : i32
    %dma_start3A_23 = arith.constant 0 : i32
    %dma_start3A_24 = tpu.memref_slice %arg8[%dma_start3A_19, %dma_start3A_20, %dma_start3A_22, %dma_start3A_23] : memref<4x4x128x32xf32, #tpu.memory_space<vmem>> -> memref<1x1x128x32xf32, #tpu.memory_space<vmem>>
    %dma_start3A_25 = tpu.memref_squeeze %dma_start3A_24 : memref<1x1x128x32xf32, #tpu.memory_space<vmem>> -> memref<128x32xf32, #tpu.memory_space<vmem>>
    %dma_start3A_26 = arith.constant 0 : i32
    %dma_start3A_27 = tpu.memref_slice %arg6[%dma_start3A_18, %dma_start3A_26] : memref<128x128xi32, #tpu.memory_space<vmem>> -> memref<1x128xi32, #tpu.memory_space<vmem>>
    %dma_start3A_28 = tpu.memref_squeeze %dma_start3A_27 : memref<1x128xi32, #tpu.memory_space<vmem>> -> memref<128xi32, #tpu.memory_space<vmem>>
    %dma_start3A_29 = arith.constant 0 : i32
    %dma_start3A_30 = arith.constant 0 : i32
    %dma_start3A_31 = tpu.memref_slice %arg2[%dma_start3A_29, %dma_start3A_30] : memref<1024x32xf32, #tpu.memory_space<hbm>> -> memref<1024x32xf32, #tpu.memory_space<hbm>>
    %dma_start3A_32 = tpu.memref_slice %arg10[%dma_start3A_21] : memref<4x!tpu.dma_semaphore, #tpu.memory_space<semaphore_mem>> -> memref<1x!tpu.dma_semaphore, #tpu.memory_space<semaphore_mem>>
    %dma_start3A_33 = tpu.memref_squeeze %dma_start3A_32 : memref<1x!tpu.dma_semaphore, #tpu.memory_space<semaphore_mem>> -> memref<!tpu.dma_semaphore, #tpu.memory_space<semaphore_mem>>
    tpu.enqueue_indirect_dma source(%dma_start3A_31 : memref<1024x32xf32, #tpu.memory_space<hbm>>) target(%dma_start3A_25 : memref<128x32xf32, #tpu.memory_space<vmem>>) offsets(%dma_start3A_28 : memref<128xi32, #tpu.memory_space<vmem>>) semaphore(%dma_start3A_33 : memref<!tpu.dma_semaphore, #tpu.memory_space<semaphore_mem>>)
    %dma_start3A_34 = arith.constant 2 : i32
    %dma_start3A_35 = arith.constant 0 : i32
    %dma_start3A_36 = arith.constant 2 : i32
    %dma_start3A_37 = arith.constant 0 : i32
    %dma_start3A_38 = arith.constant 0 : i32
    %dma_start3A_39 = arith.constant 0 : i32
    %dma_start3A_40 = tpu.memref_slice %arg8[%dma_start3A_35, %dma_start3A_36, %dma_start3A_38, %dma_start3A_39] : memref<4x4x128x32xf32, #tpu.memory_space<vmem>> -> memref<1x1x128x32xf32, #tpu.memory_space<vmem>>
    %dma_start3A_41 = tpu.memref_squeeze %dma_start3A_40 : memref<1x1x128x32xf32, #tpu.memory_space<vmem>> -> memref<128x32xf32, #tpu.memory_space<vmem>>
    %dma_start3A_42 = arith.constant 0 : i32
    %dma_start3A_43 = tpu.memref_slice %arg6[%dma_start3A_34, %dma_start3A_42] : memref<128x128xi32, #tpu.memory_space<vmem>> -> memref<1x128xi32, #tpu.memory_space<vmem>>
    %dma_start3A_44 = tpu.memref_squeeze %dma_start3A_43 : memref<1x128xi32, #tpu.memory_space<vmem>> -> memref<128xi32, #tpu.memory_space<vmem>>
    %dma_start3A_45 = arith.constant 0 : i32
    %dma_start3A_46 = arith.constant 0 : i32
    %dma_start3A_47 = tpu.memref_slice %arg2[%dma_start3A_45, %dma_start3A_46] : memref<1024x32xf32, #tpu.memory_space<hbm>> -> memref<1024x32xf32, #tpu.memory_space<hbm>>
    %dma_start3A_48 = tpu.memref_slice %arg10[%dma_start3A_37] : memref<4x!tpu.dma_semaphore, #tpu.memory_space<semaphore_mem>> -> memref<1x!tpu.dma_semaphore, #tpu.memory_space<semaphore_mem>>
    %dma_start3A_49 = tpu.memref_squeeze %dma_start3A_48 : memref<1x!tpu.dma_semaphore, #tpu.memory_space<semaphore_mem>> -> memref<!tpu.dma_semaphore, #tpu.memory_space<semaphore_mem>>
    tpu.enqueue_indirect_dma source(%dma_start3A_47 : memref<1024x32xf32, #tpu.memory_space<hbm>>) target(%dma_start3A_41 : memref<128x32xf32, #tpu.memory_space<vmem>>) offsets(%dma_start3A_44 : memref<128xi32, #tpu.memory_space<vmem>>) semaphore(%dma_start3A_49 : memref<!tpu.dma_semaphore, #tpu.memory_space<semaphore_mem>>)
    %dma_start3A_50 = arith.constant 3 : i32
    %dma_start3A_51 = arith.constant 0 : i32
    %dma_start3A_52 = arith.constant 3 : i32
    %dma_start3A_53 = arith.constant 0 : i32
    %dma_start3A_54 = arith.constant 0 : i32
    %dma_start3A_55 = arith.constant 0 : i32
    %dma_start3A_56 = tpu.memref_slice %arg8[%dma_start3A_51, %dma_start3A_52, %dma_start3A_54, %dma_start3A_55] : memref<4x4x128x32xf32, #tpu.memory_space<vmem>> -> memref<1x1x128x32xf32, #tpu.memory_space<vmem>>
    %dma_start3A_57 = tpu.memref_squeeze %dma_start3A_56 : memref<1x1x128x32xf32, #tpu.memory_space<vmem>> -> memref<128x32xf32, #tpu.memory_space<vmem>>
    %dma_start3A_58 = arith.constant 0 : i32
    %dma_start3A_59 = tpu.memref_slice %arg6[%dma_start3A_50, %dma_start3A_58] : memref<128x128xi32, #tpu.memory_space<vmem>> -> memref<1x128xi32, #tpu.memory_space<vmem>>
    %dma_start3A_60 = tpu.memref_squeeze %dma_start3A_59 : memref<1x128xi32, #tpu.memory_space<vmem>> -> memref<128xi32, #tpu.memory_space<vmem>>
    %dma_start3A_61 = arith.constant 0 : i32
    %dma_start3A_62 = arith.constant 0 : i32
    %dma_start3A_63 = tpu.memref_slice %arg2[%dma_start3A_61, %dma_start3A_62] : memref<1024x32xf32, #tpu.memory_space<hbm>> -> memref<1024x32xf32, #tpu.memory_space<hbm>>
    %dma_start3A_64 = tpu.memref_slice %arg10[%dma_start3A_53] : memref<4x!tpu.dma_semaphore, #tpu.memory_space<semaphore_mem>> -> memref<1x!tpu.dma_semaphore, #tpu.memory_space<semaphore_mem>>
    %dma_start3A_65 = tpu.memref_squeeze %dma_start3A_64 : memref<1x!tpu.dma_semaphore, #tpu.memory_space<semaphore_mem>> -> memref<!tpu.dma_semaphore, #tpu.memory_space<semaphore_mem>>
    tpu.enqueue_indirect_dma source(%dma_start3A_63 : memref<1024x32xf32, #tpu.memory_space<hbm>>) target(%dma_start3A_57 : memref<128x32xf32, #tpu.memory_space<vmem>>) offsets(%dma_start3A_60 : memref<128xi32, #tpu.memory_space<vmem>>) semaphore(%dma_start3A_65 : memref<!tpu.dma_semaphore, #tpu.memory_space<semaphore_mem>>)
    %dma_start3A_66 = arith.constant 4 : i32
    %dma_start3A_67 = arith.constant 1 : i32
    %dma_start3A_68 = arith.constant 0 : i32
    %dma_start3A_69 = arith.constant 1 : i32
    %dma_start3A_70 = arith.constant 0 : i32
    %dma_start3A_71 = arith.constant 0 : i32
    %dma_start3A_72 = tpu.memref_slice %arg8[%dma_start3A_67, %dma_start3A_68, %dma_start3A_70, %dma_start3A_71] : memref<4x4x128x32xf32, #tpu.memory_space<vmem>> -> memref<1x1x128x32xf32, #tpu.memory_space<vmem>>
    %dma_start3A_73 = tpu.memref_squeeze %dma_start3A_72 : memref<1x1x128x32xf32, #tpu.memory_space<vmem>> -> memref<128x32xf32, #tpu.memory_space<vmem>>
    %dma_start3A_74 = arith.constant 0 : i32
    %dma_start3A_75 = tpu.memref_slice %arg6[%dma_start3A_66, %dma_start3A_74] : memref<128x128xi32, #tpu.memory_space<vmem>> -> memref<1x128xi32, #tpu.memory_space<vmem>>
    %dma_start3A_76 = tpu.memref_squeeze %dma_start3A_75 : memref<1x128xi32, #tpu.memory_space<vmem>> -> memref<128xi32, #tpu.memory_space<vmem>>
    %dma_start3A_77 = arith.constant 0 : i32
    %dma_start3A_78 = arith.constant 0 : i32
    %dma_start3A_79 = tpu.memref_slice %arg2[%dma_start3A_77, %dma_start3A_78] : memref<1024x32xf32, #tpu.memory_space<hbm>> -> memref<1024x32xf32, #tpu.memory_space<hbm>>
    %dma_start3A_80 = tpu.memref_slice %arg10[%dma_start3A_69] : memref<4x!tpu.dma_semaphore, #tpu.memory_space<semaphore_mem>> -> memref<1x!tpu.dma_semaphore, #tpu.memory_space<semaphore_mem>>
    %dma_start3A_81 = tpu.memref_squeeze %dma_start3A_80 : memref<1x!tpu.dma_semaphore, #tpu.memory_space<semaphore_mem>> -> memref<!tpu.dma_semaphore, #tpu.memory_space<semaphore_mem>>
    tpu.enqueue_indirect_dma source(%dma_start3A_79 : memref<1024x32xf32, #tpu.memory_space<hbm>>) target(%dma_start3A_73 : memref<128x32xf32, #tpu.memory_space<vmem>>) offsets(%dma_start3A_76 : memref<128xi32, #tpu.memory_space<vmem>>) semaphore(%dma_start3A_81 : memref<!tpu.dma_semaphore, #tpu.memory_space<semaphore_mem>>)
    %dma_start3A_82 = arith.constant 5 : i32
    %dma_start3A_83 = arith.constant 1 : i32
    %dma_start3A_84 = arith.constant 1 : i32
    %dma_start3A_85 = arith.constant 1 : i32
    %dma_start3A_86 = arith.constant 0 : i32
    %dma_start3A_87 = arith.constant 0 : i32
    %dma_start3A_88 = tpu.memref_slice %arg8[%dma_start3A_83, %dma_start3A_84, %dma_start3A_86, %dma_start3A_87] : memref<4x4x128x32xf32, #tpu.memory_space<vmem>> -> memref<1x1x128x32xf32, #tpu.memory_space<vmem>>
    %dma_start3A_89 = tpu.memref_squeeze %dma_start3A_88 : memref<1x1x128x32xf32, #tpu.memory_space<vmem>> -> memref<128x32xf32, #tpu.memory_space<vmem>>
    %dma_start3A_90 = arith.constant 0 : i32
    %dma_start3A_91 = tpu.memref_slice %arg6[%dma_start3A_82, %dma_start3A_90] : memref<128x128xi32, #tpu.memory_space<vmem>> -> memref<1x128xi32, #tpu.memory_space<vmem>>
    %dma_start3A_92 = tpu.memref_squeeze %dma_start3A_91 : memref<1x128xi32, #tpu.memory_space<vmem>> -> memref<128xi32, #tpu.memory_space<vmem>>
    %dma_start3A_93 = arith.constant 0 : i32
    %dma_start3A_94 = arith.constant 0 : i32
    %dma_start3A_95 = tpu.memref_slice %arg2[%dma_start3A_93, %dma_start3A_94] : memref<1024x32xf32, #tpu.memory_space<hbm>> -> memref<1024x32xf32, #tpu.memory_space<hbm>>
    %dma_start3A_96 = tpu.memref_slice %arg10[%dma_start3A_85] : memref<4x!tpu.dma_semaphore, #tpu.memory_space<semaphore_mem>> -> memref<1x!tpu.dma_semaphore, #tpu.memory_space<semaphore_mem>>
    %dma_start3A_97 = tpu.memref_squeeze %dma_start3A_96 : memref<1x!tpu.dma_semaphore, #tpu.memory_space<semaphore_mem>> -> memref<!tpu.dma_semaphore, #tpu.memory_space<semaphore_mem>>
    tpu.enqueue_indirect_dma source(%dma_start3A_95 : memref<1024x32xf32, #tpu.memory_space<hbm>>) target(%dma_start3A_89 : memref<128x32xf32, #tpu.memory_space<vmem>>) offsets(%dma_start3A_92 : memref<128xi32, #tpu.memory_space<vmem>>) semaphore(%dma_start3A_97 : memref<!tpu.dma_semaphore, #tpu.memory_space<semaphore_mem>>)
    %dma_start3A_98 = arith.constant 6 : i32
    %dma_start3A_99 = arith.constant 1 : i32
    %dma_start3A_100 = arith.constant 2 : i32
    %dma_start3A_101 = arith.constant 1 : i32
    %dma_start3A_102 = arith.constant 0 : i32
    %dma_start3A_103 = arith.constant 0 : i32
    %dma_start3A_104 = tpu.memref_slice %arg8[%dma_start3A_99, %dma_start3A_100, %dma_start3A_102, %dma_start3A_103] : memref<4x4x128x32xf32, #tpu.memory_space<vmem>> -> memref<1x1x128x32xf32, #tpu.memory_space<vmem>>
    %dma_start3A_105 = tpu.memref_squeeze %dma_start3A_104 : memref<1x1x128x32xf32, #tpu.memory_space<vmem>> -> memref<128x32xf32, #tpu.memory_space<vmem>>
    %dma_start3A_106 = arith.constant 0 : i32
    %dma_start3A_107 = tpu.memref_slice %arg6[%dma_start3A_98, %dma_start3A_106] : memref<128x128xi32, #tpu.memory_space<vmem>> -> memref<1x128xi32, #tpu.memory_space<vmem>>
    %dma_start3A_108 = tpu.memref_squeeze %dma_start3A_107 : memref<1x128xi32, #tpu.memory_space<vmem>> -> memref<128xi32, #tpu.memory_space<vmem>>
    %dma_start3A_109 = arith.constant 0 : i32
    %dma_start3A_110 = arith.constant 0 : i32
    %dma_start3A_111 = tpu.memref_slice %arg2[%dma_start3A_109, %dma_start3A_110] : memref<1024x32xf32, #tpu.memory_space<hbm>> -> memref<1024x32xf32, #tpu.memory_space<hbm>>
    %dma_start3A_112 = tpu.memref_slice %arg10[%dma_start3A_101] : memref<4x!tpu.dma_semaphore, #tpu.memory_space<semaphore_mem>> -> memref<1x!tpu.dma_semaphore, #tpu.memory_space<semaphore_mem>>
    %dma_start3A_113 = tpu.memref_squeeze %dma_start3A_112 : memref<1x!tpu.dma_semaphore, #tpu.memory_space<semaphore_mem>> -> memref<!tpu.dma_semaphore, #tpu.memory_space<semaphore_mem>>
    tpu.enqueue_indirect_dma source(%dma_start3A_111 : memref<1024x32xf32, #tpu.memory_space<hbm>>) target(%dma_start3A_105 : memref<128x32xf32, #tpu.memory_space<vmem>>) offsets(%dma_start3A_108 : memref<128xi32, #tpu.memory_space<vmem>>) semaphore(%dma_start3A_113 : memref<!tpu.dma_semaphore, #tpu.memory_space<semaphore_mem>>)
    %dma_start3A_114 = arith.constant 7 : i32
    %dma_start3A_115 = arith.constant 1 : i32
    %dma_start3A_116 = arith.constant 3 : i32
    %dma_start3A_117 = arith.constant 1 : i32
    %dma_start3A_118 = arith.constant 0 : i32
    %dma_start3A_119 = arith.constant 0 : i32
    %dma_start3A_120 = tpu.memref_slice %arg8[%dma_start3A_115, %dma_start3A_116, %dma_start3A_118, %dma_start3A_119] : memref<4x4x128x32xf32, #tpu.memory_space<vmem>> -> memref<1x1x128x32xf32, #tpu.memory_space<vmem>>
    %dma_start3A_121 = tpu.memref_squeeze %dma_start3A_120 : memref<1x1x128x32xf32, #tpu.memory_space<vmem>> -> memref<128x32xf32, #tpu.memory_space<vmem>>
    %dma_start3A_122 = arith.constant 0 : i32
    %dma_start3A_123 = tpu.memref_slice %arg6[%dma_start3A_114, %dma_start3A_122] : memref<128x128xi32, #tpu.memory_space<vmem>> -> memref<1x128xi32, #tpu.memory_space<vmem>>
    %dma_start3A_124 = tpu.memref_squeeze %dma_start3A_123 : memref<1x128xi32, #tpu.memory_space<vmem>> -> memref<128xi32, #tpu.memory_space<vmem>>
    %dma_start3A_125 = arith.constant 0 : i32
    %dma_start3A_126 = arith.constant 0 : i32
    %dma_start3A_127 = tpu.memref_slice %arg2[%dma_start3A_125, %dma_start3A_126] : memref<1024x32xf32, #tpu.memory_space<hbm>> -> memref<1024x32xf32, #tpu.memory_space<hbm>>
    %dma_start3A_128 = tpu.memref_slice %arg10[%dma_start3A_117] : memref<4x!tpu.dma_semaphore, #tpu.memory_space<semaphore_mem>> -> memref<1x!tpu.dma_semaphore, #tpu.memory_space<semaphore_mem>>
    %dma_start3A_129 = tpu.memref_squeeze %dma_start3A_128 : memref<1x!tpu.dma_semaphore, #tpu.memory_space<semaphore_mem>> -> memref<!tpu.dma_semaphore, #tpu.memory_space<semaphore_mem>>
    tpu.enqueue_indirect_dma source(%dma_start3A_127 : memref<1024x32xf32, #tpu.memory_space<hbm>>) target(%dma_start3A_121 : memref<128x32xf32, #tpu.memory_space<vmem>>) offsets(%dma_start3A_124 : memref<128xi32, #tpu.memory_space<vmem>>) semaphore(%dma_start3A_129 : memref<!tpu.dma_semaphore, #tpu.memory_space<semaphore_mem>>)
    %scan3A = arith.constant 0 : i32
    %scan3A_130 = arith.constant 0 : i32
    %scan3A_131 = arith.constant 8 : i32
    %scan3A_132 = arith.addi %scan3A_130, %scan3A_131 : i32
    %scan3A_133 = arith.constant 1 : i32
    %scan3A_134 = scf.for %scan3A_175 = %scan3A_130 to %scan3A_132 step %scan3A_133 iter_args(%scan3A_176 = %scan3A) -> (i32)  : i32 {
      %mul3A_177 = arith.constant 4 : i32
      %mul3A_178 = arith.muli %scan3A_175, %mul3A_177 : i32
      %add3A_179 = arith.constant 0 : i32
      %add3A_180 = arith.addi %mul3A_178, %add3A_179 : i32
      %add3A_181 = arith.constant 2 : i32
      %add3A_182 = arith.addi %add3A_180, %add3A_181 : i32
      %lt3A = arith.constant 32 : i32
      %lt3A_183 = arith.cmpi slt, %add3A_182, %lt3A : i32
      %convert_element_type3A = arith.extui %lt3A_183 : i1 to i32
      %cond3A = arith.constant 0 : i32
      %cond3A_184 = arith.cmpi ne, %convert_element_type3A, %cond3A : i32
      scf.if %cond3A_184 {
        %add3A_462 = arith.constant 2 : i32
        %add3A_463 = arith.addi %add3A_180, %add3A_462 : i32
        %mul3A_464 = arith.constant 4 : i32
        %mul3A_465 = arith.muli %add3A_463, %mul3A_464 : i32
        %add3A_466 = arith.constant 0 : i32
        %add3A_467 = arith.addi %mul3A_465, %add3A_466 : i32
        %dma_start3A_468 = arith.constant 2 : i32
        %dma_start3A_469 = arith.constant 0 : i32
        %dma_start3A_470 = arith.constant 2 : i32
        %dma_start3A_471 = arith.constant 0 : i32
        %dma_start3A_472 = arith.constant 0 : i32
        %dma_start3A_473 = tpu.memref_slice %arg8[%dma_start3A_468, %dma_start3A_469, %dma_start3A_471, %dma_start3A_472] : memref<4x4x128x32xf32, #tpu.memory_space<vmem>> -> memref<1x1x128x32xf32, #tpu.memory_space<vmem>>
        %dma_start3A_474 = tpu.memref_squeeze %dma_start3A_473 : memref<1x1x128x32xf32, #tpu.memory_space<vmem>> -> memref<128x32xf32, #tpu.memory_space<vmem>>
        %dma_start3A_475 = arith.constant 0 : i32
        %dma_start3A_476 = tpu.memref_slice %arg6[%add3A_467, %dma_start3A_475] : memref<128x128xi32, #tpu.memory_space<vmem>> -> memref<1x128xi32, #tpu.memory_space<vmem>>
        %dma_start3A_477 = tpu.memref_squeeze %dma_start3A_476 : memref<1x128xi32, #tpu.memory_space<vmem>> -> memref<128xi32, #tpu.memory_space<vmem>>
        %dma_start3A_478 = arith.constant 0 : i32
        %dma_start3A_479 = arith.constant 0 : i32
        %dma_start3A_480 = tpu.memref_slice %arg2[%dma_start3A_478, %dma_start3A_479] : memref<1024x32xf32, #tpu.memory_space<hbm>> -> memref<1024x32xf32, #tpu.memory_space<hbm>>
        %dma_start3A_481 = tpu.memref_slice %arg10[%dma_start3A_470] : memref<4x!tpu.dma_semaphore, #tpu.memory_space<semaphore_mem>> -> memref<1x!tpu.dma_semaphore, #tpu.memory_space<semaphore_mem>>
        %dma_start3A_482 = tpu.memref_squeeze %dma_start3A_481 : memref<1x!tpu.dma_semaphore, #tpu.memory_space<semaphore_mem>> -> memref<!tpu.dma_semaphore, #tpu.memory_space<semaphore_mem>>
        tpu.enqueue_indirect_dma source(%dma_start3A_480 : memref<1024x32xf32, #tpu.memory_space<hbm>>) target(%dma_start3A_474 : memref<128x32xf32, #tpu.memory_space<vmem>>) offsets(%dma_start3A_477 : memref<128xi32, #tpu.memory_space<vmem>>) semaphore(%dma_start3A_482 : memref<!tpu.dma_semaphore, #tpu.memory_space<semaphore_mem>>)
        %mul3A_483 = arith.constant 4 : i32
        %mul3A_484 = arith.muli %add3A_463, %mul3A_483 : i32
        %add3A_485 = arith.constant 1 : i32
        %add3A_486 = arith.addi %mul3A_484, %add3A_485 : i32
        %dma_start3A_487 = arith.constant 2 : i32
        %dma_start3A_488 = arith.constant 1 : i32
        %dma_start3A_489 = arith.constant 2 : i32
        %dma_start3A_490 = arith.constant 0 : i32
        %dma_start3A_491 = arith.constant 0 : i32
        %dma_start3A_492 = tpu.memref_slice %arg8[%dma_start3A_487, %dma_start3A_488, %dma_start3A_490, %dma_start3A_491] : memref<4x4x128x32xf32, #tpu.memory_space<vmem>> -> memref<1x1x128x32xf32, #tpu.memory_space<vmem>>
        %dma_start3A_493 = tpu.memref_squeeze %dma_start3A_492 : memref<1x1x128x32xf32, #tpu.memory_space<vmem>> -> memref<128x32xf32, #tpu.memory_space<vmem>>
        %dma_start3A_494 = arith.constant 0 : i32
        %dma_start3A_495 = tpu.memref_slice %arg6[%add3A_486, %dma_start3A_494] : memref<128x128xi32, #tpu.memory_space<vmem>> -> memref<1x128xi32, #tpu.memory_space<vmem>>
        %dma_start3A_496 = tpu.memref_squeeze %dma_start3A_495 : memref<1x128xi32, #tpu.memory_space<vmem>> -> memref<128xi32, #tpu.memory_space<vmem>>
        %dma_start3A_497 = arith.constant 0 : i32
        %dma_start3A_498 = arith.constant 0 : i32
        %dma_start3A_499 = tpu.memref_slice %arg2[%dma_start3A_497, %dma_start3A_498] : memref<1024x32xf32, #tpu.memory_space<hbm>> -> memref<1024x32xf32, #tpu.memory_space<hbm>>
        %dma_start3A_500 = tpu.memref_slice %arg10[%dma_start3A_489] : memref<4x!tpu.dma_semaphore, #tpu.memory_space<semaphore_mem>> -> memref<1x!tpu.dma_semaphore, #tpu.memory_space<semaphore_mem>>
        %dma_start3A_501 = tpu.memref_squeeze %dma_start3A_500 : memref<1x!tpu.dma_semaphore, #tpu.memory_space<semaphore_mem>> -> memref<!tpu.dma_semaphore, #tpu.memory_space<semaphore_mem>>
        tpu.enqueue_indirect_dma source(%dma_start3A_499 : memref<1024x32xf32, #tpu.memory_space<hbm>>) target(%dma_start3A_493 : memref<128x32xf32, #tpu.memory_space<vmem>>) offsets(%dma_start3A_496 : memref<128xi32, #tpu.memory_space<vmem>>) semaphore(%dma_start3A_501 : memref<!tpu.dma_semaphore, #tpu.memory_space<semaphore_mem>>)
        %mul3A_502 = arith.constant 4 : i32
        %mul3A_503 = arith.muli %add3A_463, %mul3A_502 : i32
        %add3A_504 = arith.constant 2 : i32
        %add3A_505 = arith.addi %mul3A_503, %add3A_504 : i32
        %dma_start3A_506 = arith.constant 2 : i32
        %dma_start3A_507 = arith.constant 2 : i32
        %dma_start3A_508 = arith.constant 2 : i32
        %dma_start3A_509 = arith.constant 0 : i32
        %dma_start3A_510 = arith.constant 0 : i32
        %dma_start3A_511 = tpu.memref_slice %arg8[%dma_start3A_506, %dma_start3A_507, %dma_start3A_509, %dma_start3A_510] : memref<4x4x128x32xf32, #tpu.memory_space<vmem>> -> memref<1x1x128x32xf32, #tpu.memory_space<vmem>>
        %dma_start3A_512 = tpu.memref_squeeze %dma_start3A_511 : memref<1x1x128x32xf32, #tpu.memory_space<vmem>> -> memref<128x32xf32, #tpu.memory_space<vmem>>
        %dma_start3A_513 = arith.constant 0 : i32
        %dma_start3A_514 = tpu.memref_slice %arg6[%add3A_505, %dma_start3A_513] : memref<128x128xi32, #tpu.memory_space<vmem>> -> memref<1x128xi32, #tpu.memory_space<vmem>>
        %dma_start3A_515 = tpu.memref_squeeze %dma_start3A_514 : memref<1x128xi32, #tpu.memory_space<vmem>> -> memref<128xi32, #tpu.memory_space<vmem>>
        %dma_start3A_516 = arith.constant 0 : i32
        %dma_start3A_517 = arith.constant 0 : i32
        %dma_start3A_518 = tpu.memref_slice %arg2[%dma_start3A_516, %dma_start3A_517] : memref<1024x32xf32, #tpu.memory_space<hbm>> -> memref<1024x32xf32, #tpu.memory_space<hbm>>
        %dma_start3A_519 = tpu.memref_slice %arg10[%dma_start3A_508] : memref<4x!tpu.dma_semaphore, #tpu.memory_space<semaphore_mem>> -> memref<1x!tpu.dma_semaphore, #tpu.memory_space<semaphore_mem>>
        %dma_start3A_520 = tpu.memref_squeeze %dma_start3A_519 : memref<1x!tpu.dma_semaphore, #tpu.memory_space<semaphore_mem>> -> memref<!tpu.dma_semaphore, #tpu.memory_space<semaphore_mem>>
        tpu.enqueue_indirect_dma source(%dma_start3A_518 : memref<1024x32xf32, #tpu.memory_space<hbm>>) target(%dma_start3A_512 : memref<128x32xf32, #tpu.memory_space<vmem>>) offsets(%dma_start3A_515 : memref<128xi32, #tpu.memory_space<vmem>>) semaphore(%dma_start3A_520 : memref<!tpu.dma_semaphore, #tpu.memory_space<semaphore_mem>>)
        %mul3A_521 = arith.constant 4 : i32
        %mul3A_522 = arith.muli %add3A_463, %mul3A_521 : i32
        %add3A_523 = arith.constant 3 : i32
        %add3A_524 = arith.addi %mul3A_522, %add3A_523 : i32
        %dma_start3A_525 = arith.constant 2 : i32
        %dma_start3A_526 = arith.constant 3 : i32
        %dma_start3A_527 = arith.constant 2 : i32
        %dma_start3A_528 = arith.constant 0 : i32
        %dma_start3A_529 = arith.constant 0 : i32
        %dma_start3A_530 = tpu.memref_slice %arg8[%dma_start3A_525, %dma_start3A_526, %dma_start3A_528, %dma_start3A_529] : memref<4x4x128x32xf32, #tpu.memory_space<vmem>> -> memref<1x1x128x32xf32, #tpu.memory_space<vmem>>
        %dma_start3A_531 = tpu.memref_squeeze %dma_start3A_530 : memref<1x1x128x32xf32, #tpu.memory_space<vmem>> -> memref<128x32xf32, #tpu.memory_space<vmem>>
        %dma_start3A_532 = arith.constant 0 : i32
        %dma_start3A_533 = tpu.memref_slice %arg6[%add3A_524, %dma_start3A_532] : memref<128x128xi32, #tpu.memory_space<vmem>> -> memref<1x128xi32, #tpu.memory_space<vmem>>
        %dma_start3A_534 = tpu.memref_squeeze %dma_start3A_533 : memref<1x128xi32, #tpu.memory_space<vmem>> -> memref<128xi32, #tpu.memory_space<vmem>>
        %dma_start3A_535 = arith.constant 0 : i32
        %dma_start3A_536 = arith.constant 0 : i32
        %dma_start3A_537 = tpu.memref_slice %arg2[%dma_start3A_535, %dma_start3A_536] : memref<1024x32xf32, #tpu.memory_space<hbm>> -> memref<1024x32xf32, #tpu.memory_space<hbm>>
        %dma_start3A_538 = tpu.memref_slice %arg10[%dma_start3A_527] : memref<4x!tpu.dma_semaphore, #tpu.memory_space<semaphore_mem>> -> memref<1x!tpu.dma_semaphore, #tpu.memory_space<semaphore_mem>>
        %dma_start3A_539 = tpu.memref_squeeze %dma_start3A_538 : memref<1x!tpu.dma_semaphore, #tpu.memory_space<semaphore_mem>> -> memref<!tpu.dma_semaphore, #tpu.memory_space<semaphore_mem>>
        tpu.enqueue_indirect_dma source(%dma_start3A_537 : memref<1024x32xf32, #tpu.memory_space<hbm>>) target(%dma_start3A_531 : memref<128x32xf32, #tpu.memory_space<vmem>>) offsets(%dma_start3A_534 : memref<128xi32, #tpu.memory_space<vmem>>) semaphore(%dma_start3A_539 : memref<!tpu.dma_semaphore, #tpu.memory_space<semaphore_mem>>)
      } else {
      }
      %dma_wait3A_185 = arith.constant 0 : i32
      %dma_wait3A_186 = arith.constant 0 : i32
      %dma_wait3A_187 = arith.constant 0 : i32
      %dma_wait3A_188 = arith.constant 0 : i32
      %dma_wait3A_189 = arith.constant 0 : i32
      %dma_wait3A_190 = tpu.memref_slice %arg8[%dma_wait3A_185, %dma_wait3A_187, %dma_wait3A_188, %dma_wait3A_189] : memref<4x4x128x32xf32, #tpu.memory_space<vmem>> -> memref<1x4x128x32xf32, #tpu.memory_space<vmem>>
      %dma_wait3A_191 = tpu.memref_squeeze %dma_wait3A_190 : memref<1x4x128x32xf32, #tpu.memory_space<vmem>> -> memref<4x128x32xf32, #tpu.memory_space<vmem>>
      %dma_wait3A_192 = arith.constant 0 : i32
      %dma_wait3A_193 = arith.constant 0 : i32
      %dma_wait3A_194 = tpu.memref_slice %arg5[%mul3A_2, %dma_wait3A_192, %dma_wait3A_193] : memref<4096x32x128xf32, #tpu.memory_space<hbm>> -> memref<4x32x128xf32, #tpu.memory_space<hbm>>
      %dma_wait3A_195 = tpu.memref_slice %arg10[%dma_wait3A_186] : memref<4x!tpu.dma_semaphore, #tpu.memory_space<semaphore_mem>> -> memref<1x!tpu.dma_semaphore, #tpu.memory_space<semaphore_mem>>
      %dma_wait3A_196 = tpu.memref_squeeze %dma_wait3A_195 : memref<1x!tpu.dma_semaphore, #tpu.memory_space<semaphore_mem>> -> memref<!tpu.dma_semaphore, #tpu.memory_space<semaphore_mem>>
      %dma_wait3A_197 = arith.constant 0 : i32
      %dma_wait3A_198 = arith.constant 0 : i32
      %dma_wait3A_199 = arith.constant 0 : i32
      %dma_wait3A_200 = tpu.memref_slice %arg8[%dma_wait3A_185, %dma_wait3A_197, %dma_wait3A_198, %dma_wait3A_199] : memref<4x4x128x32xf32, #tpu.memory_space<vmem>> -> memref<1x4x128x32xf32, #tpu.memory_space<vmem>>
      %dma_wait3A_201 = tpu.memref_squeeze %dma_wait3A_200 : memref<1x4x128x32xf32, #tpu.memory_space<vmem>> -> memref<4x128x32xf32, #tpu.memory_space<vmem>>
      %dma_wait3A_202 = arith.constant 0 : i32
      %dma_wait3A_203 = arith.constant 0 : i32
      %dma_wait3A_204 = tpu.memref_slice %arg5[%mul3A_2, %dma_wait3A_202, %dma_wait3A_203] : memref<4096x32x128xf32, #tpu.memory_space<hbm>> -> memref<4x32x128xf32, #tpu.memory_space<hbm>>
      tpu.wait_dma2 semaphore(%dma_wait3A_196 : memref<!tpu.dma_semaphore, #tpu.memory_space<semaphore_mem>>) src(%dma_wait3A_204 : memref<4x32x128xf32, #tpu.memory_space<hbm>>) dst(%dma_wait3A_201 : memref<4x128x32xf32, #tpu.memory_space<vmem>>)
      %ge3A = arith.constant 1 : i32
      %ge3A_205 = arith.cmpi sge, %scan3A_175, %ge3A : i32
      %convert_element_type3A_206 = arith.extui %ge3A_205 : i1 to i32
      %cond3A_207 = arith.constant 0 : i32
      %cond3A_208 = arith.cmpi ne, %convert_element_type3A_206, %cond3A_207 : i32
      scf.if %cond3A_208 {
        %dma_wait3A_462 = arith.constant 0 : i32
        %dma_wait3A_463 = arith.constant 0 : i32
        %dma_wait3A_464 = arith.constant 0 : i32
        %dma_wait3A_465 = arith.constant 0 : i32
        %dma_wait3A_466 = arith.constant 0 : i32
        %dma_wait3A_467 = tpu.memref_slice %arg9[%dma_wait3A_462, %dma_wait3A_464, %dma_wait3A_465, %dma_wait3A_466] : memref<2x4x32x129xf32, #tpu.memory_space<vmem>> -> memref<1x4x32x128xf32, #tpu.memory_space<vmem>>
        %dma_wait3A_468 = tpu.memref_squeeze %dma_wait3A_467 : memref<1x4x32x128xf32, #tpu.memory_space<vmem>> -> memref<4x32x128xf32, #tpu.memory_space<vmem>>
        %dma_wait3A_469 = arith.constant 0 : i32
        %dma_wait3A_470 = arith.constant 0 : i32
        %dma_wait3A_471 = tpu.memref_slice %arg5[%mul3A_2, %dma_wait3A_469, %dma_wait3A_470] : memref<4096x32x128xf32, #tpu.memory_space<hbm>> -> memref<4x32x128xf32, #tpu.memory_space<hbm>>
        %dma_wait3A_472 = tpu.memref_slice %arg11[%dma_wait3A_463] : memref<2x!tpu.dma_semaphore, #tpu.memory_space<semaphore_mem>> -> memref<1x!tpu.dma_semaphore, #tpu.memory_space<semaphore_mem>>
        %dma_wait3A_473 = tpu.memref_squeeze %dma_wait3A_472 : memref<1x!tpu.dma_semaphore, #tpu.memory_space<semaphore_mem>> -> memref<!tpu.dma_semaphore, #tpu.memory_space<semaphore_mem>>
        %dma_wait3A_474 = arith.constant 0 : i32
        %dma_wait3A_475 = arith.constant 0 : i32
        %dma_wait3A_476 = tpu.memref_slice %arg5[%mul3A_2, %dma_wait3A_474, %dma_wait3A_475] : memref<4096x32x128xf32, #tpu.memory_space<hbm>> -> memref<4x32x128xf32, #tpu.memory_space<hbm>>
        %dma_wait3A_477 = arith.constant 0 : i32
        %dma_wait3A_478 = arith.constant 0 : i32
        %dma_wait3A_479 = arith.constant 0 : i32
        %dma_wait3A_480 = tpu.memref_slice %arg9[%dma_wait3A_462, %dma_wait3A_477, %dma_wait3A_478, %dma_wait3A_479] : memref<2x4x32x129xf32, #tpu.memory_space<vmem>> -> memref<1x4x32x128xf32, #tpu.memory_space<vmem>>
        %dma_wait3A_481 = tpu.memref_squeeze %dma_wait3A_480 : memref<1x4x32x128xf32, #tpu.memory_space<vmem>> -> memref<4x32x128xf32, #tpu.memory_space<vmem>>
        tpu.wait_dma2 semaphore(%dma_wait3A_473 : memref<!tpu.dma_semaphore, #tpu.memory_space<semaphore_mem>>) src(%dma_wait3A_481 : memref<4x32x128xf32, #tpu.memory_space<vmem>>) dst(%dma_wait3A_476 : memref<4x32x128xf32, #tpu.memory_space<hbm>>)
      } else {
      }
      %iota3A = tpu.iota {dimensions = array<i32: 0>} : vector<16xi32>
      %parallel_loop3A = arith.constant 0 : i32
      %parallel_loop3A_209 = arith.constant 128 : i32
      %parallel_loop3A_210 = arith.constant 1 : i32
      %parallel_loop3A_211 = arith.constant 0 : i32
      %parallel_loop3A_212 = arith.constant 0 : i32
      scf.for %parallel_loop3A_462 = %parallel_loop3A to %parallel_loop3A_209 step %parallel_loop3A_210  : i32 {
        %parallel_loop3A_463 = arith.constant 0 : i32
        %parallel_loop3A_464 = vector.broadcast %parallel_loop3A_463 : i32 to vector<16xi32>
        %parallel_loop3A_465 = vector.broadcast %parallel_loop3A_462 : i32 to vector<16xi32>
        %parallel_loop3A_466 = arith.addi %parallel_loop3A_464, %parallel_loop3A_465 : vector<16xi32>
        %parallel_loop3A_467 = arith.constant 63 : i32
        %parallel_loop3A_468 = arith.minsi %parallel_loop3A_462, %parallel_loop3A_467 : i32
        %parallel_loop3A_469 = arith.constant 0 : i32
        %parallel_loop3A_470 = vector.broadcast %parallel_loop3A_469 : i32 to vector<16xi32>
        %parallel_loop3A_471 = arith.addi %iota3A, %parallel_loop3A_470 : vector<16xi32>
        %parallel_loop3A_472 = arith.index_cast %parallel_loop3A_468 : i32 to index
        %parallel_loop3A_473 = arith.constant 0 : index
        %parallel_loop3A_474 = tpu.vector_load %arg7[%parallel_loop3A_472, %parallel_loop3A_473] {strides = array<i32>} : memref<64x32xf32, #tpu.memory_space<vmem>>, vector<16xf32>,
        %parallel_loop3A_475 = arith.constant 0 : i32
        %parallel_loop3A_476 = arith.constant 0 : i32
        %parallel_loop3A_477 = arith.constant 0 : i32
        %parallel_loop3A_478 = arith.constant 0 : i32
        %parallel_loop3A_479 = tpu.memref_slice %arg8[%parallel_loop3A_211, %parallel_loop3A_476, %parallel_loop3A_477, %parallel_loop3A_478] : memref<4x4x128x32xf32, #tpu.memory_space<vmem>> -> memref<1x4x128x32xf32, #tpu.memory_space<vmem>>
        %parallel_loop3A_480 = tpu.memref_squeeze %parallel_loop3A_479 : memref<1x4x128x32xf32, #tpu.memory_space<vmem>> -> memref<4x128x32xf32, #tpu.memory_space<vmem>>
        %parallel_loop3A_481 = arith.index_cast %parallel_loop3A_475 : i32 to index
        %parallel_loop3A_482 = arith.index_cast %parallel_loop3A_462 : i32 to index
        %parallel_loop3A_483 = arith.constant 0 : index
        %parallel_loop3A_484 = tpu.vector_load %parallel_loop3A_480[%parallel_loop3A_481, %parallel_loop3A_482, %parallel_loop3A_483] {strides = array<i32>} : memref<4x128x32xf32, #tpu.memory_space<vmem>>, vector<16xf32>,
        %parallel_loop3A_485 = arith.addf %parallel_loop3A_484, %parallel_loop3A_474 : vector<16xf32>
        %parallel_loop3A_486 = arith.constant 0 : i32
        %parallel_loop3A_487 = arith.constant 0 : i32
        %parallel_loop3A_488 = arith.constant 0 : i32
        %parallel_loop3A_489 = arith.constant 0 : i32
        %parallel_loop3A_490 = tpu.memref_slice %arg9[%parallel_loop3A_212, %parallel_loop3A_487, %parallel_loop3A_488, %parallel_loop3A_489] : memref<2x4x32x129xf32, #tpu.memory_space<vmem>> -> memref<1x4x32x129xf32, #tpu.memory_space<vmem>>
        %parallel_loop3A_491 = tpu.memref_squeeze %parallel_loop3A_490 : memref<1x4x32x129xf32, #tpu.memory_space<vmem>> -> memref<4x32x129xf32, #tpu.memory_space<vmem>>
        %parallel_loop3A_492 = arith.constant 0 : i32
        %parallel_loop3A_493 = arith.constant 0 : i32
        %parallel_loop3A_494 = tpu.memref_slice %parallel_loop3A_491[%parallel_loop3A_486, %parallel_loop3A_492, %parallel_loop3A_493] : memref<4x32x129xf32, #tpu.memory_space<vmem>> -> memref<1x32x129xf32, #tpu.memory_space<vmem>>
        %parallel_loop3A_495 = tpu.memref_squeeze %parallel_loop3A_494 : memref<1x32x129xf32, #tpu.memory_space<vmem>> -> memref<32x129xf32, #tpu.memory_space<vmem>>
        tpu.vector_store_idx %parallel_loop3A_495[%parallel_loop3A_471, %parallel_loop3A_466], %parallel_loop3A_485 : memref<32x129xf32, #tpu.memory_space<vmem>>[vector<16xi32>, vector<16xi32>], vector<16xf32>,
        %parallel_loop3A_496 = arith.constant 1 : i32
        %parallel_loop3A_497 = arith.constant 0 : i32
        %parallel_loop3A_498 = arith.constant 0 : i32
        %parallel_loop3A_499 = arith.constant 0 : i32
        %parallel_loop3A_500 = tpu.memref_slice %arg8[%parallel_loop3A_211, %parallel_loop3A_497, %parallel_loop3A_498, %parallel_loop3A_499] : memref<4x4x128x32xf32, #tpu.memory_space<vmem>> -> memref<1x4x128x32xf32, #tpu.memory_space<vmem>>
        %parallel_loop3A_501 = tpu.memref_squeeze %parallel_loop3A_500 : memref<1x4x128x32xf32, #tpu.memory_space<vmem>> -> memref<4x128x32xf32, #tpu.memory_space<vmem>>
        %parallel_loop3A_502 = arith.index_cast %parallel_loop3A_496 : i32 to index
        %parallel_loop3A_503 = arith.index_cast %parallel_loop3A_462 : i32 to index
        %parallel_loop3A_504 = arith.constant 0 : index
        %parallel_loop3A_505 = tpu.vector_load %parallel_loop3A_501[%parallel_loop3A_502, %parallel_loop3A_503, %parallel_loop3A_504] {strides = array<i32>} : memref<4x128x32xf32, #tpu.memory_space<vmem>>, vector<16xf32>,
        %parallel_loop3A_506 = arith.addf %parallel_loop3A_505, %parallel_loop3A_474 : vector<16xf32>
        %parallel_loop3A_507 = arith.constant 1 : i32
        %parallel_loop3A_508 = arith.constant 0 : i32
        %parallel_loop3A_509 = arith.constant 0 : i32
        %parallel_loop3A_510 = arith.constant 0 : i32
        %parallel_loop3A_511 = tpu.memref_slice %arg9[%parallel_loop3A_212, %parallel_loop3A_508, %parallel_loop3A_509, %parallel_loop3A_510] : memref<2x4x32x129xf32, #tpu.memory_space<vmem>> -> memref<1x4x32x129xf32, #tpu.memory_space<vmem>>
        %parallel_loop3A_512 = tpu.memref_squeeze %parallel_loop3A_511 : memref<1x4x32x129xf32, #tpu.memory_space<vmem>> -> memref<4x32x129xf32, #tpu.memory_space<vmem>>
        %parallel_loop3A_513 = arith.constant 0 : i32
        %parallel_loop3A_514 = arith.constant 0 : i32
        %parallel_loop3A_515 = tpu.memref_slice %parallel_loop3A_512[%parallel_loop3A_507, %parallel_loop3A_513, %parallel_loop3A_514] : memref<4x32x129xf32, #tpu.memory_space<vmem>> -> memref<1x32x129xf32, #tpu.memory_space<vmem>>
        %parallel_loop3A_516 = tpu.memref_squeeze %parallel_loop3A_515 : memref<1x32x129xf32, #tpu.memory_space<vmem>> -> memref<32x129xf32, #tpu.memory_space<vmem>>
        tpu.vector_store_idx %parallel_loop3A_516[%parallel_loop3A_471, %parallel_loop3A_466], %parallel_loop3A_506 : memref<32x129xf32, #tpu.memory_space<vmem>>[vector<16xi32>, vector<16xi32>], vector<16xf32>,
        %parallel_loop3A_517 = arith.constant 2 : i32
        %parallel_loop3A_518 = arith.constant 0 : i32
        %parallel_loop3A_519 = arith.constant 0 : i32
        %parallel_loop3A_520 = arith.constant 0 : i32
        %parallel_loop3A_521 = tpu.memref_slice %arg8[%parallel_loop3A_211, %parallel_loop3A_518, %parallel_loop3A_519, %parallel_loop3A_520] : memref<4x4x128x32xf32, #tpu.memory_space<vmem>> -> memref<1x4x128x32xf32, #tpu.memory_space<vmem>>
        %parallel_loop3A_522 = tpu.memref_squeeze %parallel_loop3A_521 : memref<1x4x128x32xf32, #tpu.memory_space<vmem>> -> memref<4x128x32xf32, #tpu.memory_space<vmem>>
        %parallel_loop3A_523 = arith.index_cast %parallel_loop3A_517 : i32 to index
        %parallel_loop3A_524 = arith.index_cast %parallel_loop3A_462 : i32 to index
        %parallel_loop3A_525 = arith.constant 0 : index
        %parallel_loop3A_526 = tpu.vector_load %parallel_loop3A_522[%parallel_loop3A_523, %parallel_loop3A_524, %parallel_loop3A_525] {strides = array<i32>} : memref<4x128x32xf32, #tpu.memory_space<vmem>>, vector<16xf32>,
        %parallel_loop3A_527 = arith.addf %parallel_loop3A_526, %parallel_loop3A_474 : vector<16xf32>
        %parallel_loop3A_528 = arith.constant 2 : i32
        %parallel_loop3A_529 = arith.constant 0 : i32
        %parallel_loop3A_530 = arith.constant 0 : i32
        %parallel_loop3A_531 = arith.constant 0 : i32
        %parallel_loop3A_532 = tpu.memref_slice %arg9[%parallel_loop3A_212, %parallel_loop3A_529, %parallel_loop3A_530, %parallel_loop3A_531] : memref<2x4x32x129xf32, #tpu.memory_space<vmem>> -> memref<1x4x32x129xf32, #tpu.memory_space<vmem>>
        %parallel_loop3A_533 = tpu.memref_squeeze %parallel_loop3A_532 : memref<1x4x32x129xf32, #tpu.memory_space<vmem>> -> memref<4x32x129xf32, #tpu.memory_space<vmem>>
        %parallel_loop3A_534 = arith.constant 0 : i32
        %parallel_loop3A_535 = arith.constant 0 : i32
        %parallel_loop3A_536 = tpu.memref_slice %parallel_loop3A_533[%parallel_loop3A_528, %parallel_loop3A_534, %parallel_loop3A_535] : memref<4x32x129xf32, #tpu.memory_space<vmem>> -> memref<1x32x129xf32, #tpu.memory_space<vmem>>
        %parallel_loop3A_537 = tpu.memref_squeeze %parallel_loop3A_536 : memref<1x32x129xf32, #tpu.memory_space<vmem>> -> memref<32x129xf32, #tpu.memory_space<vmem>>
        tpu.vector_store_idx %parallel_loop3A_537[%parallel_loop3A_471, %parallel_loop3A_466], %parallel_loop3A_527 : memref<32x129xf32, #tpu.memory_space<vmem>>[vector<16xi32>, vector<16xi32>], vector<16xf32>,
        %parallel_loop3A_538 = arith.constant 3 : i32
        %parallel_loop3A_539 = arith.constant 0 : i32
        %parallel_loop3A_540 = arith.constant 0 : i32
        %parallel_loop3A_541 = arith.constant 0 : i32
        %parallel_loop3A_542 = tpu.memref_slice %arg8[%parallel_loop3A_211, %parallel_loop3A_539, %parallel_loop3A_540, %parallel_loop3A_541] : memref<4x4x128x32xf32, #tpu.memory_space<vmem>> -> memref<1x4x128x32xf32, #tpu.memory_space<vmem>>
        %parallel_loop3A_543 = tpu.memref_squeeze %parallel_loop3A_542 : memref<1x4x128x32xf32, #tpu.memory_space<vmem>> -> memref<4x128x32xf32, #tpu.memory_space<vmem>>
        %parallel_loop3A_544 = arith.index_cast %parallel_loop3A_538 : i32 to index
        %parallel_loop3A_545 = arith.index_cast %parallel_loop3A_462 : i32 to index
        %parallel_loop3A_546 = arith.constant 0 : index
        %parallel_loop3A_547 = tpu.vector_load %parallel_loop3A_543[%parallel_loop3A_544, %parallel_loop3A_545, %parallel_loop3A_546] {strides = array<i32>} : memref<4x128x32xf32, #tpu.memory_space<vmem>>, vector<16xf32>,
        %parallel_loop3A_548 = arith.addf %parallel_loop3A_547, %parallel_loop3A_474 : vector<16xf32>
        %parallel_loop3A_549 = arith.constant 3 : i32
        %parallel_loop3A_550 = arith.constant 0 : i32
        %parallel_loop3A_551 = arith.constant 0 : i32
        %parallel_loop3A_552 = arith.constant 0 : i32
        %parallel_loop3A_553 = tpu.memref_slice %arg9[%parallel_loop3A_212, %parallel_loop3A_550, %parallel_loop3A_551, %parallel_loop3A_552] : memref<2x4x32x129xf32, #tpu.memory_space<vmem>> -> memref<1x4x32x129xf32, #tpu.memory_space<vmem>>
        %parallel_loop3A_554 = tpu.memref_squeeze %parallel_loop3A_553 : memref<1x4x32x129xf32, #tpu.memory_space<vmem>> -> memref<4x32x129xf32, #tpu.memory_space<vmem>>
        %parallel_loop3A_555 = arith.constant 0 : i32
        %parallel_loop3A_556 = arith.constant 0 : i32
        %parallel_loop3A_557 = tpu.memref_slice %parallel_loop3A_554[%parallel_loop3A_549, %parallel_loop3A_555, %parallel_loop3A_556] : memref<4x32x129xf32, #tpu.memory_space<vmem>> -> memref<1x32x129xf32, #tpu.memory_space<vmem>>
        %parallel_loop3A_558 = tpu.memref_squeeze %parallel_loop3A_557 : memref<1x32x129xf32, #tpu.memory_space<vmem>> -> memref<32x129xf32, #tpu.memory_space<vmem>>
        tpu.vector_store_idx %parallel_loop3A_558[%parallel_loop3A_471, %parallel_loop3A_466], %parallel_loop3A_548 : memref<32x129xf32, #tpu.memory_space<vmem>>[vector<16xi32>, vector<16xi32>], vector<16xf32>,
        %parallel_loop3A_559 = arith.constant 16 : i32
        %parallel_loop3A_560 = vector.broadcast %parallel_loop3A_559 : i32 to vector<16xi32>
        %parallel_loop3A_561 = arith.addi %iota3A, %parallel_loop3A_560 : vector<16xi32>
        %parallel_loop3A_562 = arith.index_cast %parallel_loop3A_468 : i32 to index
        %parallel_loop3A_563 = arith.constant 16 : index
        %parallel_loop3A_564 = tpu.vector_load %arg7[%parallel_loop3A_562, %parallel_loop3A_563] {strides = array<i32>} : memref<64x32xf32, #tpu.memory_space<vmem>>, vector<16xf32>,
        %parallel_loop3A_565 = arith.constant 0 : i32
        %parallel_loop3A_566 = arith.constant 0 : i32
        %parallel_loop3A_567 = arith.constant 0 : i32
        %parallel_loop3A_568 = arith.constant 0 : i32
        %parallel_loop3A_569 = tpu.memref_slice %arg8[%parallel_loop3A_211, %parallel_loop3A_566, %parallel_loop3A_567, %parallel_loop3A_568] : memref<4x4x128x32xf32, #tpu.memory_space<vmem>> -> memref<1x4x128x32xf32, #tpu.memory_space<vmem>>
        %parallel_loop3A_570 = tpu.memref_squeeze %parallel_loop3A_569 : memref<1x4x128x32xf32, #tpu.memory_space<vmem>> -> memref<4x128x32xf32, #tpu.memory_space<vmem>>
        %parallel_loop3A_571 = arith.index_cast %parallel_loop3A_565 : i32 to index
        %parallel_loop3A_572 = arith.index_cast %parallel_loop3A_462 : i32 to index
        %parallel_loop3A_573 = arith.constant 16 : index
        %parallel_loop3A_574 = tpu.vector_load %parallel_loop3A_570[%parallel_loop3A_571, %parallel_loop3A_572, %parallel_loop3A_573] {strides = array<i32>} : memref<4x128x32xf32, #tpu.memory_space<vmem>>, vector<16xf32>,
        %parallel_loop3A_575 = arith.addf %parallel_loop3A_574, %parallel_loop3A_564 : vector<16xf32>
        %parallel_loop3A_576 = arith.constant 0 : i32
        %parallel_loop3A_577 = arith.constant 0 : i32
        %parallel_loop3A_578 = arith.constant 0 : i32
        %parallel_loop3A_579 = arith.constant 0 : i32
        %parallel_loop3A_580 = tpu.memref_slice %arg9[%parallel_loop3A_212, %parallel_loop3A_577, %parallel_loop3A_578, %parallel_loop3A_579] : memref<2x4x32x129xf32, #tpu.memory_space<vmem>> -> memref<1x4x32x129xf32, #tpu.memory_space<vmem>>
        %parallel_loop3A_581 = tpu.memref_squeeze %parallel_loop3A_580 : memref<1x4x32x129xf32, #tpu.memory_space<vmem>> -> memref<4x32x129xf32, #tpu.memory_space<vmem>>
        %parallel_loop3A_582 = arith.constant 0 : i32
        %parallel_loop3A_583 = arith.constant 0 : i32
        %parallel_loop3A_584 = tpu.memref_slice %parallel_loop3A_581[%parallel_loop3A_576, %parallel_loop3A_582, %parallel_loop3A_583] : memref<4x32x129xf32, #tpu.memory_space<vmem>> -> memref<1x32x129xf32, #tpu.memory_space<vmem>>
        %parallel_loop3A_585 = tpu.memref_squeeze %parallel_loop3A_584 : memref<1x32x129xf32, #tpu.memory_space<vmem>> -> memref<32x129xf32, #tpu.memory_space<vmem>>
        tpu.vector_store_idx %parallel_loop3A_585[%parallel_loop3A_561, %parallel_loop3A_466], %parallel_loop3A_575 : memref<32x129xf32, #tpu.memory_space<vmem>>[vector<16xi32>, vector<16xi32>], vector<16xf32>,
        %parallel_loop3A_586 = arith.constant 1 : i32
        %parallel_loop3A_587 = arith.constant 0 : i32
        %parallel_loop3A_588 = arith.constant 0 : i32
        %parallel_loop3A_589 = arith.constant 0 : i32
        %parallel_loop3A_590 = tpu.memref_slice %arg8[%parallel_loop3A_211, %parallel_loop3A_587, %parallel_loop3A_588, %parallel_loop3A_589] : memref<4x4x128x32xf32, #tpu.memory_space<vmem>> -> memref<1x4x128x32xf32, #tpu.memory_space<vmem>>
        %parallel_loop3A_591 = tpu.memref_squeeze %parallel_loop3A_590 : memref<1x4x128x32xf32, #tpu.memory_space<vmem>> -> memref<4x128x32xf32, #tpu.memory_space<vmem>>
        %parallel_loop3A_592 = arith.index_cast %parallel_loop3A_586 : i32 to index
        %parallel_loop3A_593 = arith.index_cast %parallel_loop3A_462 : i32 to index
        %parallel_loop3A_594 = arith.constant 16 : index
        %parallel_loop3A_595 = tpu.vector_load %parallel_loop3A_591[%parallel_loop3A_592, %parallel_loop3A_593, %parallel_loop3A_594] {strides = array<i32>} : memref<4x128x32xf32, #tpu.memory_space<vmem>>, vector<16xf32>,
        %parallel_loop3A_596 = arith.addf %parallel_loop3A_595, %parallel_loop3A_564 : vector<16xf32>
        %parallel_loop3A_597 = arith.constant 1 : i32
        %parallel_loop3A_598 = arith.constant 0 : i32
        %parallel_loop3A_599 = arith.constant 0 : i32
        %parallel_loop3A_600 = arith.constant 0 : i32
        %parallel_loop3A_601 = tpu.memref_slice %arg9[%parallel_loop3A_212, %parallel_loop3A_598, %parallel_loop3A_599, %parallel_loop3A_600] : memref<2x4x32x129xf32, #tpu.memory_space<vmem>> -> memref<1x4x32x129xf32, #tpu.memory_space<vmem>>
        %parallel_loop3A_602 = tpu.memref_squeeze %parallel_loop3A_601 : memref<1x4x32x129xf32, #tpu.memory_space<vmem>> -> memref<4x32x129xf32, #tpu.memory_space<vmem>>
        %parallel_loop3A_603 = arith.constant 0 : i32
        %parallel_loop3A_604 = arith.constant 0 : i32
        %parallel_loop3A_605 = tpu.memref_slice %parallel_loop3A_602[%parallel_loop3A_597, %parallel_loop3A_603, %parallel_loop3A_604] : memref<4x32x129xf32, #tpu.memory_space<vmem>> -> memref<1x32x129xf32, #tpu.memory_space<vmem>>
        %parallel_loop3A_606 = tpu.memref_squeeze %parallel_loop3A_605 : memref<1x32x129xf32, #tpu.memory_space<vmem>> -> memref<32x129xf32, #tpu.memory_space<vmem>>
        tpu.vector_store_idx %parallel_loop3A_606[%parallel_loop3A_561, %parallel_loop3A_466], %parallel_loop3A_596 : memref<32x129xf32, #tpu.memory_space<vmem>>[vector<16xi32>, vector<16xi32>], vector<16xf32>,
        %parallel_loop3A_607 = arith.constant 2 : i32
        %parallel_loop3A_608 = arith.constant 0 : i32
        %parallel_loop3A_609 = arith.constant 0 : i32
        %parallel_loop3A_610 = arith.constant 0 : i32
        %parallel_loop3A_611 = tpu.memref_slice %arg8[%parallel_loop3A_211, %parallel_loop3A_608, %parallel_loop3A_609, %parallel_loop3A_610] : memref<4x4x128x32xf32, #tpu.memory_space<vmem>> -> memref<1x4x128x32xf32, #tpu.memory_space<vmem>>
        %parallel_loop3A_612 = tpu.memref_squeeze %parallel_loop3A_611 : memref<1x4x128x32xf32, #tpu.memory_space<vmem>> -> memref<4x128x32xf32, #tpu.memory_space<vmem>>
        %parallel_loop3A_613 = arith.index_cast %parallel_loop3A_607 : i32 to index
        %parallel_loop3A_614 = arith.index_cast %parallel_loop3A_462 : i32 to index
        %parallel_loop3A_615 = arith.constant 16 : index
        %parallel_loop3A_616 = tpu.vector_load %parallel_loop3A_612[%parallel_loop3A_613, %parallel_loop3A_614, %parallel_loop3A_615] {strides = array<i32>} : memref<4x128x32xf32, #tpu.memory_space<vmem>>, vector<16xf32>,
        %parallel_loop3A_617 = arith.addf %parallel_loop3A_616, %parallel_loop3A_564 : vector<16xf32>
        %parallel_loop3A_618 = arith.constant 2 : i32
        %parallel_loop3A_619 = arith.constant 0 : i32
        %parallel_loop3A_620 = arith.constant 0 : i32
        %parallel_loop3A_621 = arith.constant 0 : i32
        %parallel_loop3A_622 = tpu.memref_slice %arg9[%parallel_loop3A_212, %parallel_loop3A_619, %parallel_loop3A_620, %parallel_loop3A_621] : memref<2x4x32x129xf32, #tpu.memory_space<vmem>> -> memref<1x4x32x129xf32, #tpu.memory_space<vmem>>
        %parallel_loop3A_623 = tpu.memref_squeeze %parallel_loop3A_622 : memref<1x4x32x129xf32, #tpu.memory_space<vmem>> -> memref<4x32x129xf32, #tpu.memory_space<vmem>>
        %parallel_loop3A_624 = arith.constant 0 : i32
        %parallel_loop3A_625 = arith.constant 0 : i32
        %parallel_loop3A_626 = tpu.memref_slice %parallel_loop3A_623[%parallel_loop3A_618, %parallel_loop3A_624, %parallel_loop3A_625] : memref<4x32x129xf32, #tpu.memory_space<vmem>> -> memref<1x32x129xf32, #tpu.memory_space<vmem>>
        %parallel_loop3A_627 = tpu.memref_squeeze %parallel_loop3A_626 : memref<1x32x129xf32, #tpu.memory_space<vmem>> -> memref<32x129xf32, #tpu.memory_space<vmem>>
        tpu.vector_store_idx %parallel_loop3A_627[%parallel_loop3A_561, %parallel_loop3A_466], %parallel_loop3A_617 : memref<32x129xf32, #tpu.memory_space<vmem>>[vector<16xi32>, vector<16xi32>], vector<16xf32>,
        %parallel_loop3A_628 = arith.constant 3 : i32
        %parallel_loop3A_629 = arith.constant 0 : i32
        %parallel_loop3A_630 = arith.constant 0 : i32
        %parallel_loop3A_631 = arith.constant 0 : i32
        %parallel_loop3A_632 = tpu.memref_slice %arg8[%parallel_loop3A_211, %parallel_loop3A_629, %parallel_loop3A_630, %parallel_loop3A_631] : memref<4x4x128x32xf32, #tpu.memory_space<vmem>> -> memref<1x4x128x32xf32, #tpu.memory_space<vmem>>
        %parallel_loop3A_633 = tpu.memref_squeeze %parallel_loop3A_632 : memref<1x4x128x32xf32, #tpu.memory_space<vmem>> -> memref<4x128x32xf32, #tpu.memory_space<vmem>>
        %parallel_loop3A_634 = arith.index_cast %parallel_loop3A_628 : i32 to index
        %parallel_loop3A_635 = arith.index_cast %parallel_loop3A_462 : i32 to index
        %parallel_loop3A_636 = arith.constant 16 : index
        %parallel_loop3A_637 = tpu.vector_load %parallel_loop3A_633[%parallel_loop3A_634, %parallel_loop3A_635, %parallel_loop3A_636] {strides = array<i32>} : memref<4x128x32xf32, #tpu.memory_space<vmem>>, vector<16xf32>,
        %parallel_loop3A_638 = arith.addf %parallel_loop3A_637, %parallel_loop3A_564 : vector<16xf32>
        %parallel_loop3A_639 = arith.constant 3 : i32
        %parallel_loop3A_640 = arith.constant 0 : i32
        %parallel_loop3A_641 = arith.constant 0 : i32
        %parallel_loop3A_642 = arith.constant 0 : i32
        %parallel_loop3A_643 = tpu.memref_slice %arg9[%parallel_loop3A_212, %parallel_loop3A_640, %parallel_loop3A_641, %parallel_loop3A_642] : memref<2x4x32x129xf32, #tpu.memory_space<vmem>> -> memref<1x4x32x129xf32, #tpu.memory_space<vmem>>
        %parallel_loop3A_644 = tpu.memref_squeeze %parallel_loop3A_643 : memref<1x4x32x129xf32, #tpu.memory_space<vmem>> -> memref<4x32x129xf32, #tpu.memory_space<vmem>>
        %parallel_loop3A_645 = arith.constant 0 : i32
        %parallel_loop3A_646 = arith.constant 0 : i32
        %parallel_loop3A_647 = tpu.memref_slice %parallel_loop3A_644[%parallel_loop3A_639, %parallel_loop3A_645, %parallel_loop3A_646] : memref<4x32x129xf32, #tpu.memory_space<vmem>> -> memref<1x32x129xf32, #tpu.memory_space<vmem>>
        %parallel_loop3A_648 = tpu.memref_squeeze %parallel_loop3A_647 : memref<1x32x129xf32, #tpu.memory_space<vmem>> -> memref<32x129xf32, #tpu.memory_space<vmem>>
        tpu.vector_store_idx %parallel_loop3A_648[%parallel_loop3A_561, %parallel_loop3A_466], %parallel_loop3A_638 : memref<32x129xf32, #tpu.memory_space<vmem>>[vector<16xi32>, vector<16xi32>], vector<16xf32>,
      } {sc.loop_unroll_factor = 1 : i64, sc.parallel_access}
      %mul3A_213 = arith.constant 4 : i32
      %mul3A_214 = arith.muli %add3A_180, %mul3A_213 : i32
      %add3A_215 = arith.addi %mul3A_2, %mul3A_214 : i32
      %dma_start3A_216 = arith.constant 0 : i32
      %dma_start3A_217 = arith.constant 0 : i32
      %dma_start3A_218 = arith.constant 0 : i32
      %dma_start3A_219 = arith.constant 0 : i32
      %dma_start3A_220 = arith.constant 0 : i32
      %dma_start3A_221 = tpu.memref_slice %arg9[%dma_start3A_216, %dma_start3A_218, %dma_start3A_219, %dma_start3A_220] : memref<2x4x32x129xf32, #tpu.memory_space<vmem>> -> memref<1x4x32x128xf32, #tpu.memory_space<vmem>>
      %dma_start3A_222 = tpu.memref_squeeze %dma_start3A_221 : memref<1x4x32x128xf32, #tpu.memory_space<vmem>> -> memref<4x32x128xf32, #tpu.memory_space<vmem>>
      %dma_start3A_223 = arith.constant 0 : i32
      %dma_start3A_224 = arith.constant 0 : i32
      %dma_start3A_225 = tpu.memref_slice %arg5[%add3A_215, %dma_start3A_223, %dma_start3A_224] : memref<4096x32x128xf32, #tpu.memory_space<hbm>> -> memref<4x32x128xf32, #tpu.memory_space<hbm>>
      %dma_start3A_226 = tpu.memref_slice %arg11[%dma_start3A_217] : memref<2x!tpu.dma_semaphore, #tpu.memory_space<semaphore_mem>> -> memref<1x!tpu.dma_semaphore, #tpu.memory_space<semaphore_mem>>
      %dma_start3A_227 = tpu.memref_squeeze %dma_start3A_226 : memref<1x!tpu.dma_semaphore, #tpu.memory_space<semaphore_mem>> -> memref<!tpu.dma_semaphore, #tpu.memory_space<semaphore_mem>>
      %dma_start3A_228 = arith.constant 0 : i32
      %dma_start3A_229 = arith.constant 0 : i32
      %dma_start3A_230 = tpu.memref_slice %arg5[%add3A_215, %dma_start3A_228, %dma_start3A_229] : memref<4096x32x128xf32, #tpu.memory_space<hbm>> -> memref<4x32x128xf32, #tpu.memory_space<hbm>>
      %dma_start3A_231 = arith.constant 0 : i32
      %dma_start3A_232 = arith.constant 0 : i32
      %dma_start3A_233 = arith.constant 0 : i32
      %dma_start3A_234 = tpu.memref_slice %arg9[%dma_start3A_216, %dma_start3A_231, %dma_start3A_232, %dma_start3A_233] : memref<2x4x32x129xf32, #tpu.memory_space<vmem>> -> memref<1x4x32x128xf32, #tpu.memory_space<vmem>>
      %dma_start3A_235 = tpu.memref_squeeze %dma_start3A_234 : memref<1x4x32x128xf32, #tpu.memory_space<vmem>> -> memref<4x32x128xf32, #tpu.memory_space<vmem>>
      tpu.enqueue_dma source(%dma_start3A_235 : memref<4x32x128xf32, #tpu.memory_space<vmem>>) target(%dma_start3A_230 : memref<4x32x128xf32, #tpu.memory_space<hbm>>) target_semaphore(%dma_start3A_227 : memref<!tpu.dma_semaphore, #tpu.memory_space<semaphore_mem>>)
      %mul3A_236 = arith.constant 4 : i32
      %mul3A_237 = arith.muli %scan3A_175, %mul3A_236 : i32
      %add3A_238 = arith.constant 1 : i32
      %add3A_239 = arith.addi %mul3A_237, %add3A_238 : i32
      %add3A_240 = arith.constant 2 : i32
      %add3A_241 = arith.addi %add3A_239, %add3A_240 : i32
      %lt3A_242 = arith.constant 32 : i32
      %lt3A_243 = arith.cmpi slt, %add3A_241, %lt3A_242 : i32
      %convert_element_type3A_244 = arith.extui %lt3A_243 : i1 to i32
      %cond3A_245 = arith.constant 0 : i32
      %cond3A_246 = arith.cmpi ne, %convert_element_type3A_244, %cond3A_245 : i32
      scf.if %cond3A_246 {
        %add3A_462 = arith.constant 2 : i32
        %add3A_463 = arith.addi %add3A_239, %add3A_462 : i32
        %mul3A_464 = arith.constant 4 : i32
        %mul3A_465 = arith.muli %add3A_463, %mul3A_464 : i32
        %add3A_466 = arith.constant 0 : i32
        %add3A_467 = arith.addi %mul3A_465, %add3A_466 : i32
        %dma_start3A_468 = arith.constant 3 : i32
        %dma_start3A_469 = arith.constant 0 : i32
        %dma_start3A_470 = arith.constant 3 : i32
        %dma_start3A_471 = arith.constant 0 : i32
        %dma_start3A_472 = arith.constant 0 : i32
        %dma_start3A_473 = tpu.memref_slice %arg8[%dma_start3A_468, %dma_start3A_469, %dma_start3A_471, %dma_start3A_472] : memref<4x4x128x32xf32, #tpu.memory_space<vmem>> -> memref<1x1x128x32xf32, #tpu.memory_space<vmem>>
        %dma_start3A_474 = tpu.memref_squeeze %dma_start3A_473 : memref<1x1x128x32xf32, #tpu.memory_space<vmem>> -> memref<128x32xf32, #tpu.memory_space<vmem>>
        %dma_start3A_475 = arith.constant 0 : i32
        %dma_start3A_476 = tpu.memref_slice %arg6[%add3A_467, %dma_start3A_475] : memref<128x128xi32, #tpu.memory_space<vmem>> -> memref<1x128xi32, #tpu.memory_space<vmem>>
        %dma_start3A_477 = tpu.memref_squeeze %dma_start3A_476 : memref<1x128xi32, #tpu.memory_space<vmem>> -> memref<128xi32, #tpu.memory_space<vmem>>
        %dma_start3A_478 = arith.constant 0 : i32
        %dma_start3A_479 = arith.constant 0 : i32
        %dma_start3A_480 = tpu.memref_slice %arg2[%dma_start3A_478, %dma_start3A_479] : memref<1024x32xf32, #tpu.memory_space<hbm>> -> memref<1024x32xf32, #tpu.memory_space<hbm>>
        %dma_start3A_481 = tpu.memref_slice %arg10[%dma_start3A_470] : memref<4x!tpu.dma_semaphore, #tpu.memory_space<semaphore_mem>> -> memref<1x!tpu.dma_semaphore, #tpu.memory_space<semaphore_mem>>
        %dma_start3A_482 = tpu.memref_squeeze %dma_start3A_481 : memref<1x!tpu.dma_semaphore, #tpu.memory_space<semaphore_mem>> -> memref<!tpu.dma_semaphore, #tpu.memory_space<semaphore_mem>>
        tpu.enqueue_indirect_dma source(%dma_start3A_480 : memref<1024x32xf32, #tpu.memory_space<hbm>>) target(%dma_start3A_474 : memref<128x32xf32, #tpu.memory_space<vmem>>) offsets(%dma_start3A_477 : memref<128xi32, #tpu.memory_space<vmem>>) semaphore(%dma_start3A_482 : memref<!tpu.dma_semaphore, #tpu.memory_space<semaphore_mem>>)
        %mul3A_483 = arith.constant 4 : i32
        %mul3A_484 = arith.muli %add3A_463, %mul3A_483 : i32
        %add3A_485 = arith.constant 1 : i32
        %add3A_486 = arith.addi %mul3A_484, %add3A_485 : i32
        %dma_start3A_487 = arith.constant 3 : i32
        %dma_start3A_488 = arith.constant 1 : i32
        %dma_start3A_489 = arith.constant 3 : i32
        %dma_start3A_490 = arith.constant 0 : i32
        %dma_start3A_491 = arith.constant 0 : i32
        %dma_start3A_492 = tpu.memref_slice %arg8[%dma_start3A_487, %dma_start3A_488, %dma_start3A_490, %dma_start3A_491] : memref<4x4x128x32xf32, #tpu.memory_space<vmem>> -> memref<1x1x128x32xf32, #tpu.memory_space<vmem>>
        %dma_start3A_493 = tpu.memref_squeeze %dma_start3A_492 : memref<1x1x128x32xf32, #tpu.memory_space<vmem>> -> memref<128x32xf32, #tpu.memory_space<vmem>>
        %dma_start3A_494 = arith.constant 0 : i32
        %dma_start3A_495 = tpu.memref_slice %arg6[%add3A_486, %dma_start3A_494] : memref<128x128xi32, #tpu.memory_space<vmem>> -> memref<1x128xi32, #tpu.memory_space<vmem>>
        %dma_start3A_496 = tpu.memref_squeeze %dma_start3A_495 : memref<1x128xi32, #tpu.memory_space<vmem>> -> memref<128xi32, #tpu.memory_space<vmem>>
        %dma_start3A_497 = arith.constant 0 : i32
        %dma_start3A_498 = arith.constant 0 : i32
        %dma_start3A_499 = tpu.memref_slice %arg2[%dma_start3A_497, %dma_start3A_498] : memref<1024x32xf32, #tpu.memory_space<hbm>> -> memref<1024x32xf32, #tpu.memory_space<hbm>>
        %dma_start3A_500 = tpu.memref_slice %arg10[%dma_start3A_489] : memref<4x!tpu.dma_semaphore, #tpu.memory_space<semaphore_mem>> -> memref<1x!tpu.dma_semaphore, #tpu.memory_space<semaphore_mem>>
        %dma_start3A_501 = tpu.memref_squeeze %dma_start3A_500 : memref<1x!tpu.dma_semaphore, #tpu.memory_space<semaphore_mem>> -> memref<!tpu.dma_semaphore, #tpu.memory_space<semaphore_mem>>
        tpu.enqueue_indirect_dma source(%dma_start3A_499 : memref<1024x32xf32, #tpu.memory_space<hbm>>) target(%dma_start3A_493 : memref<128x32xf32, #tpu.memory_space<vmem>>) offsets(%dma_start3A_496 : memref<128xi32, #tpu.memory_space<vmem>>) semaphore(%dma_start3A_501 : memref<!tpu.dma_semaphore, #tpu.memory_space<semaphore_mem>>)
        %mul3A_502 = arith.constant 4 : i32
        %mul3A_503 = arith.muli %add3A_463, %mul3A_502 : i32
        %add3A_504 = arith.constant 2 : i32
        %add3A_505 = arith.addi %mul3A_503, %add3A_504 : i32
        %dma_start3A_506 = arith.constant 3 : i32
        %dma_start3A_507 = arith.constant 2 : i32
        %dma_start3A_508 = arith.constant 3 : i32
        %dma_start3A_509 = arith.constant 0 : i32
        %dma_start3A_510 = arith.constant 0 : i32
        %dma_start3A_511 = tpu.memref_slice %arg8[%dma_start3A_506, %dma_start3A_507, %dma_start3A_509, %dma_start3A_510] : memref<4x4x128x32xf32, #tpu.memory_space<vmem>> -> memref<1x1x128x32xf32, #tpu.memory_space<vmem>>
        %dma_start3A_512 = tpu.memref_squeeze %dma_start3A_511 : memref<1x1x128x32xf32, #tpu.memory_space<vmem>> -> memref<128x32xf32, #tpu.memory_space<vmem>>
        %dma_start3A_513 = arith.constant 0 : i32
        %dma_start3A_514 = tpu.memref_slice %arg6[%add3A_505, %dma_start3A_513] : memref<128x128xi32, #tpu.memory_space<vmem>> -> memref<1x128xi32, #tpu.memory_space<vmem>>
        %dma_start3A_515 = tpu.memref_squeeze %dma_start3A_514 : memref<1x128xi32, #tpu.memory_space<vmem>> -> memref<128xi32, #tpu.memory_space<vmem>>
        %dma_start3A_516 = arith.constant 0 : i32
        %dma_start3A_517 = arith.constant 0 : i32
        %dma_start3A_518 = tpu.memref_slice %arg2[%dma_start3A_516, %dma_start3A_517] : memref<1024x32xf32, #tpu.memory_space<hbm>> -> memref<1024x32xf32, #tpu.memory_space<hbm>>
        %dma_start3A_519 = tpu.memref_slice %arg10[%dma_start3A_508] : memref<4x!tpu.dma_semaphore, #tpu.memory_space<semaphore_mem>> -> memref<1x!tpu.dma_semaphore, #tpu.memory_space<semaphore_mem>>
        %dma_start3A_520 = tpu.memref_squeeze %dma_start3A_519 : memref<1x!tpu.dma_semaphore, #tpu.memory_space<semaphore_mem>> -> memref<!tpu.dma_semaphore, #tpu.memory_space<semaphore_mem>>
        tpu.enqueue_indirect_dma source(%dma_start3A_518 : memref<1024x32xf32, #tpu.memory_space<hbm>>) target(%dma_start3A_512 : memref<128x32xf32, #tpu.memory_space<vmem>>) offsets(%dma_start3A_515 : memref<128xi32, #tpu.memory_space<vmem>>) semaphore(%dma_start3A_520 : memref<!tpu.dma_semaphore, #tpu.memory_space<semaphore_mem>>)
        %mul3A_521 = arith.constant 4 : i32
        %mul3A_522 = arith.muli %add3A_463, %mul3A_521 : i32
        %add3A_523 = arith.constant 3 : i32
        %add3A_524 = arith.addi %mul3A_522, %add3A_523 : i32
        %dma_start3A_525 = arith.constant 3 : i32
        %dma_start3A_526 = arith.constant 3 : i32
        %dma_start3A_527 = arith.constant 3 : i32
        %dma_start3A_528 = arith.constant 0 : i32
        %dma_start3A_529 = arith.constant 0 : i32
        %dma_start3A_530 = tpu.memref_slice %arg8[%dma_start3A_525, %dma_start3A_526, %dma_start3A_528, %dma_start3A_529] : memref<4x4x128x32xf32, #tpu.memory_space<vmem>> -> memref<1x1x128x32xf32, #tpu.memory_space<vmem>>
        %dma_start3A_531 = tpu.memref_squeeze %dma_start3A_530 : memref<1x1x128x32xf32, #tpu.memory_space<vmem>> -> memref<128x32xf32, #tpu.memory_space<vmem>>
        %dma_start3A_532 = arith.constant 0 : i32
        %dma_start3A_533 = tpu.memref_slice %arg6[%add3A_524, %dma_start3A_532] : memref<128x128xi32, #tpu.memory_space<vmem>> -> memref<1x128xi32, #tpu.memory_space<vmem>>
        %dma_start3A_534 = tpu.memref_squeeze %dma_start3A_533 : memref<1x128xi32, #tpu.memory_space<vmem>> -> memref<128xi32, #tpu.memory_space<vmem>>
        %dma_start3A_535 = arith.constant 0 : i32
        %dma_start3A_536 = arith.constant 0 : i32
        %dma_start3A_537 = tpu.memref_slice %arg2[%dma_start3A_535, %dma_start3A_536] : memref<1024x32xf32, #tpu.memory_space<hbm>> -> memref<1024x32xf32, #tpu.memory_space<hbm>>
        %dma_start3A_538 = tpu.memref_slice %arg10[%dma_start3A_527] : memref<4x!tpu.dma_semaphore, #tpu.memory_space<semaphore_mem>> -> memref<1x!tpu.dma_semaphore, #tpu.memory_space<semaphore_mem>>
        %dma_start3A_539 = tpu.memref_squeeze %dma_start3A_538 : memref<1x!tpu.dma_semaphore, #tpu.memory_space<semaphore_mem>> -> memref<!tpu.dma_semaphore, #tpu.memory_space<semaphore_mem>>
        tpu.enqueue_indirect_dma source(%dma_start3A_537 : memref<1024x32xf32, #tpu.memory_space<hbm>>) target(%dma_start3A_531 : memref<128x32xf32, #tpu.memory_space<vmem>>) offsets(%dma_start3A_534 : memref<128xi32, #tpu.memory_space<vmem>>) semaphore(%dma_start3A_539 : memref<!tpu.dma_semaphore, #tpu.memory_space<semaphore_mem>>)
      } else {
      }
      %dma_wait3A_247 = arith.constant 1 : i32
      %dma_wait3A_248 = arith.constant 1 : i32
      %dma_wait3A_249 = arith.constant 0 : i32
      %dma_wait3A_250 = arith.constant 0 : i32
      %dma_wait3A_251 = arith.constant 0 : i32
      %dma_wait3A_252 = tpu.memref_slice %arg8[%dma_wait3A_247, %dma_wait3A_249, %dma_wait3A_250, %dma_wait3A_251] : memref<4x4x128x32xf32, #tpu.memory_space<vmem>> -> memref<1x4x128x32xf32, #tpu.memory_space<vmem>>
      %dma_wait3A_253 = tpu.memref_squeeze %dma_wait3A_252 : memref<1x4x128x32xf32, #tpu.memory_space<vmem>> -> memref<4x128x32xf32, #tpu.memory_space<vmem>>
      %dma_wait3A_254 = arith.constant 0 : i32
      %dma_wait3A_255 = arith.constant 0 : i32
      %dma_wait3A_256 = tpu.memref_slice %arg5[%mul3A_2, %dma_wait3A_254, %dma_wait3A_255] : memref<4096x32x128xf32, #tpu.memory_space<hbm>> -> memref<4x32x128xf32, #tpu.memory_space<hbm>>
      %dma_wait3A_257 = tpu.memref_slice %arg10[%dma_wait3A_248] : memref<4x!tpu.dma_semaphore, #tpu.memory_space<semaphore_mem>> -> memref<1x!tpu.dma_semaphore, #tpu.memory_space<semaphore_mem>>
      %dma_wait3A_258 = tpu.memref_squeeze %dma_wait3A_257 : memref<1x!tpu.dma_semaphore, #tpu.memory_space<semaphore_mem>> -> memref<!tpu.dma_semaphore, #tpu.memory_space<semaphore_mem>>
      %dma_wait3A_259 = arith.constant 0 : i32
      %dma_wait3A_260 = arith.constant 0 : i32
      %dma_wait3A_261 = arith.constant 0 : i32
      %dma_wait3A_262 = tpu.memref_slice %arg8[%dma_wait3A_247, %dma_wait3A_259, %dma_wait3A_260, %dma_wait3A_261] : memref<4x4x128x32xf32, #tpu.memory_space<vmem>> -> memref<1x4x128x32xf32, #tpu.memory_space<vmem>>
      %dma_wait3A_263 = tpu.memref_squeeze %dma_wait3A_262 : memref<1x4x128x32xf32, #tpu.memory_space<vmem>> -> memref<4x128x32xf32, #tpu.memory_space<vmem>>
      %dma_wait3A_264 = arith.constant 0 : i32
      %dma_wait3A_265 = arith.constant 0 : i32
      %dma_wait3A_266 = tpu.memref_slice %arg5[%mul3A_2, %dma_wait3A_264, %dma_wait3A_265] : memref<4096x32x128xf32, #tpu.memory_space<hbm>> -> memref<4x32x128xf32, #tpu.memory_space<hbm>>
      tpu.wait_dma2 semaphore(%dma_wait3A_258 : memref<!tpu.dma_semaphore, #tpu.memory_space<semaphore_mem>>) src(%dma_wait3A_266 : memref<4x32x128xf32, #tpu.memory_space<hbm>>) dst(%dma_wait3A_263 : memref<4x128x32xf32, #tpu.memory_space<vmem>>)
      %ge3A_267 = arith.constant 1 : i32
      %ge3A_268 = arith.cmpi sge, %scan3A_175, %ge3A_267 : i32
      %convert_element_type3A_269 = arith.extui %ge3A_268 : i1 to i32
      %cond3A_270 = arith.constant 0 : i32
      %cond3A_271 = arith.cmpi ne, %convert_element_type3A_269, %cond3A_270 : i32
      scf.if %cond3A_271 {
        %dma_wait3A_462 = arith.constant 1 : i32
        %dma_wait3A_463 = arith.constant 1 : i32
        %dma_wait3A_464 = arith.constant 0 : i32
        %dma_wait3A_465 = arith.constant 0 : i32
        %dma_wait3A_466 = arith.constant 0 : i32
        %dma_wait3A_467 = tpu.memref_slice %arg9[%dma_wait3A_462, %dma_wait3A_464, %dma_wait3A_465, %dma_wait3A_466] : memref<2x4x32x129xf32, #tpu.memory_space<vmem>> -> memref<1x4x32x128xf32, #tpu.memory_space<vmem>>
        %dma_wait3A_468 = tpu.memref_squeeze %dma_wait3A_467 : memref<1x4x32x128xf32, #tpu.memory_space<vmem>> -> memref<4x32x128xf32, #tpu.memory_space<vmem>>
        %dma_wait3A_469 = arith.constant 0 : i32
        %dma_wait3A_470 = arith.constant 0 : i32
        %dma_wait3A_471 = tpu.memref_slice %arg5[%mul3A_2, %dma_wait3A_469, %dma_wait3A_470] : memref<4096x32x128xf32, #tpu.memory_space<hbm>> -> memref<4x32x128xf32, #tpu.memory_space<hbm>>
        %dma_wait3A_472 = tpu.memref_slice %arg11[%dma_wait3A_463] : memref<2x!tpu.dma_semaphore, #tpu.memory_space<semaphore_mem>> -> memref<1x!tpu.dma_semaphore, #tpu.memory_space<semaphore_mem>>
        %dma_wait3A_473 = tpu.memref_squeeze %dma_wait3A_472 : memref<1x!tpu.dma_semaphore, #tpu.memory_space<semaphore_mem>> -> memref<!tpu.dma_semaphore, #tpu.memory_space<semaphore_mem>>
        %dma_wait3A_474 = arith.constant 0 : i32
        %dma_wait3A_475 = arith.constant 0 : i32
        %dma_wait3A_476 = tpu.memref_slice %arg5[%mul3A_2, %dma_wait3A_474, %dma_wait3A_475] : memref<4096x32x128xf32, #tpu.memory_space<hbm>> -> memref<4x32x128xf32, #tpu.memory_space<hbm>>
        %dma_wait3A_477 = arith.constant 0 : i32
        %dma_wait3A_478 = arith.constant 0 : i32
        %dma_wait3A_479 = arith.constant 0 : i32
        %dma_wait3A_480 = tpu.memref_slice %arg9[%dma_wait3A_462, %dma_wait3A_477, %dma_wait3A_478, %dma_wait3A_479] : memref<2x4x32x129xf32, #tpu.memory_space<vmem>> -> memref<1x4x32x128xf32, #tpu.memory_space<vmem>>
        %dma_wait3A_481 = tpu.memref_squeeze %dma_wait3A_480 : memref<1x4x32x128xf32, #tpu.memory_space<vmem>> -> memref<4x32x128xf32, #tpu.memory_space<vmem>>
        tpu.wait_dma2 semaphore(%dma_wait3A_473 : memref<!tpu.dma_semaphore, #tpu.memory_space<semaphore_mem>>) src(%dma_wait3A_481 : memref<4x32x128xf32, #tpu.memory_space<vmem>>) dst(%dma_wait3A_476 : memref<4x32x128xf32, #tpu.memory_space<hbm>>)
      } else {
      }
      %iota3A_272 = tpu.iota {dimensions = array<i32: 0>} : vector<16xi32>
      %parallel_loop3A_273 = arith.constant 0 : i32
      %parallel_loop3A_274 = arith.constant 128 : i32
      %parallel_loop3A_275 = arith.constant 1 : i32
      %parallel_loop3A_276 = arith.constant 1 : i32
      %parallel_loop3A_277 = arith.constant 1 : i32
      scf.for %parallel_loop3A_462 = %parallel_loop3A_273 to %parallel_loop3A_274 step %parallel_loop3A_275  : i32 {
        %parallel_loop3A_463 = arith.constant 0 : i32
        %parallel_loop3A_464 = vector.broadcast %parallel_loop3A_463 : i32 to vector<16xi32>
        %parallel_loop3A_465 = vector.broadcast %parallel_loop3A_462 : i32 to vector<16xi32>
        %parallel_loop3A_466 = arith.addi %parallel_loop3A_464, %parallel_loop3A_465 : vector<16xi32>
        %parallel_loop3A_467 = arith.constant 63 : i32
        %parallel_loop3A_468 = arith.minsi %parallel_loop3A_462, %parallel_loop3A_467 : i32
        %parallel_loop3A_469 = arith.constant 0 : i32
        %parallel_loop3A_470 = vector.broadcast %parallel_loop3A_469 : i32 to vector<16xi32>
        %parallel_loop3A_471 = arith.addi %iota3A_272, %parallel_loop3A_470 : vector<16xi32>
        %parallel_loop3A_472 = arith.index_cast %parallel_loop3A_468 : i32 to index
        %parallel_loop3A_473 = arith.constant 0 : index
        %parallel_loop3A_474 = tpu.vector_load %arg7[%parallel_loop3A_472, %parallel_loop3A_473] {strides = array<i32>} : memref<64x32xf32, #tpu.memory_space<vmem>>, vector<16xf32>,
        %parallel_loop3A_475 = arith.constant 0 : i32
        %parallel_loop3A_476 = arith.constant 0 : i32
        %parallel_loop3A_477 = arith.constant 0 : i32
        %parallel_loop3A_478 = arith.constant 0 : i32
        %parallel_loop3A_479 = tpu.memref_slice %arg8[%parallel_loop3A_276, %parallel_loop3A_476, %parallel_loop3A_477, %parallel_loop3A_478] : memref<4x4x128x32xf32, #tpu.memory_space<vmem>> -> memref<1x4x128x32xf32, #tpu.memory_space<vmem>>
        %parallel_loop3A_480 = tpu.memref_squeeze %parallel_loop3A_479 : memref<1x4x128x32xf32, #tpu.memory_space<vmem>> -> memref<4x128x32xf32, #tpu.memory_space<vmem>>
        %parallel_loop3A_481 = arith.index_cast %parallel_loop3A_475 : i32 to index
        %parallel_loop3A_482 = arith.index_cast %parallel_loop3A_462 : i32 to index
        %parallel_loop3A_483 = arith.constant 0 : index
        %parallel_loop3A_484 = tpu.vector_load %parallel_loop3A_480[%parallel_loop3A_481, %parallel_loop3A_482, %parallel_loop3A_483] {strides = array<i32>} : memref<4x128x32xf32, #tpu.memory_space<vmem>>, vector<16xf32>,
        %parallel_loop3A_485 = arith.addf %parallel_loop3A_484, %parallel_loop3A_474 : vector<16xf32>
        %parallel_loop3A_486 = arith.constant 0 : i32
        %parallel_loop3A_487 = arith.constant 0 : i32
        %parallel_loop3A_488 = arith.constant 0 : i32
        %parallel_loop3A_489 = arith.constant 0 : i32
        %parallel_loop3A_490 = tpu.memref_slice %arg9[%parallel_loop3A_277, %parallel_loop3A_487, %parallel_loop3A_488, %parallel_loop3A_489] : memref<2x4x32x129xf32, #tpu.memory_space<vmem>> -> memref<1x4x32x129xf32, #tpu.memory_space<vmem>>
        %parallel_loop3A_491 = tpu.memref_squeeze %parallel_loop3A_490 : memref<1x4x32x129xf32, #tpu.memory_space<vmem>> -> memref<4x32x129xf32, #tpu.memory_space<vmem>>
        %parallel_loop3A_492 = arith.constant 0 : i32
        %parallel_loop3A_493 = arith.constant 0 : i32
        %parallel_loop3A_494 = tpu.memref_slice %parallel_loop3A_491[%parallel_loop3A_486, %parallel_loop3A_492, %parallel_loop3A_493] : memref<4x32x129xf32, #tpu.memory_space<vmem>> -> memref<1x32x129xf32, #tpu.memory_space<vmem>>
        %parallel_loop3A_495 = tpu.memref_squeeze %parallel_loop3A_494 : memref<1x32x129xf32, #tpu.memory_space<vmem>> -> memref<32x129xf32, #tpu.memory_space<vmem>>
        tpu.vector_store_idx %parallel_loop3A_495[%parallel_loop3A_471, %parallel_loop3A_466], %parallel_loop3A_485 : memref<32x129xf32, #tpu.memory_space<vmem>>[vector<16xi32>, vector<16xi32>], vector<16xf32>,
        %parallel_loop3A_496 = arith.constant 1 : i32
        %parallel_loop3A_497 = arith.constant 0 : i32
        %parallel_loop3A_498 = arith.constant 0 : i32
        %parallel_loop3A_499 = arith.constant 0 : i32
        %parallel_loop3A_500 = tpu.memref_slice %arg8[%parallel_loop3A_276, %parallel_loop3A_497, %parallel_loop3A_498, %parallel_loop3A_499] : memref<4x4x128x32xf32, #tpu.memory_space<vmem>> -> memref<1x4x128x32xf32, #tpu.memory_space<vmem>>
        %parallel_loop3A_501 = tpu.memref_squeeze %parallel_loop3A_500 : memref<1x4x128x32xf32, #tpu.memory_space<vmem>> -> memref<4x128x32xf32, #tpu.memory_space<vmem>>
        %parallel_loop3A_502 = arith.index_cast %parallel_loop3A_496 : i32 to index
        %parallel_loop3A_503 = arith.index_cast %parallel_loop3A_462 : i32 to index
        %parallel_loop3A_504 = arith.constant 0 : index
        %parallel_loop3A_505 = tpu.vector_load %parallel_loop3A_501[%parallel_loop3A_502, %parallel_loop3A_503, %parallel_loop3A_504] {strides = array<i32>} : memref<4x128x32xf32, #tpu.memory_space<vmem>>, vector<16xf32>,
        %parallel_loop3A_506 = arith.addf %parallel_loop3A_505, %parallel_loop3A_474 : vector<16xf32>
        %parallel_loop3A_507 = arith.constant 1 : i32
        %parallel_loop3A_508 = arith.constant 0 : i32
        %parallel_loop3A_509 = arith.constant 0 : i32
        %parallel_loop3A_510 = arith.constant 0 : i32
        %parallel_loop3A_511 = tpu.memref_slice %arg9[%parallel_loop3A_277, %parallel_loop3A_508, %parallel_loop3A_509, %parallel_loop3A_510] : memref<2x4x32x129xf32, #tpu.memory_space<vmem>> -> memref<1x4x32x129xf32, #tpu.memory_space<vmem>>
        %parallel_loop3A_512 = tpu.memref_squeeze %parallel_loop3A_511 : memref<1x4x32x129xf32, #tpu.memory_space<vmem>> -> memref<4x32x129xf32, #tpu.memory_space<vmem>>
        %parallel_loop3A_513 = arith.constant 0 : i32
        %parallel_loop3A_514 = arith.constant 0 : i32
        %parallel_loop3A_515 = tpu.memref_slice %parallel_loop3A_512[%parallel_loop3A_507, %parallel_loop3A_513, %parallel_loop3A_514] : memref<4x32x129xf32, #tpu.memory_space<vmem>> -> memref<1x32x129xf32, #tpu.memory_space<vmem>>
        %parallel_loop3A_516 = tpu.memref_squeeze %parallel_loop3A_515 : memref<1x32x129xf32, #tpu.memory_space<vmem>> -> memref<32x129xf32, #tpu.memory_space<vmem>>
        tpu.vector_store_idx %parallel_loop3A_516[%parallel_loop3A_471, %parallel_loop3A_466], %parallel_loop3A_506 : memref<32x129xf32, #tpu.memory_space<vmem>>[vector<16xi32>, vector<16xi32>], vector<16xf32>,
        %parallel_loop3A_517 = arith.constant 2 : i32
        %parallel_loop3A_518 = arith.constant 0 : i32
        %parallel_loop3A_519 = arith.constant 0 : i32
        %parallel_loop3A_520 = arith.constant 0 : i32
        %parallel_loop3A_521 = tpu.memref_slice %arg8[%parallel_loop3A_276, %parallel_loop3A_518, %parallel_loop3A_519, %parallel_loop3A_520] : memref<4x4x128x32xf32, #tpu.memory_space<vmem>> -> memref<1x4x128x32xf32, #tpu.memory_space<vmem>>
        %parallel_loop3A_522 = tpu.memref_squeeze %parallel_loop3A_521 : memref<1x4x128x32xf32, #tpu.memory_space<vmem>> -> memref<4x128x32xf32, #tpu.memory_space<vmem>>
        %parallel_loop3A_523 = arith.index_cast %parallel_loop3A_517 : i32 to index
        %parallel_loop3A_524 = arith.index_cast %parallel_loop3A_462 : i32 to index
        %parallel_loop3A_525 = arith.constant 0 : index
        %parallel_loop3A_526 = tpu.vector_load %parallel_loop3A_522[%parallel_loop3A_523, %parallel_loop3A_524, %parallel_loop3A_525] {strides = array<i32>} : memref<4x128x32xf32, #tpu.memory_space<vmem>>, vector<16xf32>,
        %parallel_loop3A_527 = arith.addf %parallel_loop3A_526, %parallel_loop3A_474 : vector<16xf32>
        %parallel_loop3A_528 = arith.constant 2 : i32
        %parallel_loop3A_529 = arith.constant 0 : i32
        %parallel_loop3A_530 = arith.constant 0 : i32
        %parallel_loop3A_531 = arith.constant 0 : i32
        %parallel_loop3A_532 = tpu.memref_slice %arg9[%parallel_loop3A_277, %parallel_loop3A_529, %parallel_loop3A_530, %parallel_loop3A_531] : memref<2x4x32x129xf32, #tpu.memory_space<vmem>> -> memref<1x4x32x129xf32, #tpu.memory_space<vmem>>
        %parallel_loop3A_533 = tpu.memref_squeeze %parallel_loop3A_532 : memref<1x4x32x129xf32, #tpu.memory_space<vmem>> -> memref<4x32x129xf32, #tpu.memory_space<vmem>>
        %parallel_loop3A_534 = arith.constant 0 : i32
        %parallel_loop3A_535 = arith.constant 0 : i32
        %parallel_loop3A_536 = tpu.memref_slice %parallel_loop3A_533[%parallel_loop3A_528, %parallel_loop3A_534, %parallel_loop3A_535] : memref<4x32x129xf32, #tpu.memory_space<vmem>> -> memref<1x32x129xf32, #tpu.memory_space<vmem>>
        %parallel_loop3A_537 = tpu.memref_squeeze %parallel_loop3A_536 : memref<1x32x129xf32, #tpu.memory_space<vmem>> -> memref<32x129xf32, #tpu.memory_space<vmem>>
        tpu.vector_store_idx %parallel_loop3A_537[%parallel_loop3A_471, %parallel_loop3A_466], %parallel_loop3A_527 : memref<32x129xf32, #tpu.memory_space<vmem>>[vector<16xi32>, vector<16xi32>], vector<16xf32>,
        %parallel_loop3A_538 = arith.constant 3 : i32
        %parallel_loop3A_539 = arith.constant 0 : i32
        %parallel_loop3A_540 = arith.constant 0 : i32
        %parallel_loop3A_541 = arith.constant 0 : i32
        %parallel_loop3A_542 = tpu.memref_slice %arg8[%parallel_loop3A_276, %parallel_loop3A_539, %parallel_loop3A_540, %parallel_loop3A_541] : memref<4x4x128x32xf32, #tpu.memory_space<vmem>> -> memref<1x4x128x32xf32, #tpu.memory_space<vmem>>
        %parallel_loop3A_543 = tpu.memref_squeeze %parallel_loop3A_542 : memref<1x4x128x32xf32, #tpu.memory_space<vmem>> -> memref<4x128x32xf32, #tpu.memory_space<vmem>>
        %parallel_loop3A_544 = arith.index_cast %parallel_loop3A_538 : i32 to index
        %parallel_loop3A_545 = arith.index_cast %parallel_loop3A_462 : i32 to index
        %parallel_loop3A_546 = arith.constant 0 : index
        %parallel_loop3A_547 = tpu.vector_load %parallel_loop3A_543[%parallel_loop3A_544, %parallel_loop3A_545, %parallel_loop3A_546] {strides = array<i32>} : memref<4x128x32xf32, #tpu.memory_space<vmem>>, vector<16xf32>,
        %parallel_loop3A_548 = arith.addf %parallel_loop3A_547, %parallel_loop3A_474 : vector<16xf32>
        %parallel_loop3A_549 = arith.constant 3 : i32
        %parallel_loop3A_550 = arith.constant 0 : i32
        %parallel_loop3A_551 = arith.constant 0 : i32
        %parallel_loop3A_552 = arith.constant 0 : i32
        %parallel_loop3A_553 = tpu.memref_slice %arg9[%parallel_loop3A_277, %parallel_loop3A_550, %parallel_loop3A_551, %parallel_loop3A_552] : memref<2x4x32x129xf32, #tpu.memory_space<vmem>> -> memref<1x4x32x129xf32, #tpu.memory_space<vmem>>
        %parallel_loop3A_554 = tpu.memref_squeeze %parallel_loop3A_553 : memref<1x4x32x129xf32, #tpu.memory_space<vmem>> -> memref<4x32x129xf32, #tpu.memory_space<vmem>>
        %parallel_loop3A_555 = arith.constant 0 : i32
        %parallel_loop3A_556 = arith.constant 0 : i32
        %parallel_loop3A_557 = tpu.memref_slice %parallel_loop3A_554[%parallel_loop3A_549, %parallel_loop3A_555, %parallel_loop3A_556] : memref<4x32x129xf32, #tpu.memory_space<vmem>> -> memref<1x32x129xf32, #tpu.memory_space<vmem>>
        %parallel_loop3A_558 = tpu.memref_squeeze %parallel_loop3A_557 : memref<1x32x129xf32, #tpu.memory_space<vmem>> -> memref<32x129xf32, #tpu.memory_space<vmem>>
        tpu.vector_store_idx %parallel_loop3A_558[%parallel_loop3A_471, %parallel_loop3A_466], %parallel_loop3A_548 : memref<32x129xf32, #tpu.memory_space<vmem>>[vector<16xi32>, vector<16xi32>], vector<16xf32>,
        %parallel_loop3A_559 = arith.constant 16 : i32
        %parallel_loop3A_560 = vector.broadcast %parallel_loop3A_559 : i32 to vector<16xi32>
        %parallel_loop3A_561 = arith.addi %iota3A_272, %parallel_loop3A_560 : vector<16xi32>
        %parallel_loop3A_562 = arith.index_cast %parallel_loop3A_468 : i32 to index
        %parallel_loop3A_563 = arith.constant 16 : index
        %parallel_loop3A_564 = tpu.vector_load %arg7[%parallel_loop3A_562, %parallel_loop3A_563] {strides = array<i32>} : memref<64x32xf32, #tpu.memory_space<vmem>>, vector<16xf32>,
        %parallel_loop3A_565 = arith.constant 0 : i32
        %parallel_loop3A_566 = arith.constant 0 : i32
        %parallel_loop3A_567 = arith.constant 0 : i32
        %parallel_loop3A_568 = arith.constant 0 : i32
        %parallel_loop3A_569 = tpu.memref_slice %arg8[%parallel_loop3A_276, %parallel_loop3A_566, %parallel_loop3A_567, %parallel_loop3A_568] : memref<4x4x128x32xf32, #tpu.memory_space<vmem>> -> memref<1x4x128x32xf32, #tpu.memory_space<vmem>>
        %parallel_loop3A_570 = tpu.memref_squeeze %parallel_loop3A_569 : memref<1x4x128x32xf32, #tpu.memory_space<vmem>> -> memref<4x128x32xf32, #tpu.memory_space<vmem>>
        %parallel_loop3A_571 = arith.index_cast %parallel_loop3A_565 : i32 to index
        %parallel_loop3A_572 = arith.index_cast %parallel_loop3A_462 : i32 to index
        %parallel_loop3A_573 = arith.constant 16 : index
        %parallel_loop3A_574 = tpu.vector_load %parallel_loop3A_570[%parallel_loop3A_571, %parallel_loop3A_572, %parallel_loop3A_573] {strides = array<i32>} : memref<4x128x32xf32, #tpu.memory_space<vmem>>, vector<16xf32>,
        %parallel_loop3A_575 = arith.addf %parallel_loop3A_574, %parallel_loop3A_564 : vector<16xf32>
        %parallel_loop3A_576 = arith.constant 0 : i32
        %parallel_loop3A_577 = arith.constant 0 : i32
        %parallel_loop3A_578 = arith.constant 0 : i32
        %parallel_loop3A_579 = arith.constant 0 : i32
        %parallel_loop3A_580 = tpu.memref_slice %arg9[%parallel_loop3A_277, %parallel_loop3A_577, %parallel_loop3A_578, %parallel_loop3A_579] : memref<2x4x32x129xf32, #tpu.memory_space<vmem>> -> memref<1x4x32x129xf32, #tpu.memory_space<vmem>>
        %parallel_loop3A_581 = tpu.memref_squeeze %parallel_loop3A_580 : memref<1x4x32x129xf32, #tpu.memory_space<vmem>> -> memref<4x32x129xf32, #tpu.memory_space<vmem>>
        %parallel_loop3A_582 = arith.constant 0 : i32
        %parallel_loop3A_583 = arith.constant 0 : i32
        %parallel_loop3A_584 = tpu.memref_slice %parallel_loop3A_581[%parallel_loop3A_576, %parallel_loop3A_582, %parallel_loop3A_583] : memref<4x32x129xf32, #tpu.memory_space<vmem>> -> memref<1x32x129xf32, #tpu.memory_space<vmem>>
        %parallel_loop3A_585 = tpu.memref_squeeze %parallel_loop3A_584 : memref<1x32x129xf32, #tpu.memory_space<vmem>> -> memref<32x129xf32, #tpu.memory_space<vmem>>
        tpu.vector_store_idx %parallel_loop3A_585[%parallel_loop3A_561, %parallel_loop3A_466], %parallel_loop3A_575 : memref<32x129xf32, #tpu.memory_space<vmem>>[vector<16xi32>, vector<16xi32>], vector<16xf32>,
        %parallel_loop3A_586 = arith.constant 1 : i32
        %parallel_loop3A_587 = arith.constant 0 : i32
        %parallel_loop3A_588 = arith.constant 0 : i32
        %parallel_loop3A_589 = arith.constant 0 : i32
        %parallel_loop3A_590 = tpu.memref_slice %arg8[%parallel_loop3A_276, %parallel_loop3A_587, %parallel_loop3A_588, %parallel_loop3A_589] : memref<4x4x128x32xf32, #tpu.memory_space<vmem>> -> memref<1x4x128x32xf32, #tpu.memory_space<vmem>>
        %parallel_loop3A_591 = tpu.memref_squeeze %parallel_loop3A_590 : memref<1x4x128x32xf32, #tpu.memory_space<vmem>> -> memref<4x128x32xf32, #tpu.memory_space<vmem>>
        %parallel_loop3A_592 = arith.index_cast %parallel_loop3A_586 : i32 to index
        %parallel_loop3A_593 = arith.index_cast %parallel_loop3A_462 : i32 to index
        %parallel_loop3A_594 = arith.constant 16 : index
        %parallel_loop3A_595 = tpu.vector_load %parallel_loop3A_591[%parallel_loop3A_592, %parallel_loop3A_593, %parallel_loop3A_594] {strides = array<i32>} : memref<4x128x32xf32, #tpu.memory_space<vmem>>, vector<16xf32>,
        %parallel_loop3A_596 = arith.addf %parallel_loop3A_595, %parallel_loop3A_564 : vector<16xf32>
        %parallel_loop3A_597 = arith.constant 1 : i32
        %parallel_loop3A_598 = arith.constant 0 : i32
        %parallel_loop3A_599 = arith.constant 0 : i32
        %parallel_loop3A_600 = arith.constant 0 : i32
        %parallel_loop3A_601 = tpu.memref_slice %arg9[%parallel_loop3A_277, %parallel_loop3A_598, %parallel_loop3A_599, %parallel_loop3A_600] : memref<2x4x32x129xf32, #tpu.memory_space<vmem>> -> memref<1x4x32x129xf32, #tpu.memory_space<vmem>>
        %parallel_loop3A_602 = tpu.memref_squeeze %parallel_loop3A_601 : memref<1x4x32x129xf32, #tpu.memory_space<vmem>> -> memref<4x32x129xf32, #tpu.memory_space<vmem>>
        %parallel_loop3A_603 = arith.constant 0 : i32
        %parallel_loop3A_604 = arith.constant 0 : i32
        %parallel_loop3A_605 = tpu.memref_slice %parallel_loop3A_602[%parallel_loop3A_597, %parallel_loop3A_603, %parallel_loop3A_604] : memref<4x32x129xf32, #tpu.memory_space<vmem>> -> memref<1x32x129xf32, #tpu.memory_space<vmem>>
        %parallel_loop3A_606 = tpu.memref_squeeze %parallel_loop3A_605 : memref<1x32x129xf32, #tpu.memory_space<vmem>> -> memref<32x129xf32, #tpu.memory_space<vmem>>
        tpu.vector_store_idx %parallel_loop3A_606[%parallel_loop3A_561, %parallel_loop3A_466], %parallel_loop3A_596 : memref<32x129xf32, #tpu.memory_space<vmem>>[vector<16xi32>, vector<16xi32>], vector<16xf32>,
        %parallel_loop3A_607 = arith.constant 2 : i32
        %parallel_loop3A_608 = arith.constant 0 : i32
        %parallel_loop3A_609 = arith.constant 0 : i32
        %parallel_loop3A_610 = arith.constant 0 : i32
        %parallel_loop3A_611 = tpu.memref_slice %arg8[%parallel_loop3A_276, %parallel_loop3A_608, %parallel_loop3A_609, %parallel_loop3A_610] : memref<4x4x128x32xf32, #tpu.memory_space<vmem>> -> memref<1x4x128x32xf32, #tpu.memory_space<vmem>>
        %parallel_loop3A_612 = tpu.memref_squeeze %parallel_loop3A_611 : memref<1x4x128x32xf32, #tpu.memory_space<vmem>> -> memref<4x128x32xf32, #tpu.memory_space<vmem>>
        %parallel_loop3A_613 = arith.index_cast %parallel_loop3A_607 : i32 to index
        %parallel_loop3A_614 = arith.index_cast %parallel_loop3A_462 : i32 to index
        %parallel_loop3A_615 = arith.constant 16 : index
        %parallel_loop3A_616 = tpu.vector_load %parallel_loop3A_612[%parallel_loop3A_613, %parallel_loop3A_614, %parallel_loop3A_615] {strides = array<i32>} : memref<4x128x32xf32, #tpu.memory_space<vmem>>, vector<16xf32>,
        %parallel_loop3A_617 = arith.addf %parallel_loop3A_616, %parallel_loop3A_564 : vector<16xf32>
        %parallel_loop3A_618 = arith.constant 2 : i32
        %parallel_loop3A_619 = arith.constant 0 : i32
        %parallel_loop3A_620 = arith.constant 0 : i32
        %parallel_loop3A_621 = arith.constant 0 : i32
        %parallel_loop3A_622 = tpu.memref_slice %arg9[%parallel_loop3A_277, %parallel_loop3A_619, %parallel_loop3A_620, %parallel_loop3A_621] : memref<2x4x32x129xf32, #tpu.memory_space<vmem>> -> memref<1x4x32x129xf32, #tpu.memory_space<vmem>>
        %parallel_loop3A_623 = tpu.memref_squeeze %parallel_loop3A_622 : memref<1x4x32x129xf32, #tpu.memory_space<vmem>> -> memref<4x32x129xf32, #tpu.memory_space<vmem>>
        %parallel_loop3A_624 = arith.constant 0 : i32
        %parallel_loop3A_625 = arith.constant 0 : i32
        %parallel_loop3A_626 = tpu.memref_slice %parallel_loop3A_623[%parallel_loop3A_618, %parallel_loop3A_624, %parallel_loop3A_625] : memref<4x32x129xf32, #tpu.memory_space<vmem>> -> memref<1x32x129xf32, #tpu.memory_space<vmem>>
        %parallel_loop3A_627 = tpu.memref_squeeze %parallel_loop3A_626 : memref<1x32x129xf32, #tpu.memory_space<vmem>> -> memref<32x129xf32, #tpu.memory_space<vmem>>
        tpu.vector_store_idx %parallel_loop3A_627[%parallel_loop3A_561, %parallel_loop3A_466], %parallel_loop3A_617 : memref<32x129xf32, #tpu.memory_space<vmem>>[vector<16xi32>, vector<16xi32>], vector<16xf32>,
        %parallel_loop3A_628 = arith.constant 3 : i32
        %parallel_loop3A_629 = arith.constant 0 : i32
        %parallel_loop3A_630 = arith.constant 0 : i32
        %parallel_loop3A_631 = arith.constant 0 : i32
        %parallel_loop3A_632 = tpu.memref_slice %arg8[%parallel_loop3A_276, %parallel_loop3A_629, %parallel_loop3A_630, %parallel_loop3A_631] : memref<4x4x128x32xf32, #tpu.memory_space<vmem>> -> memref<1x4x128x32xf32, #tpu.memory_space<vmem>>
        %parallel_loop3A_633 = tpu.memref_squeeze %parallel_loop3A_632 : memref<1x4x128x32xf32, #tpu.memory_space<vmem>> -> memref<4x128x32xf32, #tpu.memory_space<vmem>>
        %parallel_loop3A_634 = arith.index_cast %parallel_loop3A_628 : i32 to index
        %parallel_loop3A_635 = arith.index_cast %parallel_loop3A_462 : i32 to index
        %parallel_loop3A_636 = arith.constant 16 : index
        %parallel_loop3A_637 = tpu.vector_load %parallel_loop3A_633[%parallel_loop3A_634, %parallel_loop3A_635, %parallel_loop3A_636] {strides = array<i32>} : memref<4x128x32xf32, #tpu.memory_space<vmem>>, vector<16xf32>,
        %parallel_loop3A_638 = arith.addf %parallel_loop3A_637, %parallel_loop3A_564 : vector<16xf32>
        %parallel_loop3A_639 = arith.constant 3 : i32
        %parallel_loop3A_640 = arith.constant 0 : i32
        %parallel_loop3A_641 = arith.constant 0 : i32
        %parallel_loop3A_642 = arith.constant 0 : i32
        %parallel_loop3A_643 = tpu.memref_slice %arg9[%parallel_loop3A_277, %parallel_loop3A_640, %parallel_loop3A_641, %parallel_loop3A_642] : memref<2x4x32x129xf32, #tpu.memory_space<vmem>> -> memref<1x4x32x129xf32, #tpu.memory_space<vmem>>
        %parallel_loop3A_644 = tpu.memref_squeeze %parallel_loop3A_643 : memref<1x4x32x129xf32, #tpu.memory_space<vmem>> -> memref<4x32x129xf32, #tpu.memory_space<vmem>>
        %parallel_loop3A_645 = arith.constant 0 : i32
        %parallel_loop3A_646 = arith.constant 0 : i32
        %parallel_loop3A_647 = tpu.memref_slice %parallel_loop3A_644[%parallel_loop3A_639, %parallel_loop3A_645, %parallel_loop3A_646] : memref<4x32x129xf32, #tpu.memory_space<vmem>> -> memref<1x32x129xf32, #tpu.memory_space<vmem>>
        %parallel_loop3A_648 = tpu.memref_squeeze %parallel_loop3A_647 : memref<1x32x129xf32, #tpu.memory_space<vmem>> -> memref<32x129xf32, #tpu.memory_space<vmem>>
        tpu.vector_store_idx %parallel_loop3A_648[%parallel_loop3A_561, %parallel_loop3A_466], %parallel_loop3A_638 : memref<32x129xf32, #tpu.memory_space<vmem>>[vector<16xi32>, vector<16xi32>], vector<16xf32>,
      } {sc.loop_unroll_factor = 1 : i64, sc.parallel_access}
      %mul3A_278 = arith.constant 4 : i32
      %mul3A_279 = arith.muli %add3A_239, %mul3A_278 : i32
      %add3A_280 = arith.addi %mul3A_2, %mul3A_279 : i32
      %dma_start3A_281 = arith.constant 1 : i32
      %dma_start3A_282 = arith.constant 1 : i32
      %dma_start3A_283 = arith.constant 0 : i32
      %dma_start3A_284 = arith.constant 0 : i32
      %dma_start3A_285 = arith.constant 0 : i32
      %dma_start3A_286 = tpu.memref_slice %arg9[%dma_start3A_281, %dma_start3A_283, %dma_start3A_284, %dma_start3A_285] : memref<2x4x32x129xf32, #tpu.memory_space<vmem>> -> memref<1x4x32x128xf32, #tpu.memory_space<vmem>>
      %dma_start3A_287 = tpu.memref_squeeze %dma_start3A_286 : memref<1x4x32x128xf32, #tpu.memory_space<vmem>> -> memref<4x32x128xf32, #tpu.memory_space<vmem>>
      %dma_start3A_288 = arith.constant 0 : i32
      %dma_start3A_289 = arith.constant 0 : i32
      %dma_start3A_290 = tpu.memref_slice %arg5[%add3A_280, %dma_start3A_288, %dma_start3A_289] : memref<4096x32x128xf32, #tpu.memory_space<hbm>> -> memref<4x32x128xf32, #tpu.memory_space<hbm>>
      %dma_start3A_291 = tpu.memref_slice %arg11[%dma_start3A_282] : memref<2x!tpu.dma_semaphore, #tpu.memory_space<semaphore_mem>> -> memref<1x!tpu.dma_semaphore, #tpu.memory_space<semaphore_mem>>
      %dma_start3A_292 = tpu.memref_squeeze %dma_start3A_291 : memref<1x!tpu.dma_semaphore, #tpu.memory_space<semaphore_mem>> -> memref<!tpu.dma_semaphore, #tpu.memory_space<semaphore_mem>>
      %dma_start3A_293 = arith.constant 0 : i32
      %dma_start3A_294 = arith.constant 0 : i32
      %dma_start3A_295 = tpu.memref_slice %arg5[%add3A_280, %dma_start3A_293, %dma_start3A_294] : memref<4096x32x128xf32, #tpu.memory_space<hbm>> -> memref<4x32x128xf32, #tpu.memory_space<hbm>>
      %dma_start3A_296 = arith.constant 0 : i32
      %dma_start3A_297 = arith.constant 0 : i32
      %dma_start3A_298 = arith.constant 0 : i32
      %dma_start3A_299 = tpu.memref_slice %arg9[%dma_start3A_281, %dma_start3A_296, %dma_start3A_297, %dma_start3A_298] : memref<2x4x32x129xf32, #tpu.memory_space<vmem>> -> memref<1x4x32x128xf32, #tpu.memory_space<vmem>>
      %dma_start3A_300 = tpu.memref_squeeze %dma_start3A_299 : memref<1x4x32x128xf32, #tpu.memory_space<vmem>> -> memref<4x32x128xf32, #tpu.memory_space<vmem>>
      tpu.enqueue_dma source(%dma_start3A_300 : memref<4x32x128xf32, #tpu.memory_space<vmem>>) target(%dma_start3A_295 : memref<4x32x128xf32, #tpu.memory_space<hbm>>) target_semaphore(%dma_start3A_292 : memref<!tpu.dma_semaphore, #tpu.memory_space<semaphore_mem>>)
      %mul3A_301 = arith.constant 4 : i32
      %mul3A_302 = arith.muli %scan3A_175, %mul3A_301 : i32
      %add3A_303 = arith.constant 2 : i32
      %add3A_304 = arith.addi %mul3A_302, %add3A_303 : i32
      %add3A_305 = arith.constant 2 : i32
      %add3A_306 = arith.addi %add3A_304, %add3A_305 : i32
      %lt3A_307 = arith.constant 32 : i32
      %lt3A_308 = arith.cmpi slt, %add3A_306, %lt3A_307 : i32
      %convert_element_type3A_309 = arith.extui %lt3A_308 : i1 to i32
      %cond3A_310 = arith.constant 0 : i32
      %cond3A_311 = arith.cmpi ne, %convert_element_type3A_309, %cond3A_310 : i32
      scf.if %cond3A_311 {
        %add3A_462 = arith.constant 2 : i32
        %add3A_463 = arith.addi %add3A_304, %add3A_462 : i32
        %mul3A_464 = arith.constant 4 : i32
        %mul3A_465 = arith.muli %add3A_463, %mul3A_464 : i32
        %add3A_466 = arith.constant 0 : i32
        %add3A_467 = arith.addi %mul3A_465, %add3A_466 : i32
        %dma_start3A_468 = arith.constant 0 : i32
        %dma_start3A_469 = arith.constant 0 : i32
        %dma_start3A_470 = arith.constant 0 : i32
        %dma_start3A_471 = arith.constant 0 : i32
        %dma_start3A_472 = arith.constant 0 : i32
        %dma_start3A_473 = tpu.memref_slice %arg8[%dma_start3A_468, %dma_start3A_469, %dma_start3A_471, %dma_start3A_472] : memref<4x4x128x32xf32, #tpu.memory_space<vmem>> -> memref<1x1x128x32xf32, #tpu.memory_space<vmem>>
        %dma_start3A_474 = tpu.memref_squeeze %dma_start3A_473 : memref<1x1x128x32xf32, #tpu.memory_space<vmem>> -> memref<128x32xf32, #tpu.memory_space<vmem>>
        %dma_start3A_475 = arith.constant 0 : i32
        %dma_start3A_476 = tpu.memref_slice %arg6[%add3A_467, %dma_start3A_475] : memref<128x128xi32, #tpu.memory_space<vmem>> -> memref<1x128xi32, #tpu.memory_space<vmem>>
        %dma_start3A_477 = tpu.memref_squeeze %dma_start3A_476 : memref<1x128xi32, #tpu.memory_space<vmem>> -> memref<128xi32, #tpu.memory_space<vmem>>
        %dma_start3A_478 = arith.constant 0 : i32
        %dma_start3A_479 = arith.constant 0 : i32
        %dma_start3A_480 = tpu.memref_slice %arg2[%dma_start3A_478, %dma_start3A_479] : memref<1024x32xf32, #tpu.memory_space<hbm>> -> memref<1024x32xf32, #tpu.memory_space<hbm>>
        %dma_start3A_481 = tpu.memref_slice %arg10[%dma_start3A_470] : memref<4x!tpu.dma_semaphore, #tpu.memory_space<semaphore_mem>> -> memref<1x!tpu.dma_semaphore, #tpu.memory_space<semaphore_mem>>
        %dma_start3A_482 = tpu.memref_squeeze %dma_start3A_481 : memref<1x!tpu.dma_semaphore, #tpu.memory_space<semaphore_mem>> -> memref<!tpu.dma_semaphore, #tpu.memory_space<semaphore_mem>>
        tpu.enqueue_indirect_dma source(%dma_start3A_480 : memref<1024x32xf32, #tpu.memory_space<hbm>>) target(%dma_start3A_474 : memref<128x32xf32, #tpu.memory_space<vmem>>) offsets(%dma_start3A_477 : memref<128xi32, #tpu.memory_space<vmem>>) semaphore(%dma_start3A_482 : memref<!tpu.dma_semaphore, #tpu.memory_space<semaphore_mem>>)
        %mul3A_483 = arith.constant 4 : i32
        %mul3A_484 = arith.muli %add3A_463, %mul3A_483 : i32
        %add3A_485 = arith.constant 1 : i32
        %add3A_486 = arith.addi %mul3A_484, %add3A_485 : i32
        %dma_start3A_487 = arith.constant 0 : i32
        %dma_start3A_488 = arith.constant 1 : i32
        %dma_start3A_489 = arith.constant 0 : i32
        %dma_start3A_490 = arith.constant 0 : i32
        %dma_start3A_491 = arith.constant 0 : i32
        %dma_start3A_492 = tpu.memref_slice %arg8[%dma_start3A_487, %dma_start3A_488, %dma_start3A_490, %dma_start3A_491] : memref<4x4x128x32xf32, #tpu.memory_space<vmem>> -> memref<1x1x128x32xf32, #tpu.memory_space<vmem>>
        %dma_start3A_493 = tpu.memref_squeeze %dma_start3A_492 : memref<1x1x128x32xf32, #tpu.memory_space<vmem>> -> memref<128x32xf32, #tpu.memory_space<vmem>>
        %dma_start3A_494 = arith.constant 0 : i32
        %dma_start3A_495 = tpu.memref_slice %arg6[%add3A_486, %dma_start3A_494] : memref<128x128xi32, #tpu.memory_space<vmem>> -> memref<1x128xi32, #tpu.memory_space<vmem>>
        %dma_start3A_496 = tpu.memref_squeeze %dma_start3A_495 : memref<1x128xi32, #tpu.memory_space<vmem>> -> memref<128xi32, #tpu.memory_space<vmem>>
        %dma_start3A_497 = arith.constant 0 : i32
        %dma_start3A_498 = arith.constant 0 : i32
        %dma_start3A_499 = tpu.memref_slice %arg2[%dma_start3A_497, %dma_start3A_498] : memref<1024x32xf32, #tpu.memory_space<hbm>> -> memref<1024x32xf32, #tpu.memory_space<hbm>>
        %dma_start3A_500 = tpu.memref_slice %arg10[%dma_start3A_489] : memref<4x!tpu.dma_semaphore, #tpu.memory_space<semaphore_mem>> -> memref<1x!tpu.dma_semaphore, #tpu.memory_space<semaphore_mem>>
        %dma_start3A_501 = tpu.memref_squeeze %dma_start3A_500 : memref<1x!tpu.dma_semaphore, #tpu.memory_space<semaphore_mem>> -> memref<!tpu.dma_semaphore, #tpu.memory_space<semaphore_mem>>
        tpu.enqueue_indirect_dma source(%dma_start3A_499 : memref<1024x32xf32, #tpu.memory_space<hbm>>) target(%dma_start3A_493 : memref<128x32xf32, #tpu.memory_space<vmem>>) offsets(%dma_start3A_496 : memref<128xi32, #tpu.memory_space<vmem>>) semaphore(%dma_start3A_501 : memref<!tpu.dma_semaphore, #tpu.memory_space<semaphore_mem>>)
        %mul3A_502 = arith.constant 4 : i32
        %mul3A_503 = arith.muli %add3A_463, %mul3A_502 : i32
        %add3A_504 = arith.constant 2 : i32
        %add3A_505 = arith.addi %mul3A_503, %add3A_504 : i32
        %dma_start3A_506 = arith.constant 0 : i32
        %dma_start3A_507 = arith.constant 2 : i32
        %dma_start3A_508 = arith.constant 0 : i32
        %dma_start3A_509 = arith.constant 0 : i32
        %dma_start3A_510 = arith.constant 0 : i32
        %dma_start3A_511 = tpu.memref_slice %arg8[%dma_start3A_506, %dma_start3A_507, %dma_start3A_509, %dma_start3A_510] : memref<4x4x128x32xf32, #tpu.memory_space<vmem>> -> memref<1x1x128x32xf32, #tpu.memory_space<vmem>>
        %dma_start3A_512 = tpu.memref_squeeze %dma_start3A_511 : memref<1x1x128x32xf32, #tpu.memory_space<vmem>> -> memref<128x32xf32, #tpu.memory_space<vmem>>
        %dma_start3A_513 = arith.constant 0 : i32
        %dma_start3A_514 = tpu.memref_slice %arg6[%add3A_505, %dma_start3A_513] : memref<128x128xi32, #tpu.memory_space<vmem>> -> memref<1x128xi32, #tpu.memory_space<vmem>>
        %dma_start3A_515 = tpu.memref_squeeze %dma_start3A_514 : memref<1x128xi32, #tpu.memory_space<vmem>> -> memref<128xi32, #tpu.memory_space<vmem>>
        %dma_start3A_516 = arith.constant 0 : i32
        %dma_start3A_517 = arith.constant 0 : i32
        %dma_start3A_518 = tpu.memref_slice %arg2[%dma_start3A_516, %dma_start3A_517] : memref<1024x32xf32, #tpu.memory_space<hbm>> -> memref<1024x32xf32, #tpu.memory_space<hbm>>
        %dma_start3A_519 = tpu.memref_slice %arg10[%dma_start3A_508] : memref<4x!tpu.dma_semaphore, #tpu.memory_space<semaphore_mem>> -> memref<1x!tpu.dma_semaphore, #tpu.memory_space<semaphore_mem>>
        %dma_start3A_520 = tpu.memref_squeeze %dma_start3A_519 : memref<1x!tpu.dma_semaphore, #tpu.memory_space<semaphore_mem>> -> memref<!tpu.dma_semaphore, #tpu.memory_space<semaphore_mem>>
        tpu.enqueue_indirect_dma source(%dma_start3A_518 : memref<1024x32xf32, #tpu.memory_space<hbm>>) target(%dma_start3A_512 : memref<128x32xf32, #tpu.memory_space<vmem>>) offsets(%dma_start3A_515 : memref<128xi32, #tpu.memory_space<vmem>>) semaphore(%dma_start3A_520 : memref<!tpu.dma_semaphore, #tpu.memory_space<semaphore_mem>>)
        %mul3A_521 = arith.constant 4 : i32
        %mul3A_522 = arith.muli %add3A_463, %mul3A_521 : i32
        %add3A_523 = arith.constant 3 : i32
        %add3A_524 = arith.addi %mul3A_522, %add3A_523 : i32
        %dma_start3A_525 = arith.constant 0 : i32
        %dma_start3A_526 = arith.constant 3 : i32
        %dma_start3A_527 = arith.constant 0 : i32
        %dma_start3A_528 = arith.constant 0 : i32
        %dma_start3A_529 = arith.constant 0 : i32
        %dma_start3A_530 = tpu.memref_slice %arg8[%dma_start3A_525, %dma_start3A_526, %dma_start3A_528, %dma_start3A_529] : memref<4x4x128x32xf32, #tpu.memory_space<vmem>> -> memref<1x1x128x32xf32, #tpu.memory_space<vmem>>
        %dma_start3A_531 = tpu.memref_squeeze %dma_start3A_530 : memref<1x1x128x32xf32, #tpu.memory_space<vmem>> -> memref<128x32xf32, #tpu.memory_space<vmem>>
        %dma_start3A_532 = arith.constant 0 : i32
        %dma_start3A_533 = tpu.memref_slice %arg6[%add3A_524, %dma_start3A_532] : memref<128x128xi32, #tpu.memory_space<vmem>> -> memref<1x128xi32, #tpu.memory_space<vmem>>
        %dma_start3A_534 = tpu.memref_squeeze %dma_start3A_533 : memref<1x128xi32, #tpu.memory_space<vmem>> -> memref<128xi32, #tpu.memory_space<vmem>>
        %dma_start3A_535 = arith.constant 0 : i32
        %dma_start3A_536 = arith.constant 0 : i32
        %dma_start3A_537 = tpu.memref_slice %arg2[%dma_start3A_535, %dma_start3A_536] : memref<1024x32xf32, #tpu.memory_space<hbm>> -> memref<1024x32xf32, #tpu.memory_space<hbm>>
        %dma_start3A_538 = tpu.memref_slice %arg10[%dma_start3A_527] : memref<4x!tpu.dma_semaphore, #tpu.memory_space<semaphore_mem>> -> memref<1x!tpu.dma_semaphore, #tpu.memory_space<semaphore_mem>>
        %dma_start3A_539 = tpu.memref_squeeze %dma_start3A_538 : memref<1x!tpu.dma_semaphore, #tpu.memory_space<semaphore_mem>> -> memref<!tpu.dma_semaphore, #tpu.memory_space<semaphore_mem>>
        tpu.enqueue_indirect_dma source(%dma_start3A_537 : memref<1024x32xf32, #tpu.memory_space<hbm>>) target(%dma_start3A_531 : memref<128x32xf32, #tpu.memory_space<vmem>>) offsets(%dma_start3A_534 : memref<128xi32, #tpu.memory_space<vmem>>) semaphore(%dma_start3A_539 : memref<!tpu.dma_semaphore, #tpu.memory_space<semaphore_mem>>)
      } else {
      }
      %dma_wait3A_312 = arith.constant 2 : i32
      %dma_wait3A_313 = arith.constant 2 : i32
      %dma_wait3A_314 = arith.constant 0 : i32
      %dma_wait3A_315 = arith.constant 0 : i32
      %dma_wait3A_316 = arith.constant 0 : i32
      %dma_wait3A_317 = tpu.memref_slice %arg8[%dma_wait3A_312, %dma_wait3A_314, %dma_wait3A_315, %dma_wait3A_316] : memref<4x4x128x32xf32, #tpu.memory_space<vmem>> -> memref<1x4x128x32xf32, #tpu.memory_space<vmem>>
      %dma_wait3A_318 = tpu.memref_squeeze %dma_wait3A_317 : memref<1x4x128x32xf32, #tpu.memory_space<vmem>> -> memref<4x128x32xf32, #tpu.memory_space<vmem>>
      %dma_wait3A_319 = arith.constant 0 : i32
      %dma_wait3A_320 = arith.constant 0 : i32
      %dma_wait3A_321 = tpu.memref_slice %arg5[%mul3A_2, %dma_wait3A_319, %dma_wait3A_320] : memref<4096x32x128xf32, #tpu.memory_space<hbm>> -> memref<4x32x128xf32, #tpu.memory_space<hbm>>
      %dma_wait3A_322 = tpu.memref_slice %arg10[%dma_wait3A_313] : memref<4x!tpu.dma_semaphore, #tpu.memory_space<semaphore_mem>> -> memref<1x!tpu.dma_semaphore, #tpu.memory_space<semaphore_mem>>
      %dma_wait3A_323 = tpu.memref_squeeze %dma_wait3A_322 : memref<1x!tpu.dma_semaphore, #tpu.memory_space<semaphore_mem>> -> memref<!tpu.dma_semaphore, #tpu.memory_space<semaphore_mem>>
      %dma_wait3A_324 = arith.constant 0 : i32
      %dma_wait3A_325 = arith.constant 0 : i32
      %dma_wait3A_326 = arith.constant 0 : i32
      %dma_wait3A_327 = tpu.memref_slice %arg8[%dma_wait3A_312, %dma_wait3A_324, %dma_wait3A_325, %dma_wait3A_326] : memref<4x4x128x32xf32, #tpu.memory_space<vmem>> -> memref<1x4x128x32xf32, #tpu.memory_space<vmem>>
      %dma_wait3A_328 = tpu.memref_squeeze %dma_wait3A_327 : memref<1x4x128x32xf32, #tpu.memory_space<vmem>> -> memref<4x128x32xf32, #tpu.memory_space<vmem>>
      %dma_wait3A_329 = arith.constant 0 : i32
      %dma_wait3A_330 = arith.constant 0 : i32
      %dma_wait3A_331 = tpu.memref_slice %arg5[%mul3A_2, %dma_wait3A_329, %dma_wait3A_330] : memref<4096x32x128xf32, #tpu.memory_space<hbm>> -> memref<4x32x128xf32, #tpu.memory_space<hbm>>
      tpu.wait_dma2 semaphore(%dma_wait3A_323 : memref<!tpu.dma_semaphore, #tpu.memory_space<semaphore_mem>>) src(%dma_wait3A_331 : memref<4x32x128xf32, #tpu.memory_space<hbm>>) dst(%dma_wait3A_328 : memref<4x128x32xf32, #tpu.memory_space<vmem>>)
      %dma_wait3A_332 = arith.constant 0 : i32
      %dma_wait3A_333 = arith.constant 0 : i32
      %dma_wait3A_334 = arith.constant 0 : i32
      %dma_wait3A_335 = arith.constant 0 : i32
      %dma_wait3A_336 = arith.constant 0 : i32
      %dma_wait3A_337 = tpu.memref_slice %arg9[%dma_wait3A_332, %dma_wait3A_334, %dma_wait3A_335, %dma_wait3A_336] : memref<2x4x32x129xf32, #tpu.memory_space<vmem>> -> memref<1x4x32x128xf32, #tpu.memory_space<vmem>>
      %dma_wait3A_338 = tpu.memref_squeeze %dma_wait3A_337 : memref<1x4x32x128xf32, #tpu.memory_space<vmem>> -> memref<4x32x128xf32, #tpu.memory_space<vmem>>
      %dma_wait3A_339 = arith.constant 0 : i32
      %dma_wait3A_340 = arith.constant 0 : i32
      %dma_wait3A_341 = tpu.memref_slice %arg5[%mul3A_2, %dma_wait3A_339, %dma_wait3A_340] : memref<4096x32x128xf32, #tpu.memory_space<hbm>> -> memref<4x32x128xf32, #tpu.memory_space<hbm>>
      %dma_wait3A_342 = tpu.memref_slice %arg11[%dma_wait3A_333] : memref<2x!tpu.dma_semaphore, #tpu.memory_space<semaphore_mem>> -> memref<1x!tpu.dma_semaphore, #tpu.memory_space<semaphore_mem>>
      %dma_wait3A_343 = tpu.memref_squeeze %dma_wait3A_342 : memref<1x!tpu.dma_semaphore, #tpu.memory_space<semaphore_mem>> -> memref<!tpu.dma_semaphore, #tpu.memory_space<semaphore_mem>>
      %dma_wait3A_344 = arith.constant 0 : i32
      %dma_wait3A_345 = arith.constant 0 : i32
      %dma_wait3A_346 = tpu.memref_slice %arg5[%mul3A_2, %dma_wait3A_344, %dma_wait3A_345] : memref<4096x32x128xf32, #tpu.memory_space<hbm>> -> memref<4x32x128xf32, #tpu.memory_space<hbm>>
      %dma_wait3A_347 = arith.constant 0 : i32
      %dma_wait3A_348 = arith.constant 0 : i32
      %dma_wait3A_349 = arith.constant 0 : i32
      %dma_wait3A_350 = tpu.memref_slice %arg9[%dma_wait3A_332, %dma_wait3A_347, %dma_wait3A_348, %dma_wait3A_349] : memref<2x4x32x129xf32, #tpu.memory_space<vmem>> -> memref<1x4x32x128xf32, #tpu.memory_space<vmem>>
      %dma_wait3A_351 = tpu.memref_squeeze %dma_wait3A_350 : memref<1x4x32x128xf32, #tpu.memory_space<vmem>> -> memref<4x32x128xf32, #tpu.memory_space<vmem>>
      tpu.wait_dma2 semaphore(%dma_wait3A_343 : memref<!tpu.dma_semaphore, #tpu.memory_space<semaphore_mem>>) src(%dma_wait3A_351 : memref<4x32x128xf32, #tpu.memory_space<vmem>>) dst(%dma_wait3A_346 : memref<4x32x128xf32, #tpu.memory_space<hbm>>)
      %iota3A_352 = tpu.iota {dimensions = array<i32: 0>} : vector<16xi32>
      %parallel_loop3A_353 = arith.constant 0 : i32
      %parallel_loop3A_354 = arith.constant 128 : i32
      %parallel_loop3A_355 = arith.constant 1 : i32
      %parallel_loop3A_356 = arith.constant 2 : i32
      %parallel_loop3A_357 = arith.constant 0 : i32
      scf.for %parallel_loop3A_462 = %parallel_loop3A_353 to %parallel_loop3A_354 step %parallel_loop3A_355  : i32 {
        %parallel_loop3A_463 = arith.constant 0 : i32
        %parallel_loop3A_464 = vector.broadcast %parallel_loop3A_463 : i32 to vector<16xi32>
        %parallel_loop3A_465 = vector.broadcast %parallel_loop3A_462 : i32 to vector<16xi32>
        %parallel_loop3A_466 = arith.addi %parallel_loop3A_464, %parallel_loop3A_465 : vector<16xi32>
        %parallel_loop3A_467 = arith.constant 63 : i32
        %parallel_loop3A_468 = arith.minsi %parallel_loop3A_462, %parallel_loop3A_467 : i32
        %parallel_loop3A_469 = arith.constant 0 : i32
        %parallel_loop3A_470 = vector.broadcast %parallel_loop3A_469 : i32 to vector<16xi32>
        %parallel_loop3A_471 = arith.addi %iota3A_352, %parallel_loop3A_470 : vector<16xi32>
        %parallel_loop3A_472 = arith.index_cast %parallel_loop3A_468 : i32 to index
        %parallel_loop3A_473 = arith.constant 0 : index
        %parallel_loop3A_474 = tpu.vector_load %arg7[%parallel_loop3A_472, %parallel_loop3A_473] {strides = array<i32>} : memref<64x32xf32, #tpu.memory_space<vmem>>, vector<16xf32>,
        %parallel_loop3A_475 = arith.constant 0 : i32
        %parallel_loop3A_476 = arith.constant 0 : i32
        %parallel_loop3A_477 = arith.constant 0 : i32
        %parallel_loop3A_478 = arith.constant 0 : i32
        %parallel_loop3A_479 = tpu.memref_slice %arg8[%parallel_loop3A_356, %parallel_loop3A_476, %parallel_loop3A_477, %parallel_loop3A_478] : memref<4x4x128x32xf32, #tpu.memory_space<vmem>> -> memref<1x4x128x32xf32, #tpu.memory_space<vmem>>
        %parallel_loop3A_480 = tpu.memref_squeeze %parallel_loop3A_479 : memref<1x4x128x32xf32, #tpu.memory_space<vmem>> -> memref<4x128x32xf32, #tpu.memory_space<vmem>>
        %parallel_loop3A_481 = arith.index_cast %parallel_loop3A_475 : i32 to index
        %parallel_loop3A_482 = arith.index_cast %parallel_loop3A_462 : i32 to index
        %parallel_loop3A_483 = arith.constant 0 : index
        %parallel_loop3A_484 = tpu.vector_load %parallel_loop3A_480[%parallel_loop3A_481, %parallel_loop3A_482, %parallel_loop3A_483] {strides = array<i32>} : memref<4x128x32xf32, #tpu.memory_space<vmem>>, vector<16xf32>,
        %parallel_loop3A_485 = arith.addf %parallel_loop3A_484, %parallel_loop3A_474 : vector<16xf32>
        %parallel_loop3A_486 = arith.constant 0 : i32
        %parallel_loop3A_487 = arith.constant 0 : i32
        %parallel_loop3A_488 = arith.constant 0 : i32
        %parallel_loop3A_489 = arith.constant 0 : i32
        %parallel_loop3A_490 = tpu.memref_slice %arg9[%parallel_loop3A_357, %parallel_loop3A_487, %parallel_loop3A_488, %parallel_loop3A_489] : memref<2x4x32x129xf32, #tpu.memory_space<vmem>> -> memref<1x4x32x129xf32, #tpu.memory_space<vmem>>
        %parallel_loop3A_491 = tpu.memref_squeeze %parallel_loop3A_490 : memref<1x4x32x129xf32, #tpu.memory_space<vmem>> -> memref<4x32x129xf32, #tpu.memory_space<vmem>>
        %parallel_loop3A_492 = arith.constant 0 : i32
        %parallel_loop3A_493 = arith.constant 0 : i32
        %parallel_loop3A_494 = tpu.memref_slice %parallel_loop3A_491[%parallel_loop3A_486, %parallel_loop3A_492, %parallel_loop3A_493] : memref<4x32x129xf32, #tpu.memory_space<vmem>> -> memref<1x32x129xf32, #tpu.memory_space<vmem>>
        %parallel_loop3A_495 = tpu.memref_squeeze %parallel_loop3A_494 : memref<1x32x129xf32, #tpu.memory_space<vmem>> -> memref<32x129xf32, #tpu.memory_space<vmem>>
        tpu.vector_store_idx %parallel_loop3A_495[%parallel_loop3A_471, %parallel_loop3A_466], %parallel_loop3A_485 : memref<32x129xf32, #tpu.memory_space<vmem>>[vector<16xi32>, vector<16xi32>], vector<16xf32>,
        %parallel_loop3A_496 = arith.constant 1 : i32
        %parallel_loop3A_497 = arith.constant 0 : i32
        %parallel_loop3A_498 = arith.constant 0 : i32
        %parallel_loop3A_499 = arith.constant 0 : i32
        %parallel_loop3A_500 = tpu.memref_slice %arg8[%parallel_loop3A_356, %parallel_loop3A_497, %parallel_loop3A_498, %parallel_loop3A_499] : memref<4x4x128x32xf32, #tpu.memory_space<vmem>> -> memref<1x4x128x32xf32, #tpu.memory_space<vmem>>
        %parallel_loop3A_501 = tpu.memref_squeeze %parallel_loop3A_500 : memref<1x4x128x32xf32, #tpu.memory_space<vmem>> -> memref<4x128x32xf32, #tpu.memory_space<vmem>>
        %parallel_loop3A_502 = arith.index_cast %parallel_loop3A_496 : i32 to index
        %parallel_loop3A_503 = arith.index_cast %parallel_loop3A_462 : i32 to index
        %parallel_loop3A_504 = arith.constant 0 : index
        %parallel_loop3A_505 = tpu.vector_load %parallel_loop3A_501[%parallel_loop3A_502, %parallel_loop3A_503, %parallel_loop3A_504] {strides = array<i32>} : memref<4x128x32xf32, #tpu.memory_space<vmem>>, vector<16xf32>,
        %parallel_loop3A_506 = arith.addf %parallel_loop3A_505, %parallel_loop3A_474 : vector<16xf32>
        %parallel_loop3A_507 = arith.constant 1 : i32
        %parallel_loop3A_508 = arith.constant 0 : i32
        %parallel_loop3A_509 = arith.constant 0 : i32
        %parallel_loop3A_510 = arith.constant 0 : i32
        %parallel_loop3A_511 = tpu.memref_slice %arg9[%parallel_loop3A_357, %parallel_loop3A_508, %parallel_loop3A_509, %parallel_loop3A_510] : memref<2x4x32x129xf32, #tpu.memory_space<vmem>> -> memref<1x4x32x129xf32, #tpu.memory_space<vmem>>
        %parallel_loop3A_512 = tpu.memref_squeeze %parallel_loop3A_511 : memref<1x4x32x129xf32, #tpu.memory_space<vmem>> -> memref<4x32x129xf32, #tpu.memory_space<vmem>>
        %parallel_loop3A_513 = arith.constant 0 : i32
        %parallel_loop3A_514 = arith.constant 0 : i32
        %parallel_loop3A_515 = tpu.memref_slice %parallel_loop3A_512[%parallel_loop3A_507, %parallel_loop3A_513, %parallel_loop3A_514] : memref<4x32x129xf32, #tpu.memory_space<vmem>> -> memref<1x32x129xf32, #tpu.memory_space<vmem>>
        %parallel_loop3A_516 = tpu.memref_squeeze %parallel_loop3A_515 : memref<1x32x129xf32, #tpu.memory_space<vmem>> -> memref<32x129xf32, #tpu.memory_space<vmem>>
        tpu.vector_store_idx %parallel_loop3A_516[%parallel_loop3A_471, %parallel_loop3A_466], %parallel_loop3A_506 : memref<32x129xf32, #tpu.memory_space<vmem>>[vector<16xi32>, vector<16xi32>], vector<16xf32>,
        %parallel_loop3A_517 = arith.constant 2 : i32
        %parallel_loop3A_518 = arith.constant 0 : i32
        %parallel_loop3A_519 = arith.constant 0 : i32
        %parallel_loop3A_520 = arith.constant 0 : i32
        %parallel_loop3A_521 = tpu.memref_slice %arg8[%parallel_loop3A_356, %parallel_loop3A_518, %parallel_loop3A_519, %parallel_loop3A_520] : memref<4x4x128x32xf32, #tpu.memory_space<vmem>> -> memref<1x4x128x32xf32, #tpu.memory_space<vmem>>
        %parallel_loop3A_522 = tpu.memref_squeeze %parallel_loop3A_521 : memref<1x4x128x32xf32, #tpu.memory_space<vmem>> -> memref<4x128x32xf32, #tpu.memory_space<vmem>>
        %parallel_loop3A_523 = arith.index_cast %parallel_loop3A_517 : i32 to index
        %parallel_loop3A_524 = arith.index_cast %parallel_loop3A_462 : i32 to index
        %parallel_loop3A_525 = arith.constant 0 : index
        %parallel_loop3A_526 = tpu.vector_load %parallel_loop3A_522[%parallel_loop3A_523, %parallel_loop3A_524, %parallel_loop3A_525] {strides = array<i32>} : memref<4x128x32xf32, #tpu.memory_space<vmem>>, vector<16xf32>,
        %parallel_loop3A_527 = arith.addf %parallel_loop3A_526, %parallel_loop3A_474 : vector<16xf32>
        %parallel_loop3A_528 = arith.constant 2 : i32
        %parallel_loop3A_529 = arith.constant 0 : i32
        %parallel_loop3A_530 = arith.constant 0 : i32
        %parallel_loop3A_531 = arith.constant 0 : i32
        %parallel_loop3A_532 = tpu.memref_slice %arg9[%parallel_loop3A_357, %parallel_loop3A_529, %parallel_loop3A_530, %parallel_loop3A_531] : memref<2x4x32x129xf32, #tpu.memory_space<vmem>> -> memref<1x4x32x129xf32, #tpu.memory_space<vmem>>
        %parallel_loop3A_533 = tpu.memref_squeeze %parallel_loop3A_532 : memref<1x4x32x129xf32, #tpu.memory_space<vmem>> -> memref<4x32x129xf32, #tpu.memory_space<vmem>>
        %parallel_loop3A_534 = arith.constant 0 : i32
        %parallel_loop3A_535 = arith.constant 0 : i32
        %parallel_loop3A_536 = tpu.memref_slice %parallel_loop3A_533[%parallel_loop3A_528, %parallel_loop3A_534, %parallel_loop3A_535] : memref<4x32x129xf32, #tpu.memory_space<vmem>> -> memref<1x32x129xf32, #tpu.memory_space<vmem>>
        %parallel_loop3A_537 = tpu.memref_squeeze %parallel_loop3A_536 : memref<1x32x129xf32, #tpu.memory_space<vmem>> -> memref<32x129xf32, #tpu.memory_space<vmem>>
        tpu.vector_store_idx %parallel_loop3A_537[%parallel_loop3A_471, %parallel_loop3A_466], %parallel_loop3A_527 : memref<32x129xf32, #tpu.memory_space<vmem>>[vector<16xi32>, vector<16xi32>], vector<16xf32>,
        %parallel_loop3A_538 = arith.constant 3 : i32
        %parallel_loop3A_539 = arith.constant 0 : i32
        %parallel_loop3A_540 = arith.constant 0 : i32
        %parallel_loop3A_541 = arith.constant 0 : i32
        %parallel_loop3A_542 = tpu.memref_slice %arg8[%parallel_loop3A_356, %parallel_loop3A_539, %parallel_loop3A_540, %parallel_loop3A_541] : memref<4x4x128x32xf32, #tpu.memory_space<vmem>> -> memref<1x4x128x32xf32, #tpu.memory_space<vmem>>
        %parallel_loop3A_543 = tpu.memref_squeeze %parallel_loop3A_542 : memref<1x4x128x32xf32, #tpu.memory_space<vmem>> -> memref<4x128x32xf32, #tpu.memory_space<vmem>>
        %parallel_loop3A_544 = arith.index_cast %parallel_loop3A_538 : i32 to index
        %parallel_loop3A_545 = arith.index_cast %parallel_loop3A_462 : i32 to index
        %parallel_loop3A_546 = arith.constant 0 : index
        %parallel_loop3A_547 = tpu.vector_load %parallel_loop3A_543[%parallel_loop3A_544, %parallel_loop3A_545, %parallel_loop3A_546] {strides = array<i32>} : memref<4x128x32xf32, #tpu.memory_space<vmem>>, vector<16xf32>,
        %parallel_loop3A_548 = arith.addf %parallel_loop3A_547, %parallel_loop3A_474 : vector<16xf32>
        %parallel_loop3A_549 = arith.constant 3 : i32
        %parallel_loop3A_550 = arith.constant 0 : i32
        %parallel_loop3A_551 = arith.constant 0 : i32
        %parallel_loop3A_552 = arith.constant 0 : i32
        %parallel_loop3A_553 = tpu.memref_slice %arg9[%parallel_loop3A_357, %parallel_loop3A_550, %parallel_loop3A_551, %parallel_loop3A_552] : memref<2x4x32x129xf32, #tpu.memory_space<vmem>> -> memref<1x4x32x129xf32, #tpu.memory_space<vmem>>
        %parallel_loop3A_554 = tpu.memref_squeeze %parallel_loop3A_553 : memref<1x4x32x129xf32, #tpu.memory_space<vmem>> -> memref<4x32x129xf32, #tpu.memory_space<vmem>>
        %parallel_loop3A_555 = arith.constant 0 : i32
        %parallel_loop3A_556 = arith.constant 0 : i32
        %parallel_loop3A_557 = tpu.memref_slice %parallel_loop3A_554[%parallel_loop3A_549, %parallel_loop3A_555, %parallel_loop3A_556] : memref<4x32x129xf32, #tpu.memory_space<vmem>> -> memref<1x32x129xf32, #tpu.memory_space<vmem>>
        %parallel_loop3A_558 = tpu.memref_squeeze %parallel_loop3A_557 : memref<1x32x129xf32, #tpu.memory_space<vmem>> -> memref<32x129xf32, #tpu.memory_space<vmem>>
        tpu.vector_store_idx %parallel_loop3A_558[%parallel_loop3A_471, %parallel_loop3A_466], %parallel_loop3A_548 : memref<32x129xf32, #tpu.memory_space<vmem>>[vector<16xi32>, vector<16xi32>], vector<16xf32>,
        %parallel_loop3A_559 = arith.constant 16 : i32
        %parallel_loop3A_560 = vector.broadcast %parallel_loop3A_559 : i32 to vector<16xi32>
        %parallel_loop3A_561 = arith.addi %iota3A_352, %parallel_loop3A_560 : vector<16xi32>
        %parallel_loop3A_562 = arith.index_cast %parallel_loop3A_468 : i32 to index
        %parallel_loop3A_563 = arith.constant 16 : index
        %parallel_loop3A_564 = tpu.vector_load %arg7[%parallel_loop3A_562, %parallel_loop3A_563] {strides = array<i32>} : memref<64x32xf32, #tpu.memory_space<vmem>>, vector<16xf32>,
        %parallel_loop3A_565 = arith.constant 0 : i32
        %parallel_loop3A_566 = arith.constant 0 : i32
        %parallel_loop3A_567 = arith.constant 0 : i32
        %parallel_loop3A_568 = arith.constant 0 : i32
        %parallel_loop3A_569 = tpu.memref_slice %arg8[%parallel_loop3A_356, %parallel_loop3A_566, %parallel_loop3A_567, %parallel_loop3A_568] : memref<4x4x128x32xf32, #tpu.memory_space<vmem>> -> memref<1x4x128x32xf32, #tpu.memory_space<vmem>>
        %parallel_loop3A_570 = tpu.memref_squeeze %parallel_loop3A_569 : memref<1x4x128x32xf32, #tpu.memory_space<vmem>> -> memref<4x128x32xf32, #tpu.memory_space<vmem>>
        %parallel_loop3A_571 = arith.index_cast %parallel_loop3A_565 : i32 to index
        %parallel_loop3A_572 = arith.index_cast %parallel_loop3A_462 : i32 to index
        %parallel_loop3A_573 = arith.constant 16 : index
        %parallel_loop3A_574 = tpu.vector_load %parallel_loop3A_570[%parallel_loop3A_571, %parallel_loop3A_572, %parallel_loop3A_573] {strides = array<i32>} : memref<4x128x32xf32, #tpu.memory_space<vmem>>, vector<16xf32>,
        %parallel_loop3A_575 = arith.addf %parallel_loop3A_574, %parallel_loop3A_564 : vector<16xf32>
        %parallel_loop3A_576 = arith.constant 0 : i32
        %parallel_loop3A_577 = arith.constant 0 : i32
        %parallel_loop3A_578 = arith.constant 0 : i32
        %parallel_loop3A_579 = arith.constant 0 : i32
        %parallel_loop3A_580 = tpu.memref_slice %arg9[%parallel_loop3A_357, %parallel_loop3A_577, %parallel_loop3A_578, %parallel_loop3A_579] : memref<2x4x32x129xf32, #tpu.memory_space<vmem>> -> memref<1x4x32x129xf32, #tpu.memory_space<vmem>>
        %parallel_loop3A_581 = tpu.memref_squeeze %parallel_loop3A_580 : memref<1x4x32x129xf32, #tpu.memory_space<vmem>> -> memref<4x32x129xf32, #tpu.memory_space<vmem>>
        %parallel_loop3A_582 = arith.constant 0 : i32
        %parallel_loop3A_583 = arith.constant 0 : i32
        %parallel_loop3A_584 = tpu.memref_slice %parallel_loop3A_581[%parallel_loop3A_576, %parallel_loop3A_582, %parallel_loop3A_583] : memref<4x32x129xf32, #tpu.memory_space<vmem>> -> memref<1x32x129xf32, #tpu.memory_space<vmem>>
        %parallel_loop3A_585 = tpu.memref_squeeze %parallel_loop3A_584 : memref<1x32x129xf32, #tpu.memory_space<vmem>> -> memref<32x129xf32, #tpu.memory_space<vmem>>
        tpu.vector_store_idx %parallel_loop3A_585[%parallel_loop3A_561, %parallel_loop3A_466], %parallel_loop3A_575 : memref<32x129xf32, #tpu.memory_space<vmem>>[vector<16xi32>, vector<16xi32>], vector<16xf32>,
        %parallel_loop3A_586 = arith.constant 1 : i32
        %parallel_loop3A_587 = arith.constant 0 : i32
        %parallel_loop3A_588 = arith.constant 0 : i32
        %parallel_loop3A_589 = arith.constant 0 : i32
        %parallel_loop3A_590 = tpu.memref_slice %arg8[%parallel_loop3A_356, %parallel_loop3A_587, %parallel_loop3A_588, %parallel_loop3A_589] : memref<4x4x128x32xf32, #tpu.memory_space<vmem>> -> memref<1x4x128x32xf32, #tpu.memory_space<vmem>>
        %parallel_loop3A_591 = tpu.memref_squeeze %parallel_loop3A_590 : memref<1x4x128x32xf32, #tpu.memory_space<vmem>> -> memref<4x128x32xf32, #tpu.memory_space<vmem>>
        %parallel_loop3A_592 = arith.index_cast %parallel_loop3A_586 : i32 to index
        %parallel_loop3A_593 = arith.index_cast %parallel_loop3A_462 : i32 to index
        %parallel_loop3A_594 = arith.constant 16 : index
        %parallel_loop3A_595 = tpu.vector_load %parallel_loop3A_591[%parallel_loop3A_592, %parallel_loop3A_593, %parallel_loop3A_594] {strides = array<i32>} : memref<4x128x32xf32, #tpu.memory_space<vmem>>, vector<16xf32>,
        %parallel_loop3A_596 = arith.addf %parallel_loop3A_595, %parallel_loop3A_564 : vector<16xf32>
        %parallel_loop3A_597 = arith.constant 1 : i32
        %parallel_loop3A_598 = arith.constant 0 : i32
        %parallel_loop3A_599 = arith.constant 0 : i32
        %parallel_loop3A_600 = arith.constant 0 : i32
        %parallel_loop3A_601 = tpu.memref_slice %arg9[%parallel_loop3A_357, %parallel_loop3A_598, %parallel_loop3A_599, %parallel_loop3A_600] : memref<2x4x32x129xf32, #tpu.memory_space<vmem>> -> memref<1x4x32x129xf32, #tpu.memory_space<vmem>>
        %parallel_loop3A_602 = tpu.memref_squeeze %parallel_loop3A_601 : memref<1x4x32x129xf32, #tpu.memory_space<vmem>> -> memref<4x32x129xf32, #tpu.memory_space<vmem>>
        %parallel_loop3A_603 = arith.constant 0 : i32
        %parallel_loop3A_604 = arith.constant 0 : i32
        %parallel_loop3A_605 = tpu.memref_slice %parallel_loop3A_602[%parallel_loop3A_597, %parallel_loop3A_603, %parallel_loop3A_604] : memref<4x32x129xf32, #tpu.memory_space<vmem>> -> memref<1x32x129xf32, #tpu.memory_space<vmem>>
        %parallel_loop3A_606 = tpu.memref_squeeze %parallel_loop3A_605 : memref<1x32x129xf32, #tpu.memory_space<vmem>> -> memref<32x129xf32, #tpu.memory_space<vmem>>
        tpu.vector_store_idx %parallel_loop3A_606[%parallel_loop3A_561, %parallel_loop3A_466], %parallel_loop3A_596 : memref<32x129xf32, #tpu.memory_space<vmem>>[vector<16xi32>, vector<16xi32>], vector<16xf32>,
        %parallel_loop3A_607 = arith.constant 2 : i32
        %parallel_loop3A_608 = arith.constant 0 : i32
        %parallel_loop3A_609 = arith.constant 0 : i32
        %parallel_loop3A_610 = arith.constant 0 : i32
        %parallel_loop3A_611 = tpu.memref_slice %arg8[%parallel_loop3A_356, %parallel_loop3A_608, %parallel_loop3A_609, %parallel_loop3A_610] : memref<4x4x128x32xf32, #tpu.memory_space<vmem>> -> memref<1x4x128x32xf32, #tpu.memory_space<vmem>>
        %parallel_loop3A_612 = tpu.memref_squeeze %parallel_loop3A_611 : memref<1x4x128x32xf32, #tpu.memory_space<vmem>> -> memref<4x128x32xf32, #tpu.memory_space<vmem>>
        %parallel_loop3A_613 = arith.index_cast %parallel_loop3A_607 : i32 to index
        %parallel_loop3A_614 = arith.index_cast %parallel_loop3A_462 : i32 to index
        %parallel_loop3A_615 = arith.constant 16 : index
        %parallel_loop3A_616 = tpu.vector_load %parallel_loop3A_612[%parallel_loop3A_613, %parallel_loop3A_614, %parallel_loop3A_615] {strides = array<i32>} : memref<4x128x32xf32, #tpu.memory_space<vmem>>, vector<16xf32>,
        %parallel_loop3A_617 = arith.addf %parallel_loop3A_616, %parallel_loop3A_564 : vector<16xf32>
        %parallel_loop3A_618 = arith.constant 2 : i32
        %parallel_loop3A_619 = arith.constant 0 : i32
        %parallel_loop3A_620 = arith.constant 0 : i32
        %parallel_loop3A_621 = arith.constant 0 : i32
        %parallel_loop3A_622 = tpu.memref_slice %arg9[%parallel_loop3A_357, %parallel_loop3A_619, %parallel_loop3A_620, %parallel_loop3A_621] : memref<2x4x32x129xf32, #tpu.memory_space<vmem>> -> memref<1x4x32x129xf32, #tpu.memory_space<vmem>>
        %parallel_loop3A_623 = tpu.memref_squeeze %parallel_loop3A_622 : memref<1x4x32x129xf32, #tpu.memory_space<vmem>> -> memref<4x32x129xf32, #tpu.memory_space<vmem>>
        %parallel_loop3A_624 = arith.constant 0 : i32
        %parallel_loop3A_625 = arith.constant 0 : i32
        %parallel_loop3A_626 = tpu.memref_slice %parallel_loop3A_623[%parallel_loop3A_618, %parallel_loop3A_624, %parallel_loop3A_625] : memref<4x32x129xf32, #tpu.memory_space<vmem>> -> memref<1x32x129xf32, #tpu.memory_space<vmem>>
        %parallel_loop3A_627 = tpu.memref_squeeze %parallel_loop3A_626 : memref<1x32x129xf32, #tpu.memory_space<vmem>> -> memref<32x129xf32, #tpu.memory_space<vmem>>
        tpu.vector_store_idx %parallel_loop3A_627[%parallel_loop3A_561, %parallel_loop3A_466], %parallel_loop3A_617 : memref<32x129xf32, #tpu.memory_space<vmem>>[vector<16xi32>, vector<16xi32>], vector<16xf32>,
        %parallel_loop3A_628 = arith.constant 3 : i32
        %parallel_loop3A_629 = arith.constant 0 : i32
        %parallel_loop3A_630 = arith.constant 0 : i32
        %parallel_loop3A_631 = arith.constant 0 : i32
        %parallel_loop3A_632 = tpu.memref_slice %arg8[%parallel_loop3A_356, %parallel_loop3A_629, %parallel_loop3A_630, %parallel_loop3A_631] : memref<4x4x128x32xf32, #tpu.memory_space<vmem>> -> memref<1x4x128x32xf32, #tpu.memory_space<vmem>>
        %parallel_loop3A_633 = tpu.memref_squeeze %parallel_loop3A_632 : memref<1x4x128x32xf32, #tpu.memory_space<vmem>> -> memref<4x128x32xf32, #tpu.memory_space<vmem>>
        %parallel_loop3A_634 = arith.index_cast %parallel_loop3A_628 : i32 to index
        %parallel_loop3A_635 = arith.index_cast %parallel_loop3A_462 : i32 to index
        %parallel_loop3A_636 = arith.constant 16 : index
        %parallel_loop3A_637 = tpu.vector_load %parallel_loop3A_633[%parallel_loop3A_634, %parallel_loop3A_635, %parallel_loop3A_636] {strides = array<i32>} : memref<4x128x32xf32, #tpu.memory_space<vmem>>, vector<16xf32>,
        %parallel_loop3A_638 = arith.addf %parallel_loop3A_637, %parallel_loop3A_564 : vector<16xf32>
        %parallel_loop3A_639 = arith.constant 3 : i32
        %parallel_loop3A_640 = arith.constant 0 : i32
        %parallel_loop3A_641 = arith.constant 0 : i32
        %parallel_loop3A_642 = arith.constant 0 : i32
        %parallel_loop3A_643 = tpu.memref_slice %arg9[%parallel_loop3A_357, %parallel_loop3A_640, %parallel_loop3A_641, %parallel_loop3A_642] : memref<2x4x32x129xf32, #tpu.memory_space<vmem>> -> memref<1x4x32x129xf32, #tpu.memory_space<vmem>>
        %parallel_loop3A_644 = tpu.memref_squeeze %parallel_loop3A_643 : memref<1x4x32x129xf32, #tpu.memory_space<vmem>> -> memref<4x32x129xf32, #tpu.memory_space<vmem>>
        %parallel_loop3A_645 = arith.constant 0 : i32
        %parallel_loop3A_646 = arith.constant 0 : i32
        %parallel_loop3A_647 = tpu.memref_slice %parallel_loop3A_644[%parallel_loop3A_639, %parallel_loop3A_645, %parallel_loop3A_646] : memref<4x32x129xf32, #tpu.memory_space<vmem>> -> memref<1x32x129xf32, #tpu.memory_space<vmem>>
        %parallel_loop3A_648 = tpu.memref_squeeze %parallel_loop3A_647 : memref<1x32x129xf32, #tpu.memory_space<vmem>> -> memref<32x129xf32, #tpu.memory_space<vmem>>
        tpu.vector_store_idx %parallel_loop3A_648[%parallel_loop3A_561, %parallel_loop3A_466], %parallel_loop3A_638 : memref<32x129xf32, #tpu.memory_space<vmem>>[vector<16xi32>, vector<16xi32>], vector<16xf32>,
      } {sc.loop_unroll_factor = 1 : i64, sc.parallel_access}
      %mul3A_358 = arith.constant 4 : i32
      %mul3A_359 = arith.muli %add3A_304, %mul3A_358 : i32
      %add3A_360 = arith.addi %mul3A_2, %mul3A_359 : i32
      %dma_start3A_361 = arith.constant 0 : i32
      %dma_start3A_362 = arith.constant 0 : i32
      %dma_start3A_363 = arith.constant 0 : i32
      %dma_start3A_364 = arith.constant 0 : i32
      %dma_start3A_365 = arith.constant 0 : i32
      %dma_start3A_366 = tpu.memref_slice %arg9[%dma_start3A_361, %dma_start3A_363, %dma_start3A_364, %dma_start3A_365] : memref<2x4x32x129xf32, #tpu.memory_space<vmem>> -> memref<1x4x32x128xf32, #tpu.memory_space<vmem>>
      %dma_start3A_367 = tpu.memref_squeeze %dma_start3A_366 : memref<1x4x32x128xf32, #tpu.memory_space<vmem>> -> memref<4x32x128xf32, #tpu.memory_space<vmem>>
      %dma_start3A_368 = arith.constant 0 : i32
      %dma_start3A_369 = arith.constant 0 : i32
      %dma_start3A_370 = tpu.memref_slice %arg5[%add3A_360, %dma_start3A_368, %dma_start3A_369] : memref<4096x32x128xf32, #tpu.memory_space<hbm>> -> memref<4x32x128xf32, #tpu.memory_space<hbm>>
      %dma_start3A_371 = tpu.memref_slice %arg11[%dma_start3A_362] : memref<2x!tpu.dma_semaphore, #tpu.memory_space<semaphore_mem>> -> memref<1x!tpu.dma_semaphore, #tpu.memory_space<semaphore_mem>>
      %dma_start3A_372 = tpu.memref_squeeze %dma_start3A_371 : memref<1x!tpu.dma_semaphore, #tpu.memory_space<semaphore_mem>> -> memref<!tpu.dma_semaphore, #tpu.memory_space<semaphore_mem>>
      %dma_start3A_373 = arith.constant 0 : i32
      %dma_start3A_374 = arith.constant 0 : i32
      %dma_start3A_375 = tpu.memref_slice %arg5[%add3A_360, %dma_start3A_373, %dma_start3A_374] : memref<4096x32x128xf32, #tpu.memory_space<hbm>> -> memref<4x32x128xf32, #tpu.memory_space<hbm>>
      %dma_start3A_376 = arith.constant 0 : i32
      %dma_start3A_377 = arith.constant 0 : i32
      %dma_start3A_378 = arith.constant 0 : i32
      %dma_start3A_379 = tpu.memref_slice %arg9[%dma_start3A_361, %dma_start3A_376, %dma_start3A_377, %dma_start3A_378] : memref<2x4x32x129xf32, #tpu.memory_space<vmem>> -> memref<1x4x32x128xf32, #tpu.memory_space<vmem>>
      %dma_start3A_380 = tpu.memref_squeeze %dma_start3A_379 : memref<1x4x32x128xf32, #tpu.memory_space<vmem>> -> memref<4x32x128xf32, #tpu.memory_space<vmem>>
      tpu.enqueue_dma source(%dma_start3A_380 : memref<4x32x128xf32, #tpu.memory_space<vmem>>) target(%dma_start3A_375 : memref<4x32x128xf32, #tpu.memory_space<hbm>>) target_semaphore(%dma_start3A_372 : memref<!tpu.dma_semaphore, #tpu.memory_space<semaphore_mem>>)
      %mul3A_381 = arith.constant 4 : i32
      %mul3A_382 = arith.muli %scan3A_175, %mul3A_381 : i32
      %add3A_383 = arith.constant 3 : i32
      %add3A_384 = arith.addi %mul3A_382, %add3A_383 : i32
      %add3A_385 = arith.constant 2 : i32
      %add3A_386 = arith.addi %add3A_384, %add3A_385 : i32
      %lt3A_387 = arith.constant 32 : i32
      %lt3A_388 = arith.cmpi slt, %add3A_386, %lt3A_387 : i32
      %convert_element_type3A_389 = arith.extui %lt3A_388 : i1 to i32
      %cond3A_390 = arith.constant 0 : i32
      %cond3A_391 = arith.cmpi ne, %convert_element_type3A_389, %cond3A_390 : i32
      scf.if %cond3A_391 {
        %add3A_462 = arith.constant 2 : i32
        %add3A_463 = arith.addi %add3A_384, %add3A_462 : i32
        %mul3A_464 = arith.constant 4 : i32
        %mul3A_465 = arith.muli %add3A_463, %mul3A_464 : i32
        %add3A_466 = arith.constant 0 : i32
        %add3A_467 = arith.addi %mul3A_465, %add3A_466 : i32
        %dma_start3A_468 = arith.constant 1 : i32
        %dma_start3A_469 = arith.constant 0 : i32
        %dma_start3A_470 = arith.constant 1 : i32
        %dma_start3A_471 = arith.constant 0 : i32
        %dma_start3A_472 = arith.constant 0 : i32
        %dma_start3A_473 = tpu.memref_slice %arg8[%dma_start3A_468, %dma_start3A_469, %dma_start3A_471, %dma_start3A_472] : memref<4x4x128x32xf32, #tpu.memory_space<vmem>> -> memref<1x1x128x32xf32, #tpu.memory_space<vmem>>
        %dma_start3A_474 = tpu.memref_squeeze %dma_start3A_473 : memref<1x1x128x32xf32, #tpu.memory_space<vmem>> -> memref<128x32xf32, #tpu.memory_space<vmem>>
        %dma_start3A_475 = arith.constant 0 : i32
        %dma_start3A_476 = tpu.memref_slice %arg6[%add3A_467, %dma_start3A_475] : memref<128x128xi32, #tpu.memory_space<vmem>> -> memref<1x128xi32, #tpu.memory_space<vmem>>
        %dma_start3A_477 = tpu.memref_squeeze %dma_start3A_476 : memref<1x128xi32, #tpu.memory_space<vmem>> -> memref<128xi32, #tpu.memory_space<vmem>>
        %dma_start3A_478 = arith.constant 0 : i32
        %dma_start3A_479 = arith.constant 0 : i32
        %dma_start3A_480 = tpu.memref_slice %arg2[%dma_start3A_478, %dma_start3A_479] : memref<1024x32xf32, #tpu.memory_space<hbm>> -> memref<1024x32xf32, #tpu.memory_space<hbm>>
        %dma_start3A_481 = tpu.memref_slice %arg10[%dma_start3A_470] : memref<4x!tpu.dma_semaphore, #tpu.memory_space<semaphore_mem>> -> memref<1x!tpu.dma_semaphore, #tpu.memory_space<semaphore_mem>>
        %dma_start3A_482 = tpu.memref_squeeze %dma_start3A_481 : memref<1x!tpu.dma_semaphore, #tpu.memory_space<semaphore_mem>> -> memref<!tpu.dma_semaphore, #tpu.memory_space<semaphore_mem>>
        tpu.enqueue_indirect_dma source(%dma_start3A_480 : memref<1024x32xf32, #tpu.memory_space<hbm>>) target(%dma_start3A_474 : memref<128x32xf32, #tpu.memory_space<vmem>>) offsets(%dma_start3A_477 : memref<128xi32, #tpu.memory_space<vmem>>) semaphore(%dma_start3A_482 : memref<!tpu.dma_semaphore, #tpu.memory_space<semaphore_mem>>)
        %mul3A_483 = arith.constant 4 : i32
        %mul3A_484 = arith.muli %add3A_463, %mul3A_483 : i32
        %add3A_485 = arith.constant 1 : i32
        %add3A_486 = arith.addi %mul3A_484, %add3A_485 : i32
        %dma_start3A_487 = arith.constant 1 : i32
        %dma_start3A_488 = arith.constant 1 : i32
        %dma_start3A_489 = arith.constant 1 : i32
        %dma_start3A_490 = arith.constant 0 : i32
        %dma_start3A_491 = arith.constant 0 : i32
        %dma_start3A_492 = tpu.memref_slice %arg8[%dma_start3A_487, %dma_start3A_488, %dma_start3A_490, %dma_start3A_491] : memref<4x4x128x32xf32, #tpu.memory_space<vmem>> -> memref<1x1x128x32xf32, #tpu.memory_space<vmem>>
        %dma_start3A_493 = tpu.memref_squeeze %dma_start3A_492 : memref<1x1x128x32xf32, #tpu.memory_space<vmem>> -> memref<128x32xf32, #tpu.memory_space<vmem>>
        %dma_start3A_494 = arith.constant 0 : i32
        %dma_start3A_495 = tpu.memref_slice %arg6[%add3A_486, %dma_start3A_494] : memref<128x128xi32, #tpu.memory_space<vmem>> -> memref<1x128xi32, #tpu.memory_space<vmem>>
        %dma_start3A_496 = tpu.memref_squeeze %dma_start3A_495 : memref<1x128xi32, #tpu.memory_space<vmem>> -> memref<128xi32, #tpu.memory_space<vmem>>
        %dma_start3A_497 = arith.constant 0 : i32
        %dma_start3A_498 = arith.constant 0 : i32
        %dma_start3A_499 = tpu.memref_slice %arg2[%dma_start3A_497, %dma_start3A_498] : memref<1024x32xf32, #tpu.memory_space<hbm>> -> memref<1024x32xf32, #tpu.memory_space<hbm>>
        %dma_start3A_500 = tpu.memref_slice %arg10[%dma_start3A_489] : memref<4x!tpu.dma_semaphore, #tpu.memory_space<semaphore_mem>> -> memref<1x!tpu.dma_semaphore, #tpu.memory_space<semaphore_mem>>
        %dma_start3A_501 = tpu.memref_squeeze %dma_start3A_500 : memref<1x!tpu.dma_semaphore, #tpu.memory_space<semaphore_mem>> -> memref<!tpu.dma_semaphore, #tpu.memory_space<semaphore_mem>>
        tpu.enqueue_indirect_dma source(%dma_start3A_499 : memref<1024x32xf32, #tpu.memory_space<hbm>>) target(%dma_start3A_493 : memref<128x32xf32, #tpu.memory_space<vmem>>) offsets(%dma_start3A_496 : memref<128xi32, #tpu.memory_space<vmem>>) semaphore(%dma_start3A_501 : memref<!tpu.dma_semaphore, #tpu.memory_space<semaphore_mem>>)
        %mul3A_502 = arith.constant 4 : i32
        %mul3A_503 = arith.muli %add3A_463, %mul3A_502 : i32
        %add3A_504 = arith.constant 2 : i32
        %add3A_505 = arith.addi %mul3A_503, %add3A_504 : i32
        %dma_start3A_506 = arith.constant 1 : i32
        %dma_start3A_507 = arith.constant 2 : i32
        %dma_start3A_508 = arith.constant 1 : i32
        %dma_start3A_509 = arith.constant 0 : i32
        %dma_start3A_510 = arith.constant 0 : i32
        %dma_start3A_511 = tpu.memref_slice %arg8[%dma_start3A_506, %dma_start3A_507, %dma_start3A_509, %dma_start3A_510] : memref<4x4x128x32xf32, #tpu.memory_space<vmem>> -> memref<1x1x128x32xf32, #tpu.memory_space<vmem>>
        %dma_start3A_512 = tpu.memref_squeeze %dma_start3A_511 : memref<1x1x128x32xf32, #tpu.memory_space<vmem>> -> memref<128x32xf32, #tpu.memory_space<vmem>>
        %dma_start3A_513 = arith.constant 0 : i32
        %dma_start3A_514 = tpu.memref_slice %arg6[%add3A_505, %dma_start3A_513] : memref<128x128xi32, #tpu.memory_space<vmem>> -> memref<1x128xi32, #tpu.memory_space<vmem>>
        %dma_start3A_515 = tpu.memref_squeeze %dma_start3A_514 : memref<1x128xi32, #tpu.memory_space<vmem>> -> memref<128xi32, #tpu.memory_space<vmem>>
        %dma_start3A_516 = arith.constant 0 : i32
        %dma_start3A_517 = arith.constant 0 : i32
        %dma_start3A_518 = tpu.memref_slice %arg2[%dma_start3A_516, %dma_start3A_517] : memref<1024x32xf32, #tpu.memory_space<hbm>> -> memref<1024x32xf32, #tpu.memory_space<hbm>>
        %dma_start3A_519 = tpu.memref_slice %arg10[%dma_start3A_508] : memref<4x!tpu.dma_semaphore, #tpu.memory_space<semaphore_mem>> -> memref<1x!tpu.dma_semaphore, #tpu.memory_space<semaphore_mem>>
        %dma_start3A_520 = tpu.memref_squeeze %dma_start3A_519 : memref<1x!tpu.dma_semaphore, #tpu.memory_space<semaphore_mem>> -> memref<!tpu.dma_semaphore, #tpu.memory_space<semaphore_mem>>
        tpu.enqueue_indirect_dma source(%dma_start3A_518 : memref<1024x32xf32, #tpu.memory_space<hbm>>) target(%dma_start3A_512 : memref<128x32xf32, #tpu.memory_space<vmem>>) offsets(%dma_start3A_515 : memref<128xi32, #tpu.memory_space<vmem>>) semaphore(%dma_start3A_520 : memref<!tpu.dma_semaphore, #tpu.memory_space<semaphore_mem>>)
        %mul3A_521 = arith.constant 4 : i32
        %mul3A_522 = arith.muli %add3A_463, %mul3A_521 : i32
        %add3A_523 = arith.constant 3 : i32
        %add3A_524 = arith.addi %mul3A_522, %add3A_523 : i32
        %dma_start3A_525 = arith.constant 1 : i32
        %dma_start3A_526 = arith.constant 3 : i32
        %dma_start3A_527 = arith.constant 1 : i32
        %dma_start3A_528 = arith.constant 0 : i32
        %dma_start3A_529 = arith.constant 0 : i32
        %dma_start3A_530 = tpu.memref_slice %arg8[%dma_start3A_525, %dma_start3A_526, %dma_start3A_528, %dma_start3A_529] : memref<4x4x128x32xf32, #tpu.memory_space<vmem>> -> memref<1x1x128x32xf32, #tpu.memory_space<vmem>>
        %dma_start3A_531 = tpu.memref_squeeze %dma_start3A_530 : memref<1x1x128x32xf32, #tpu.memory_space<vmem>> -> memref<128x32xf32, #tpu.memory_space<vmem>>
        %dma_start3A_532 = arith.constant 0 : i32
        %dma_start3A_533 = tpu.memref_slice %arg6[%add3A_524, %dma_start3A_532] : memref<128x128xi32, #tpu.memory_space<vmem>> -> memref<1x128xi32, #tpu.memory_space<vmem>>
        %dma_start3A_534 = tpu.memref_squeeze %dma_start3A_533 : memref<1x128xi32, #tpu.memory_space<vmem>> -> memref<128xi32, #tpu.memory_space<vmem>>
        %dma_start3A_535 = arith.constant 0 : i32
        %dma_start3A_536 = arith.constant 0 : i32
        %dma_start3A_537 = tpu.memref_slice %arg2[%dma_start3A_535, %dma_start3A_536] : memref<1024x32xf32, #tpu.memory_space<hbm>> -> memref<1024x32xf32, #tpu.memory_space<hbm>>
        %dma_start3A_538 = tpu.memref_slice %arg10[%dma_start3A_527] : memref<4x!tpu.dma_semaphore, #tpu.memory_space<semaphore_mem>> -> memref<1x!tpu.dma_semaphore, #tpu.memory_space<semaphore_mem>>
        %dma_start3A_539 = tpu.memref_squeeze %dma_start3A_538 : memref<1x!tpu.dma_semaphore, #tpu.memory_space<semaphore_mem>> -> memref<!tpu.dma_semaphore, #tpu.memory_space<semaphore_mem>>
        tpu.enqueue_indirect_dma source(%dma_start3A_537 : memref<1024x32xf32, #tpu.memory_space<hbm>>) target(%dma_start3A_531 : memref<128x32xf32, #tpu.memory_space<vmem>>) offsets(%dma_start3A_534 : memref<128xi32, #tpu.memory_space<vmem>>) semaphore(%dma_start3A_539 : memref<!tpu.dma_semaphore, #tpu.memory_space<semaphore_mem>>)
      } else {
      }
      %dma_wait3A_392 = arith.constant 3 : i32
      %dma_wait3A_393 = arith.constant 3 : i32
      %dma_wait3A_394 = arith.constant 0 : i32
      %dma_wait3A_395 = arith.constant 0 : i32
      %dma_wait3A_396 = arith.constant 0 : i32
      %dma_wait3A_397 = tpu.memref_slice %arg8[%dma_wait3A_392, %dma_wait3A_394, %dma_wait3A_395, %dma_wait3A_396] : memref<4x4x128x32xf32, #tpu.memory_space<vmem>> -> memref<1x4x128x32xf32, #tpu.memory_space<vmem>>
      %dma_wait3A_398 = tpu.memref_squeeze %dma_wait3A_397 : memref<1x4x128x32xf32, #tpu.memory_space<vmem>> -> memref<4x128x32xf32, #tpu.memory_space<vmem>>
      %dma_wait3A_399 = arith.constant 0 : i32
      %dma_wait3A_400 = arith.constant 0 : i32
      %dma_wait3A_401 = tpu.memref_slice %arg5[%mul3A_2, %dma_wait3A_399, %dma_wait3A_400] : memref<4096x32x128xf32, #tpu.memory_space<hbm>> -> memref<4x32x128xf32, #tpu.memory_space<hbm>>
      %dma_wait3A_402 = tpu.memref_slice %arg10[%dma_wait3A_393] : memref<4x!tpu.dma_semaphore, #tpu.memory_space<semaphore_mem>> -> memref<1x!tpu.dma_semaphore, #tpu.memory_space<semaphore_mem>>
      %dma_wait3A_403 = tpu.memref_squeeze %dma_wait3A_402 : memref<1x!tpu.dma_semaphore, #tpu.memory_space<semaphore_mem>> -> memref<!tpu.dma_semaphore, #tpu.memory_space<semaphore_mem>>
      %dma_wait3A_404 = arith.constant 0 : i32
      %dma_wait3A_405 = arith.constant 0 : i32
      %dma_wait3A_406 = arith.constant 0 : i32
      %dma_wait3A_407 = tpu.memref_slice %arg8[%dma_wait3A_392, %dma_wait3A_404, %dma_wait3A_405, %dma_wait3A_406] : memref<4x4x128x32xf32, #tpu.memory_space<vmem>> -> memref<1x4x128x32xf32, #tpu.memory_space<vmem>>
      %dma_wait3A_408 = tpu.memref_squeeze %dma_wait3A_407 : memref<1x4x128x32xf32, #tpu.memory_space<vmem>> -> memref<4x128x32xf32, #tpu.memory_space<vmem>>
      %dma_wait3A_409 = arith.constant 0 : i32
      %dma_wait3A_410 = arith.constant 0 : i32
      %dma_wait3A_411 = tpu.memref_slice %arg5[%mul3A_2, %dma_wait3A_409, %dma_wait3A_410] : memref<4096x32x128xf32, #tpu.memory_space<hbm>> -> memref<4x32x128xf32, #tpu.memory_space<hbm>>
      tpu.wait_dma2 semaphore(%dma_wait3A_403 : memref<!tpu.dma_semaphore, #tpu.memory_space<semaphore_mem>>) src(%dma_wait3A_411 : memref<4x32x128xf32, #tpu.memory_space<hbm>>) dst(%dma_wait3A_408 : memref<4x128x32xf32, #tpu.memory_space<vmem>>)
      %dma_wait3A_412 = arith.constant 1 : i32
      %dma_wait3A_413 = arith.constant 1 : i32
      %dma_wait3A_414 = arith.constant 0 : i32
      %dma_wait3A_415 = arith.constant 0 : i32
      %dma_wait3A_416 = arith.constant 0 : i32
      %dma_wait3A_417 = tpu.memref_slice %arg9[%dma_wait3A_412, %dma_wait3A_414, %dma_wait3A_415, %dma_wait3A_416] : memref<2x4x32x129xf32, #tpu.memory_space<vmem>> -> memref<1x4x32x128xf32, #tpu.memory_space<vmem>>
      %dma_wait3A_418 = tpu.memref_squeeze %dma_wait3A_417 : memref<1x4x32x128xf32, #tpu.memory_space<vmem>> -> memref<4x32x128xf32, #tpu.memory_space<vmem>>
      %dma_wait3A_419 = arith.constant 0 : i32
      %dma_wait3A_420 = arith.constant 0 : i32
      %dma_wait3A_421 = tpu.memref_slice %arg5[%mul3A_2, %dma_wait3A_419, %dma_wait3A_420] : memref<4096x32x128xf32, #tpu.memory_space<hbm>> -> memref<4x32x128xf32, #tpu.memory_space<hbm>>
      %dma_wait3A_422 = tpu.memref_slice %arg11[%dma_wait3A_413] : memref<2x!tpu.dma_semaphore, #tpu.memory_space<semaphore_mem>> -> memref<1x!tpu.dma_semaphore, #tpu.memory_space<semaphore_mem>>
      %dma_wait3A_423 = tpu.memref_squeeze %dma_wait3A_422 : memref<1x!tpu.dma_semaphore, #tpu.memory_space<semaphore_mem>> -> memref<!tpu.dma_semaphore, #tpu.memory_space<semaphore_mem>>
      %dma_wait3A_424 = arith.constant 0 : i32
      %dma_wait3A_425 = arith.constant 0 : i32
      %dma_wait3A_426 = tpu.memref_slice %arg5[%mul3A_2, %dma_wait3A_424, %dma_wait3A_425] : memref<4096x32x128xf32, #tpu.memory_space<hbm>> -> memref<4x32x128xf32, #tpu.memory_space<hbm>>
      %dma_wait3A_427 = arith.constant 0 : i32
      %dma_wait3A_428 = arith.constant 0 : i32
      %dma_wait3A_429 = arith.constant 0 : i32
      %dma_wait3A_430 = tpu.memref_slice %arg9[%dma_wait3A_412, %dma_wait3A_427, %dma_wait3A_428, %dma_wait3A_429] : memref<2x4x32x129xf32, #tpu.memory_space<vmem>> -> memref<1x4x32x128xf32, #tpu.memory_space<vmem>>
      %dma_wait3A_431 = tpu.memref_squeeze %dma_wait3A_430 : memref<1x4x32x128xf32, #tpu.memory_space<vmem>> -> memref<4x32x128xf32, #tpu.memory_space<vmem>>
      tpu.wait_dma2 semaphore(%dma_wait3A_423 : memref<!tpu.dma_semaphore, #tpu.memory_space<semaphore_mem>>) src(%dma_wait3A_431 : memref<4x32x128xf32, #tpu.memory_space<vmem>>) dst(%dma_wait3A_426 : memref<4x32x128xf32, #tpu.memory_space<hbm>>)
      %iota3A_432 = tpu.iota {dimensions = array<i32: 0>} : vector<16xi32>
      %parallel_loop3A_433 = arith.constant 0 : i32
      %parallel_loop3A_434 = arith.constant 128 : i32
      %parallel_loop3A_435 = arith.constant 1 : i32
      %parallel_loop3A_436 = arith.constant 3 : i32
      %parallel_loop3A_437 = arith.constant 1 : i32
      scf.for %parallel_loop3A_462 = %parallel_loop3A_433 to %parallel_loop3A_434 step %parallel_loop3A_435  : i32 {
        %parallel_loop3A_463 = arith.constant 0 : i32
        %parallel_loop3A_464 = vector.broadcast %parallel_loop3A_463 : i32 to vector<16xi32>
        %parallel_loop3A_465 = vector.broadcast %parallel_loop3A_462 : i32 to vector<16xi32>
        %parallel_loop3A_466 = arith.addi %parallel_loop3A_464, %parallel_loop3A_465 : vector<16xi32>
        %parallel_loop3A_467 = arith.constant 63 : i32
        %parallel_loop3A_468 = arith.minsi %parallel_loop3A_462, %parallel_loop3A_467 : i32
        %parallel_loop3A_469 = arith.constant 0 : i32
        %parallel_loop3A_470 = vector.broadcast %parallel_loop3A_469 : i32 to vector<16xi32>
        %parallel_loop3A_471 = arith.addi %iota3A_432, %parallel_loop3A_470 : vector<16xi32>
        %parallel_loop3A_472 = arith.index_cast %parallel_loop3A_468 : i32 to index
        %parallel_loop3A_473 = arith.constant 0 : index
        %parallel_loop3A_474 = tpu.vector_load %arg7[%parallel_loop3A_472, %parallel_loop3A_473] {strides = array<i32>} : memref<64x32xf32, #tpu.memory_space<vmem>>, vector<16xf32>,
        %parallel_loop3A_475 = arith.constant 0 : i32
        %parallel_loop3A_476 = arith.constant 0 : i32
        %parallel_loop3A_477 = arith.constant 0 : i32
        %parallel_loop3A_478 = arith.constant 0 : i32
        %parallel_loop3A_479 = tpu.memref_slice %arg8[%parallel_loop3A_436, %parallel_loop3A_476, %parallel_loop3A_477, %parallel_loop3A_478] : memref<4x4x128x32xf32, #tpu.memory_space<vmem>> -> memref<1x4x128x32xf32, #tpu.memory_space<vmem>>
        %parallel_loop3A_480 = tpu.memref_squeeze %parallel_loop3A_479 : memref<1x4x128x32xf32, #tpu.memory_space<vmem>> -> memref<4x128x32xf32, #tpu.memory_space<vmem>>
        %parallel_loop3A_481 = arith.index_cast %parallel_loop3A_475 : i32 to index
        %parallel_loop3A_482 = arith.index_cast %parallel_loop3A_462 : i32 to index
        %parallel_loop3A_483 = arith.constant 0 : index
        %parallel_loop3A_484 = tpu.vector_load %parallel_loop3A_480[%parallel_loop3A_481, %parallel_loop3A_482, %parallel_loop3A_483] {strides = array<i32>} : memref<4x128x32xf32, #tpu.memory_space<vmem>>, vector<16xf32>,
        %parallel_loop3A_485 = arith.addf %parallel_loop3A_484, %parallel_loop3A_474 : vector<16xf32>
        %parallel_loop3A_486 = arith.constant 0 : i32
        %parallel_loop3A_487 = arith.constant 0 : i32
        %parallel_loop3A_488 = arith.constant 0 : i32
        %parallel_loop3A_489 = arith.constant 0 : i32
        %parallel_loop3A_490 = tpu.memref_slice %arg9[%parallel_loop3A_437, %parallel_loop3A_487, %parallel_loop3A_488, %parallel_loop3A_489] : memref<2x4x32x129xf32, #tpu.memory_space<vmem>> -> memref<1x4x32x129xf32, #tpu.memory_space<vmem>>
        %parallel_loop3A_491 = tpu.memref_squeeze %parallel_loop3A_490 : memref<1x4x32x129xf32, #tpu.memory_space<vmem>> -> memref<4x32x129xf32, #tpu.memory_space<vmem>>
        %parallel_loop3A_492 = arith.constant 0 : i32
        %parallel_loop3A_493 = arith.constant 0 : i32
        %parallel_loop3A_494 = tpu.memref_slice %parallel_loop3A_491[%parallel_loop3A_486, %parallel_loop3A_492, %parallel_loop3A_493] : memref<4x32x129xf32, #tpu.memory_space<vmem>> -> memref<1x32x129xf32, #tpu.memory_space<vmem>>
        %parallel_loop3A_495 = tpu.memref_squeeze %parallel_loop3A_494 : memref<1x32x129xf32, #tpu.memory_space<vmem>> -> memref<32x129xf32, #tpu.memory_space<vmem>>
        tpu.vector_store_idx %parallel_loop3A_495[%parallel_loop3A_471, %parallel_loop3A_466], %parallel_loop3A_485 : memref<32x129xf32, #tpu.memory_space<vmem>>[vector<16xi32>, vector<16xi32>], vector<16xf32>,
        %parallel_loop3A_496 = arith.constant 1 : i32
        %parallel_loop3A_497 = arith.constant 0 : i32
        %parallel_loop3A_498 = arith.constant 0 : i32
        %parallel_loop3A_499 = arith.constant 0 : i32
        %parallel_loop3A_500 = tpu.memref_slice %arg8[%parallel_loop3A_436, %parallel_loop3A_497, %parallel_loop3A_498, %parallel_loop3A_499] : memref<4x4x128x32xf32, #tpu.memory_space<vmem>> -> memref<1x4x128x32xf32, #tpu.memory_space<vmem>>
        %parallel_loop3A_501 = tpu.memref_squeeze %parallel_loop3A_500 : memref<1x4x128x32xf32, #tpu.memory_space<vmem>> -> memref<4x128x32xf32, #tpu.memory_space<vmem>>
        %parallel_loop3A_502 = arith.index_cast %parallel_loop3A_496 : i32 to index
        %parallel_loop3A_503 = arith.index_cast %parallel_loop3A_462 : i32 to index
        %parallel_loop3A_504 = arith.constant 0 : index
        %parallel_loop3A_505 = tpu.vector_load %parallel_loop3A_501[%parallel_loop3A_502, %parallel_loop3A_503, %parallel_loop3A_504] {strides = array<i32>} : memref<4x128x32xf32, #tpu.memory_space<vmem>>, vector<16xf32>,
        %parallel_loop3A_506 = arith.addf %parallel_loop3A_505, %parallel_loop3A_474 : vector<16xf32>
        %parallel_loop3A_507 = arith.constant 1 : i32
        %parallel_loop3A_508 = arith.constant 0 : i32
        %parallel_loop3A_509 = arith.constant 0 : i32
        %parallel_loop3A_510 = arith.constant 0 : i32
        %parallel_loop3A_511 = tpu.memref_slice %arg9[%parallel_loop3A_437, %parallel_loop3A_508, %parallel_loop3A_509, %parallel_loop3A_510] : memref<2x4x32x129xf32, #tpu.memory_space<vmem>> -> memref<1x4x32x129xf32, #tpu.memory_space<vmem>>
        %parallel_loop3A_512 = tpu.memref_squeeze %parallel_loop3A_511 : memref<1x4x32x129xf32, #tpu.memory_space<vmem>> -> memref<4x32x129xf32, #tpu.memory_space<vmem>>
        %parallel_loop3A_513 = arith.constant 0 : i32
        %parallel_loop3A_514 = arith.constant 0 : i32
        %parallel_loop3A_515 = tpu.memref_slice %parallel_loop3A_512[%parallel_loop3A_507, %parallel_loop3A_513, %parallel_loop3A_514] : memref<4x32x129xf32, #tpu.memory_space<vmem>> -> memref<1x32x129xf32, #tpu.memory_space<vmem>>
        %parallel_loop3A_516 = tpu.memref_squeeze %parallel_loop3A_515 : memref<1x32x129xf32, #tpu.memory_space<vmem>> -> memref<32x129xf32, #tpu.memory_space<vmem>>
        tpu.vector_store_idx %parallel_loop3A_516[%parallel_loop3A_471, %parallel_loop3A_466], %parallel_loop3A_506 : memref<32x129xf32, #tpu.memory_space<vmem>>[vector<16xi32>, vector<16xi32>], vector<16xf32>,
        %parallel_loop3A_517 = arith.constant 2 : i32
        %parallel_loop3A_518 = arith.constant 0 : i32
        %parallel_loop3A_519 = arith.constant 0 : i32
        %parallel_loop3A_520 = arith.constant 0 : i32
        %parallel_loop3A_521 = tpu.memref_slice %arg8[%parallel_loop3A_436, %parallel_loop3A_518, %parallel_loop3A_519, %parallel_loop3A_520] : memref<4x4x128x32xf32, #tpu.memory_space<vmem>> -> memref<1x4x128x32xf32, #tpu.memory_space<vmem>>
        %parallel_loop3A_522 = tpu.memref_squeeze %parallel_loop3A_521 : memref<1x4x128x32xf32, #tpu.memory_space<vmem>> -> memref<4x128x32xf32, #tpu.memory_space<vmem>>
        %parallel_loop3A_523 = arith.index_cast %parallel_loop3A_517 : i32 to index
        %parallel_loop3A_524 = arith.index_cast %parallel_loop3A_462 : i32 to index
        %parallel_loop3A_525 = arith.constant 0 : index
        %parallel_loop3A_526 = tpu.vector_load %parallel_loop3A_522[%parallel_loop3A_523, %parallel_loop3A_524, %parallel_loop3A_525] {strides = array<i32>} : memref<4x128x32xf32, #tpu.memory_space<vmem>>, vector<16xf32>,
        %parallel_loop3A_527 = arith.addf %parallel_loop3A_526, %parallel_loop3A_474 : vector<16xf32>
        %parallel_loop3A_528 = arith.constant 2 : i32
        %parallel_loop3A_529 = arith.constant 0 : i32
        %parallel_loop3A_530 = arith.constant 0 : i32
        %parallel_loop3A_531 = arith.constant 0 : i32
        %parallel_loop3A_532 = tpu.memref_slice %arg9[%parallel_loop3A_437, %parallel_loop3A_529, %parallel_loop3A_530, %parallel_loop3A_531] : memref<2x4x32x129xf32, #tpu.memory_space<vmem>> -> memref<1x4x32x129xf32, #tpu.memory_space<vmem>>
        %parallel_loop3A_533 = tpu.memref_squeeze %parallel_loop3A_532 : memref<1x4x32x129xf32, #tpu.memory_space<vmem>> -> memref<4x32x129xf32, #tpu.memory_space<vmem>>
        %parallel_loop3A_534 = arith.constant 0 : i32
        %parallel_loop3A_535 = arith.constant 0 : i32
        %parallel_loop3A_536 = tpu.memref_slice %parallel_loop3A_533[%parallel_loop3A_528, %parallel_loop3A_534, %parallel_loop3A_535] : memref<4x32x129xf32, #tpu.memory_space<vmem>> -> memref<1x32x129xf32, #tpu.memory_space<vmem>>
        %parallel_loop3A_537 = tpu.memref_squeeze %parallel_loop3A_536 : memref<1x32x129xf32, #tpu.memory_space<vmem>> -> memref<32x129xf32, #tpu.memory_space<vmem>>
        tpu.vector_store_idx %parallel_loop3A_537[%parallel_loop3A_471, %parallel_loop3A_466], %parallel_loop3A_527 : memref<32x129xf32, #tpu.memory_space<vmem>>[vector<16xi32>, vector<16xi32>], vector<16xf32>,
        %parallel_loop3A_538 = arith.constant 3 : i32
        %parallel_loop3A_539 = arith.constant 0 : i32
        %parallel_loop3A_540 = arith.constant 0 : i32
        %parallel_loop3A_541 = arith.constant 0 : i32
        %parallel_loop3A_542 = tpu.memref_slice %arg8[%parallel_loop3A_436, %parallel_loop3A_539, %parallel_loop3A_540, %parallel_loop3A_541] : memref<4x4x128x32xf32, #tpu.memory_space<vmem>> -> memref<1x4x128x32xf32, #tpu.memory_space<vmem>>
        %parallel_loop3A_543 = tpu.memref_squeeze %parallel_loop3A_542 : memref<1x4x128x32xf32, #tpu.memory_space<vmem>> -> memref<4x128x32xf32, #tpu.memory_space<vmem>>
        %parallel_loop3A_544 = arith.index_cast %parallel_loop3A_538 : i32 to index
        %parallel_loop3A_545 = arith.index_cast %parallel_loop3A_462 : i32 to index
        %parallel_loop3A_546 = arith.constant 0 : index
        %parallel_loop3A_547 = tpu.vector_load %parallel_loop3A_543[%parallel_loop3A_544, %parallel_loop3A_545, %parallel_loop3A_546] {strides = array<i32>} : memref<4x128x32xf32, #tpu.memory_space<vmem>>, vector<16xf32>,
        %parallel_loop3A_548 = arith.addf %parallel_loop3A_547, %parallel_loop3A_474 : vector<16xf32>
        %parallel_loop3A_549 = arith.constant 3 : i32
        %parallel_loop3A_550 = arith.constant 0 : i32
        %parallel_loop3A_551 = arith.constant 0 : i32
        %parallel_loop3A_552 = arith.constant 0 : i32
        %parallel_loop3A_553 = tpu.memref_slice %arg9[%parallel_loop3A_437, %parallel_loop3A_550, %parallel_loop3A_551, %parallel_loop3A_552] : memref<2x4x32x129xf32, #tpu.memory_space<vmem>> -> memref<1x4x32x129xf32, #tpu.memory_space<vmem>>
        %parallel_loop3A_554 = tpu.memref_squeeze %parallel_loop3A_553 : memref<1x4x32x129xf32, #tpu.memory_space<vmem>> -> memref<4x32x129xf32, #tpu.memory_space<vmem>>
        %parallel_loop3A_555 = arith.constant 0 : i32
        %parallel_loop3A_556 = arith.constant 0 : i32
        %parallel_loop3A_557 = tpu.memref_slice %parallel_loop3A_554[%parallel_loop3A_549, %parallel_loop3A_555, %parallel_loop3A_556] : memref<4x32x129xf32, #tpu.memory_space<vmem>> -> memref<1x32x129xf32, #tpu.memory_space<vmem>>
        %parallel_loop3A_558 = tpu.memref_squeeze %parallel_loop3A_557 : memref<1x32x129xf32, #tpu.memory_space<vmem>> -> memref<32x129xf32, #tpu.memory_space<vmem>>
        tpu.vector_store_idx %parallel_loop3A_558[%parallel_loop3A_471, %parallel_loop3A_466], %parallel_loop3A_548 : memref<32x129xf32, #tpu.memory_space<vmem>>[vector<16xi32>, vector<16xi32>], vector<16xf32>,
        %parallel_loop3A_559 = arith.constant 16 : i32
        %parallel_loop3A_560 = vector.broadcast %parallel_loop3A_559 : i32 to vector<16xi32>
        %parallel_loop3A_561 = arith.addi %iota3A_432, %parallel_loop3A_560 : vector<16xi32>
        %parallel_loop3A_562 = arith.index_cast %parallel_loop3A_468 : i32 to index
        %parallel_loop3A_563 = arith.constant 16 : index
        %parallel_loop3A_564 = tpu.vector_load %arg7[%parallel_loop3A_562, %parallel_loop3A_563] {strides = array<i32>} : memref<64x32xf32, #tpu.memory_space<vmem>>, vector<16xf32>,
        %parallel_loop3A_565 = arith.constant 0 : i32
        %parallel_loop3A_566 = arith.constant 0 : i32
        %parallel_loop3A_567 = arith.constant 0 : i32
        %parallel_loop3A_568 = arith.constant 0 : i32
        %parallel_loop3A_569 = tpu.memref_slice %arg8[%parallel_loop3A_436, %parallel_loop3A_566, %parallel_loop3A_567, %parallel_loop3A_568] : memref<4x4x128x32xf32, #tpu.memory_space<vmem>> -> memref<1x4x128x32xf32, #tpu.memory_space<vmem>>
        %parallel_loop3A_570 = tpu.memref_squeeze %parallel_loop3A_569 : memref<1x4x128x32xf32, #tpu.memory_space<vmem>> -> memref<4x128x32xf32, #tpu.memory_space<vmem>>
        %parallel_loop3A_571 = arith.index_cast %parallel_loop3A_565 : i32 to index
        %parallel_loop3A_572 = arith.index_cast %parallel_loop3A_462 : i32 to index
        %parallel_loop3A_573 = arith.constant 16 : index
        %parallel_loop3A_574 = tpu.vector_load %parallel_loop3A_570[%parallel_loop3A_571, %parallel_loop3A_572, %parallel_loop3A_573] {strides = array<i32>} : memref<4x128x32xf32, #tpu.memory_space<vmem>>, vector<16xf32>,
        %parallel_loop3A_575 = arith.addf %parallel_loop3A_574, %parallel_loop3A_564 : vector<16xf32>
        %parallel_loop3A_576 = arith.constant 0 : i32
        %parallel_loop3A_577 = arith.constant 0 : i32
        %parallel_loop3A_578 = arith.constant 0 : i32
        %parallel_loop3A_579 = arith.constant 0 : i32
        %parallel_loop3A_580 = tpu.memref_slice %arg9[%parallel_loop3A_437, %parallel_loop3A_577, %parallel_loop3A_578, %parallel_loop3A_579] : memref<2x4x32x129xf32, #tpu.memory_space<vmem>> -> memref<1x4x32x129xf32, #tpu.memory_space<vmem>>
        %parallel_loop3A_581 = tpu.memref_squeeze %parallel_loop3A_580 : memref<1x4x32x129xf32, #tpu.memory_space<vmem>> -> memref<4x32x129xf32, #tpu.memory_space<vmem>>
        %parallel_loop3A_582 = arith.constant 0 : i32
        %parallel_loop3A_583 = arith.constant 0 : i32
        %parallel_loop3A_584 = tpu.memref_slice %parallel_loop3A_581[%parallel_loop3A_576, %parallel_loop3A_582, %parallel_loop3A_583] : memref<4x32x129xf32, #tpu.memory_space<vmem>> -> memref<1x32x129xf32, #tpu.memory_space<vmem>>
        %parallel_loop3A_585 = tpu.memref_squeeze %parallel_loop3A_584 : memref<1x32x129xf32, #tpu.memory_space<vmem>> -> memref<32x129xf32, #tpu.memory_space<vmem>>
        tpu.vector_store_idx %parallel_loop3A_585[%parallel_loop3A_561, %parallel_loop3A_466], %parallel_loop3A_575 : memref<32x129xf32, #tpu.memory_space<vmem>>[vector<16xi32>, vector<16xi32>], vector<16xf32>,
        %parallel_loop3A_586 = arith.constant 1 : i32
        %parallel_loop3A_587 = arith.constant 0 : i32
        %parallel_loop3A_588 = arith.constant 0 : i32
        %parallel_loop3A_589 = arith.constant 0 : i32
        %parallel_loop3A_590 = tpu.memref_slice %arg8[%parallel_loop3A_436, %parallel_loop3A_587, %parallel_loop3A_588, %parallel_loop3A_589] : memref<4x4x128x32xf32, #tpu.memory_space<vmem>> -> memref<1x4x128x32xf32, #tpu.memory_space<vmem>>
        %parallel_loop3A_591 = tpu.memref_squeeze %parallel_loop3A_590 : memref<1x4x128x32xf32, #tpu.memory_space<vmem>> -> memref<4x128x32xf32, #tpu.memory_space<vmem>>
        %parallel_loop3A_592 = arith.index_cast %parallel_loop3A_586 : i32 to index
        %parallel_loop3A_593 = arith.index_cast %parallel_loop3A_462 : i32 to index
        %parallel_loop3A_594 = arith.constant 16 : index
        %parallel_loop3A_595 = tpu.vector_load %parallel_loop3A_591[%parallel_loop3A_592, %parallel_loop3A_593, %parallel_loop3A_594] {strides = array<i32>} : memref<4x128x32xf32, #tpu.memory_space<vmem>>, vector<16xf32>,
        %parallel_loop3A_596 = arith.addf %parallel_loop3A_595, %parallel_loop3A_564 : vector<16xf32>
        %parallel_loop3A_597 = arith.constant 1 : i32
        %parallel_loop3A_598 = arith.constant 0 : i32
        %parallel_loop3A_599 = arith.constant 0 : i32
        %parallel_loop3A_600 = arith.constant 0 : i32
        %parallel_loop3A_601 = tpu.memref_slice %arg9[%parallel_loop3A_437, %parallel_loop3A_598, %parallel_loop3A_599, %parallel_loop3A_600] : memref<2x4x32x129xf32, #tpu.memory_space<vmem>> -> memref<1x4x32x129xf32, #tpu.memory_space<vmem>>
        %parallel_loop3A_602 = tpu.memref_squeeze %parallel_loop3A_601 : memref<1x4x32x129xf32, #tpu.memory_space<vmem>> -> memref<4x32x129xf32, #tpu.memory_space<vmem>>
        %parallel_loop3A_603 = arith.constant 0 : i32
        %parallel_loop3A_604 = arith.constant 0 : i32
        %parallel_loop3A_605 = tpu.memref_slice %parallel_loop3A_602[%parallel_loop3A_597, %parallel_loop3A_603, %parallel_loop3A_604] : memref<4x32x129xf32, #tpu.memory_space<vmem>> -> memref<1x32x129xf32, #tpu.memory_space<vmem>>
        %parallel_loop3A_606 = tpu.memref_squeeze %parallel_loop3A_605 : memref<1x32x129xf32, #tpu.memory_space<vmem>> -> memref<32x129xf32, #tpu.memory_space<vmem>>
        tpu.vector_store_idx %parallel_loop3A_606[%parallel_loop3A_561, %parallel_loop3A_466], %parallel_loop3A_596 : memref<32x129xf32, #tpu.memory_space<vmem>>[vector<16xi32>, vector<16xi32>], vector<16xf32>,
        %parallel_loop3A_607 = arith.constant 2 : i32
        %parallel_loop3A_608 = arith.constant 0 : i32
        %parallel_loop3A_609 = arith.constant 0 : i32
        %parallel_loop3A_610 = arith.constant 0 : i32
        %parallel_loop3A_611 = tpu.memref_slice %arg8[%parallel_loop3A_436, %parallel_loop3A_608, %parallel_loop3A_609, %parallel_loop3A_610] : memref<4x4x128x32xf32, #tpu.memory_space<vmem>> -> memref<1x4x128x32xf32, #tpu.memory_space<vmem>>
        %parallel_loop3A_612 = tpu.memref_squeeze %parallel_loop3A_611 : memref<1x4x128x32xf32, #tpu.memory_space<vmem>> -> memref<4x128x32xf32, #tpu.memory_space<vmem>>
        %parallel_loop3A_613 = arith.index_cast %parallel_loop3A_607 : i32 to index
        %parallel_loop3A_614 = arith.index_cast %parallel_loop3A_462 : i32 to index
        %parallel_loop3A_615 = arith.constant 16 : index
        %parallel_loop3A_616 = tpu.vector_load %parallel_loop3A_612[%parallel_loop3A_613, %parallel_loop3A_614, %parallel_loop3A_615] {strides = array<i32>} : memref<4x128x32xf32, #tpu.memory_space<vmem>>, vector<16xf32>,
        %parallel_loop3A_617 = arith.addf %parallel_loop3A_616, %parallel_loop3A_564 : vector<16xf32>
        %parallel_loop3A_618 = arith.constant 2 : i32
        %parallel_loop3A_619 = arith.constant 0 : i32
        %parallel_loop3A_620 = arith.constant 0 : i32
        %parallel_loop3A_621 = arith.constant 0 : i32
        %parallel_loop3A_622 = tpu.memref_slice %arg9[%parallel_loop3A_437, %parallel_loop3A_619, %parallel_loop3A_620, %parallel_loop3A_621] : memref<2x4x32x129xf32, #tpu.memory_space<vmem>> -> memref<1x4x32x129xf32, #tpu.memory_space<vmem>>
        %parallel_loop3A_623 = tpu.memref_squeeze %parallel_loop3A_622 : memref<1x4x32x129xf32, #tpu.memory_space<vmem>> -> memref<4x32x129xf32, #tpu.memory_space<vmem>>
        %parallel_loop3A_624 = arith.constant 0 : i32
        %parallel_loop3A_625 = arith.constant 0 : i32
        %parallel_loop3A_626 = tpu.memref_slice %parallel_loop3A_623[%parallel_loop3A_618, %parallel_loop3A_624, %parallel_loop3A_625] : memref<4x32x129xf32, #tpu.memory_space<vmem>> -> memref<1x32x129xf32, #tpu.memory_space<vmem>>
        %parallel_loop3A_627 = tpu.memref_squeeze %parallel_loop3A_626 : memref<1x32x129xf32, #tpu.memory_space<vmem>> -> memref<32x129xf32, #tpu.memory_space<vmem>>
        tpu.vector_store_idx %parallel_loop3A_627[%parallel_loop3A_561, %parallel_loop3A_466], %parallel_loop3A_617 : memref<32x129xf32, #tpu.memory_space<vmem>>[vector<16xi32>, vector<16xi32>], vector<16xf32>,
        %parallel_loop3A_628 = arith.constant 3 : i32
        %parallel_loop3A_629 = arith.constant 0 : i32
        %parallel_loop3A_630 = arith.constant 0 : i32
        %parallel_loop3A_631 = arith.constant 0 : i32
        %parallel_loop3A_632 = tpu.memref_slice %arg8[%parallel_loop3A_436, %parallel_loop3A_629, %parallel_loop3A_630, %parallel_loop3A_631] : memref<4x4x128x32xf32, #tpu.memory_space<vmem>> -> memref<1x4x128x32xf32, #tpu.memory_space<vmem>>
        %parallel_loop3A_633 = tpu.memref_squeeze %parallel_loop3A_632 : memref<1x4x128x32xf32, #tpu.memory_space<vmem>> -> memref<4x128x32xf32, #tpu.memory_space<vmem>>
        %parallel_loop3A_634 = arith.index_cast %parallel_loop3A_628 : i32 to index
        %parallel_loop3A_635 = arith.index_cast %parallel_loop3A_462 : i32 to index
        %parallel_loop3A_636 = arith.constant 16 : index
        %parallel_loop3A_637 = tpu.vector_load %parallel_loop3A_633[%parallel_loop3A_634, %parallel_loop3A_635, %parallel_loop3A_636] {strides = array<i32>} : memref<4x128x32xf32, #tpu.memory_space<vmem>>, vector<16xf32>,
        %parallel_loop3A_638 = arith.addf %parallel_loop3A_637, %parallel_loop3A_564 : vector<16xf32>
        %parallel_loop3A_639 = arith.constant 3 : i32
        %parallel_loop3A_640 = arith.constant 0 : i32
        %parallel_loop3A_641 = arith.constant 0 : i32
        %parallel_loop3A_642 = arith.constant 0 : i32
        %parallel_loop3A_643 = tpu.memref_slice %arg9[%parallel_loop3A_437, %parallel_loop3A_640, %parallel_loop3A_641, %parallel_loop3A_642] : memref<2x4x32x129xf32, #tpu.memory_space<vmem>> -> memref<1x4x32x129xf32, #tpu.memory_space<vmem>>
        %parallel_loop3A_644 = tpu.memref_squeeze %parallel_loop3A_643 : memref<1x4x32x129xf32, #tpu.memory_space<vmem>> -> memref<4x32x129xf32, #tpu.memory_space<vmem>>
        %parallel_loop3A_645 = arith.constant 0 : i32
        %parallel_loop3A_646 = arith.constant 0 : i32
        %parallel_loop3A_647 = tpu.memref_slice %parallel_loop3A_644[%parallel_loop3A_639, %parallel_loop3A_645, %parallel_loop3A_646] : memref<4x32x129xf32, #tpu.memory_space<vmem>> -> memref<1x32x129xf32, #tpu.memory_space<vmem>>
        %parallel_loop3A_648 = tpu.memref_squeeze %parallel_loop3A_647 : memref<1x32x129xf32, #tpu.memory_space<vmem>> -> memref<32x129xf32, #tpu.memory_space<vmem>>
        tpu.vector_store_idx %parallel_loop3A_648[%parallel_loop3A_561, %parallel_loop3A_466], %parallel_loop3A_638 : memref<32x129xf32, #tpu.memory_space<vmem>>[vector<16xi32>, vector<16xi32>], vector<16xf32>,
      } {sc.loop_unroll_factor = 1 : i64, sc.parallel_access}
      %mul3A_438 = arith.constant 4 : i32
      %mul3A_439 = arith.muli %add3A_384, %mul3A_438 : i32
      %add3A_440 = arith.addi %mul3A_2, %mul3A_439 : i32
      %dma_start3A_441 = arith.constant 1 : i32
      %dma_start3A_442 = arith.constant 1 : i32
      %dma_start3A_443 = arith.constant 0 : i32
      %dma_start3A_444 = arith.constant 0 : i32
      %dma_start3A_445 = arith.constant 0 : i32
      %dma_start3A_446 = tpu.memref_slice %arg9[%dma_start3A_441, %dma_start3A_443, %dma_start3A_444, %dma_start3A_445] : memref<2x4x32x129xf32, #tpu.memory_space<vmem>> -> memref<1x4x32x128xf32, #tpu.memory_space<vmem>>
      %dma_start3A_447 = tpu.memref_squeeze %dma_start3A_446 : memref<1x4x32x128xf32, #tpu.memory_space<vmem>> -> memref<4x32x128xf32, #tpu.memory_space<vmem>>
      %dma_start3A_448 = arith.constant 0 : i32
      %dma_start3A_449 = arith.constant 0 : i32
      %dma_start3A_450 = tpu.memref_slice %arg5[%add3A_440, %dma_start3A_448, %dma_start3A_449] : memref<4096x32x128xf32, #tpu.memory_space<hbm>> -> memref<4x32x128xf32, #tpu.memory_space<hbm>>
      %dma_start3A_451 = tpu.memref_slice %arg11[%dma_start3A_442] : memref<2x!tpu.dma_semaphore, #tpu.memory_space<semaphore_mem>> -> memref<1x!tpu.dma_semaphore, #tpu.memory_space<semaphore_mem>>
      %dma_start3A_452 = tpu.memref_squeeze %dma_start3A_451 : memref<1x!tpu.dma_semaphore, #tpu.memory_space<semaphore_mem>> -> memref<!tpu.dma_semaphore, #tpu.memory_space<semaphore_mem>>
      %dma_start3A_453 = arith.constant 0 : i32
      %dma_start3A_454 = arith.constant 0 : i32
      %dma_start3A_455 = tpu.memref_slice %arg5[%add3A_440, %dma_start3A_453, %dma_start3A_454] : memref<4096x32x128xf32, #tpu.memory_space<hbm>> -> memref<4x32x128xf32, #tpu.memory_space<hbm>>
      %dma_start3A_456 = arith.constant 0 : i32
      %dma_start3A_457 = arith.constant 0 : i32
      %dma_start3A_458 = arith.constant 0 : i32
      %dma_start3A_459 = tpu.memref_slice %arg9[%dma_start3A_441, %dma_start3A_456, %dma_start3A_457, %dma_start3A_458] : memref<2x4x32x129xf32, #tpu.memory_space<vmem>> -> memref<1x4x32x128xf32, #tpu.memory_space<vmem>>
      %dma_start3A_460 = tpu.memref_squeeze %dma_start3A_459 : memref<1x4x32x128xf32, #tpu.memory_space<vmem>> -> memref<4x32x128xf32, #tpu.memory_space<vmem>>
      tpu.enqueue_dma source(%dma_start3A_460 : memref<4x32x128xf32, #tpu.memory_space<vmem>>) target(%dma_start3A_455 : memref<4x32x128xf32, #tpu.memory_space<hbm>>) target_semaphore(%dma_start3A_452 : memref<!tpu.dma_semaphore, #tpu.memory_space<semaphore_mem>>)
      %scan3A_461 = arith.constant 0 : i32
      scf.yield %scan3A_461 : i32
    }
    %scan3A_135 = arith.constant 8 : i32
    %dma_wait3A = arith.constant 0 : i32
    %dma_wait3A_136 = arith.constant 0 : i32
    %dma_wait3A_137 = arith.constant 0 : i32
    %dma_wait3A_138 = arith.constant 0 : i32
    %dma_wait3A_139 = arith.constant 0 : i32
    %dma_wait3A_140 = tpu.memref_slice %arg9[%dma_wait3A, %dma_wait3A_137, %dma_wait3A_138, %dma_wait3A_139] : memref<2x4x32x129xf32, #tpu.memory_space<vmem>> -> memref<1x4x32x128xf32, #tpu.memory_space<vmem>>
    %dma_wait3A_141 = tpu.memref_squeeze %dma_wait3A_140 : memref<1x4x32x128xf32, #tpu.memory_space<vmem>> -> memref<4x32x128xf32, #tpu.memory_space<vmem>>
    %dma_wait3A_142 = arith.constant 0 : i32
    %dma_wait3A_143 = arith.constant 0 : i32
    %dma_wait3A_144 = tpu.memref_slice %arg5[%mul3A_2, %dma_wait3A_142, %dma_wait3A_143] : memref<4096x32x128xf32, #tpu.memory_space<hbm>> -> memref<4x32x128xf32, #tpu.memory_space<hbm>>
    %dma_wait3A_145 = tpu.memref_slice %arg11[%dma_wait3A_136] : memref<2x!tpu.dma_semaphore, #tpu.memory_space<semaphore_mem>> -> memref<1x!tpu.dma_semaphore, #tpu.memory_space<semaphore_mem>>
    %dma_wait3A_146 = tpu.memref_squeeze %dma_wait3A_145 : memref<1x!tpu.dma_semaphore, #tpu.memory_space<semaphore_mem>> -> memref<!tpu.dma_semaphore, #tpu.memory_space<semaphore_mem>>
    %dma_wait3A_147 = arith.constant 0 : i32
    %dma_wait3A_148 = arith.constant 0 : i32
    %dma_wait3A_149 = tpu.memref_slice %arg5[%mul3A_2, %dma_wait3A_147, %dma_wait3A_148] : memref<4096x32x128xf32, #tpu.memory_space<hbm>> -> memref<4x32x128xf32, #tpu.memory_space<hbm>>
    %dma_wait3A_150 = arith.constant 0 : i32
    %dma_wait3A_151 = arith.constant 0 : i32
    %dma_wait3A_152 = arith.constant 0 : i32
    %dma_wait3A_153 = tpu.memref_slice %arg9[%dma_wait3A, %dma_wait3A_150, %dma_wait3A_151, %dma_wait3A_152] : memref<2x4x32x129xf32, #tpu.memory_space<vmem>> -> memref<1x4x32x128xf32, #tpu.memory_space<vmem>>
    %dma_wait3A_154 = tpu.memref_squeeze %dma_wait3A_153 : memref<1x4x32x128xf32, #tpu.memory_space<vmem>> -> memref<4x32x128xf32, #tpu.memory_space<vmem>>
    tpu.wait_dma2 semaphore(%dma_wait3A_146 : memref<!tpu.dma_semaphore, #tpu.memory_space<semaphore_mem>>) src(%dma_wait3A_154 : memref<4x32x128xf32, #tpu.memory_space<vmem>>) dst(%dma_wait3A_149 : memref<4x32x128xf32, #tpu.memory_space<hbm>>)
    %dma_wait3A_155 = arith.constant 1 : i32
    %dma_wait3A_156 = arith.constant 1 : i32
    %dma_wait3A_157 = arith.constant 0 : i32
    %dma_wait3A_158 = arith.constant 0 : i32
    %dma_wait3A_159 = arith.constant 0 : i32
    %dma_wait3A_160 = tpu.memref_slice %arg9[%dma_wait3A_155, %dma_wait3A_157, %dma_wait3A_158, %dma_wait3A_159] : memref<2x4x32x129xf32, #tpu.memory_space<vmem>> -> memref<1x4x32x128xf32, #tpu.memory_space<vmem>>
    %dma_wait3A_161 = tpu.memref_squeeze %dma_wait3A_160 : memref<1x4x32x128xf32, #tpu.memory_space<vmem>> -> memref<4x32x128xf32, #tpu.memory_space<vmem>>
    %dma_wait3A_162 = arith.constant 0 : i32
    %dma_wait3A_163 = arith.constant 0 : i32
    %dma_wait3A_164 = tpu.memref_slice %arg5[%mul3A_2, %dma_wait3A_162, %dma_wait3A_163] : memref<4096x32x128xf32, #tpu.memory_space<hbm>> -> memref<4x32x128xf32, #tpu.memory_space<hbm>>
    %dma_wait3A_165 = tpu.memref_slice %arg11[%dma_wait3A_156] : memref<2x!tpu.dma_semaphore, #tpu.memory_space<semaphore_mem>> -> memref<1x!tpu.dma_semaphore, #tpu.memory_space<semaphore_mem>>
    %dma_wait3A_166 = tpu.memref_squeeze %dma_wait3A_165 : memref<1x!tpu.dma_semaphore, #tpu.memory_space<semaphore_mem>> -> memref<!tpu.dma_semaphore, #tpu.memory_space<semaphore_mem>>
    %dma_wait3A_167 = arith.constant 0 : i32
    %dma_wait3A_168 = arith.constant 0 : i32
    %dma_wait3A_169 = tpu.memref_slice %arg5[%mul3A_2, %dma_wait3A_167, %dma_wait3A_168] : memref<4096x32x128xf32, #tpu.memory_space<hbm>> -> memref<4x32x128xf32, #tpu.memory_space<hbm>>
    %dma_wait3A_170 = arith.constant 0 : i32
    %dma_wait3A_171 = arith.constant 0 : i32
    %dma_wait3A_172 = arith.constant 0 : i32
    %dma_wait3A_173 = tpu.memref_slice %arg9[%dma_wait3A_155, %dma_wait3A_170, %dma_wait3A_171, %dma_wait3A_172] : memref<2x4x32x129xf32, #tpu.memory_space<vmem>> -> memref<1x4x32x128xf32, #tpu.memory_space<vmem>>
    %dma_wait3A_174 = tpu.memref_squeeze %dma_wait3A_173 : memref<1x4x32x128xf32, #tpu.memory_space<vmem>> -> memref<4x32x128xf32, #tpu.memory_space<vmem>>
    tpu.wait_dma2 semaphore(%dma_wait3A_166 : memref<!tpu.dma_semaphore, #tpu.memory_space<semaphore_mem>>) src(%dma_wait3A_174 : memref<4x32x128xf32, #tpu.memory_space<vmem>>) dst(%dma_wait3A_169 : memref<4x32x128xf32, #tpu.memory_space<hbm>>)
    return
  }
}

</mosaic_0001>

<sc_bundles>
// kernel: kernel.3.cloned.1.call-start
scs
__scs_entry_jumppad:
0x0: {  	(pc) =	sbr.rel $0x88, $3  }
0x1: {  	(tag) =	ssettag $0x0;
	lr =	simm.s32 $0x1  }
0x2: {  	[smem:$0x3F9E] =	sst lr;
	_ =	strace $0xD0000000  }
0x3: {  	_ = 	snop  }
0x4: {  	_ = 	snop  }
0x5: {  	_ = 	snop  }
0x6: {  	_ = 	snop  }
0x7: {  	_ = 	snop  }
__scs_overlays_trampoline_lowered:
0x8: {  	[smem:$0x3FAD] =	sst s0  }
0x9: {  	[smem:$0x3FAE] =	sst s1  }
0xa: {  	[smem:$0x3FAF] =	sst s2  }
0xb: {  	[smem:$0x3FB0] =	sst s3  }
0xc: {  	[smem:$0x3FB1] =	sst s4  }
0xd: {  	[smem:$0x3FB2] =	sst s5  }
0xe: {  	[smem:$0x3FB3] =	sst s6  }
0xf: {  	[smem:$0x3FB4] =	sst s7  }
0x10: {  	[smem:$0x3FB5] =	sst s8  }
0x11: {  	[smem:$0x3FB6] =	sst s9;
	s0 =	simm.s32 @!p0 $0x0  }
0x12: {  	s1 =	sld [smem:$0x3F9C];
	s0 =	simm.s32 @p0 $0x1  }
0x13: {  	[smem:$0x3FB7] =	sst s0;
	s0 =	simm.s32 @!p1 $0x0  }
0x14: {  	s2 =	sld [smem:$0x3F9B];
	s0 =	simm.s32 @p1 $0x1  }
0x15: {  	[smem:$0x3FB8] =	sst s0;
	s0 =	simm.s32 @!p2 $0x0  }
0x16: {  	s3 =	sld [smem:$0x3FDB];
	s0 =	simm.s32 @p2 $0x1  }
0x17: {  	s4 =	simm.s32 $0x1BF5;
	[smem:$0x3FBA] =	sst s0  }
0x18: {  	s0 =	sld [smem:$0x3F9D];
	_ =	swait.ge [sflag:s4], $0x0  }
0x19: {  	s7 =	sld [smem:$0x3F9E]  }
0x1a: {  	s8 =	sadd.s32 $0xFFFFE003, lr  }
0x1b: {  	s9 =	sadd.s32 $0xFFFFFEF7, lr;
	s5 =	simm.s32 $0xFFFFFFFF;
	p2 =	slt.u32 s8, $0xFFFFF086  }
0x1c: {  	p1 =	slt.u32 s9, $0xF7A;
	s5 =	simm.s32 @!p2 $0x0  }
0x1d: {  	s5 =	simm.s32 @p1 $0x1;
	p0 =	seq.s32 s7, s2  }
0x1e: {  	s7 =	smul.u32 @!p0 $0xF7A, s2;
	p2 =	seq.s32 @!p0 s5, $0x0  }
0x1f: {  	s9 =	smul.u32 $0xF7A, s1;
	s8 =	simm.s32 @!p0 $0x1BF5;
	p2 =	por !p2, p0  }
0x20: {  	[sflag:s8] =	ssyncset.s32 @!p0 $0xFFFFF086;
	s6 =	sadd.s32 @!p0 s3, s7;
	s7 =	simm.s32 @!p0 $0x108  }
0x21: {  	s3 =	sadd.s32 s3, s9;
	s6 =	sadd.s32 @!p0 $0x88, s6;
	s7 =	simm.s32 @p2 $0x1082  }
0x22: {  	[simem:s7], [sflag:s8] =	dma.local @!p0 [hbm:s6], $0xF7A  }
0x23: {  	s9 =	sor.u32 $0xD0000000, s2;
	s6 =	simm.s32 $0x108;
	_ =	swait.ge @!p0 [sflag:s8], $0x0  }
0x24: {  	s3 =	sadd.s32 $0x88, s3;
	s6 =	simm.s32 @!p1 $0x1082;
	[sflag:s4] =	ssyncset.s32 $0xFFFFF086  }
0x25: {  	[simem:s6], [sflag:s4] =	dma.local [hbm:s3], $0xF7A  }
0x26: {  	[smem:$0x3F9E] =	sst s1;
	(tag) =	ssettag s2;
	_ =	strace s9  }
0x27: {  	s1 =	sld [smem:$0x3FAE]  }
0x28: {  	s2 =	sld [smem:$0x3FAF]  }
0x29: {  	s4 =	sld [smem:$0x3FB1]  }
0x2a: {  	p0 =	seq.s32 s5, $0x0;
	s5 =	sld [smem:$0x3FB2]  }
0x2b: {  	s6 =	sld [smem:$0x3FB3]  }
0x2c: {  	s7 =	sld [smem:$0x3FB4]  }
0x2d: {  	s3 =	simm.s32 $0x108;
	s8 =	sld [smem:$0x3FB5]  }
0x2e: {  	s3 =	simm.s32 @!p0 $0x1082;
	s9 =	sld [smem:$0x3FB6]  }
0x2f: {  	lr =	sadd.s32 s0, s3;
	s0 =	sld [smem:$0x3FAD]  }
0x30: {  	s3 =	sld [smem:$0x3FB0]  }
0x31: {  	[smem:$0x3FB9] =	sst s10  }
0x32: {  	s10 =	sld [smem:$0x3FB7];
	_ =	sdelay $0x3  }
0x33: {  	p0 =	seq.s32 s10, $0x1;
	s10 =	sld [smem:$0x3FB9];
	_ =	sdelay $0x3  }
0x34: {  	[smem:$0x3FB9] =	sst s10  }
0x35: {  	s10 =	sld [smem:$0x3FB8];
	_ =	sdelay $0x3  }
0x36: {  	p1 =	seq.s32 s10, $0x1;
	s10 =	sld [smem:$0x3FB9];
	_ =	sdelay $0x3  }
0x37: {  	[smem:$0x3FB9] =	sst s10  }
0x38: {  	s10 =	sld [smem:$0x3FBA]  }
0x39: {  	_ = 	snop;
	(pc) =	sbr.ind lr, $3  }
0x3a: {  	_ = 	snop  }
0x3b: {  	_ = 	snop  }
0x3c: {  	p2 =	seq.s32 s10, $0x1;
	s10 =	sld [smem:$0x3FB9]  }
0x3d: {  	_ =	shalt  }
0x3e: {  	_ =	shalt  }
0x3f: {  	_ =	shalt  }
0x40: {  	_ =	shalt  }
0x41: {  	_ =	shalt  }
0x42: {  	_ =	shalt  }
0x43: {  	_ =	shalt  }
0x44: {  	_ =	shalt  }
0x45: {  	_ =	shalt  }
0x46: {  	_ =	shalt  }
0x47: {  	_ =	shalt  }
0x48: {  	_ =	shalt  }
0x49: {  	_ =	shalt  }
0x4a: {  	_ =	shalt  }
0x4b: {  	_ =	shalt  }
0x4c: {  	_ =	shalt  }
0x4d: {  	_ =	shalt  }
0x4e: {  	_ =	shalt  }
0x4f: {  	_ =	shalt  }
0x50: {  	_ =	shalt  }
0x51: {  	_ =	shalt  }
0x52: {  	_ =	shalt  }
0x53: {  	_ =	shalt  }
0x54: {  	_ =	shalt  }
0x55: {  	_ =	shalt  }
0x56: {  	_ =	shalt  }
0x57: {  	_ =	shalt  }
0x58: {  	_ =	shalt  }
0x59: {  	_ =	shalt  }
0x5a: {  	_ =	shalt  }
0x5b: {  	_ =	shalt  }
0x5c: {  	_ =	shalt  }
0x5d: {  	_ =	shalt  }
0x5e: {  	_ =	shalt  }
0x5f: {  	_ =	shalt  }
0x60: {  	_ =	shalt  }
0x61: {  	_ =	shalt  }
0x62: {  	_ =	shalt  }
0x63: {  	_ =	shalt  }
0x64: {  	_ =	shalt  }
0x65: {  	_ =	shalt  }
0x66: {  	_ =	shalt  }
0x67: {  	_ =	shalt  }
0x68: {  	_ =	shalt  }
0x69: {  	_ =	shalt  }
0x6a: {  	_ =	shalt  }
0x6b: {  	_ =	shalt  }
0x6c: {  	_ =	shalt  }
0x6d: {  	_ =	shalt  }
0x6e: {  	_ =	shalt  }
0x6f: {  	_ =	shalt  }
0x70: {  	_ =	shalt  }
0x71: {  	_ =	shalt  }
0x72: {  	_ =	shalt  }
0x73: {  	_ =	shalt  }
0x74: {  	_ =	shalt  }
0x75: {  	_ =	shalt  }
0x76: {  	_ =	shalt  }
0x77: {  	_ =	shalt  }
0x78: {  	_ =	shalt  }
0x79: {  	_ =	shalt  }
0x7a: {  	_ =	shalt  }
0x7b: {  	_ =	shalt  }
0x7c: {  	_ =	shalt  }
0x7d: {  	_ =	shalt  }
0x7e: {  	_ =	shalt  }
0x7f: {  	_ =	shalt  }
0x80: {  	_ =	shalt  }
0x81: {  	_ =	shalt  }
0x82: {  	_ =	shalt  }
0x83: {  	_ =	shalt  }
0x84: {  	_ =	shalt  }
0x85: {  	_ =	shalt  }
0x86: {  	_ =	shalt  }
0x87: {  	_ =	shalt  }
.Lfunc_end0:
.L_simem_size_0:
called_computation_lowered:
.L_overlay_start_0:
0x88: {  	s2 =	sld [smem:$0x3FD9]  }
0x89: {  	s3 =	sld [smem:$0x3FFE];
	_ =	sdelay $0x1  }
0x8a: {  	s1 =	srdreg.scid  }
0x8b: {  	s0 =	sand.u32 $0x1, s1  }
0x8c: {  	s17 =	sshll.u32 s0, $0xA;
	s2 =	sadd.s32 s3, s2  }
0x8d: {  	s2 =	sadd.s32 s2, s17  }
0x8e: {  	[smem:$0x3FC5] =	sst s2  }
0x8f: {  	_ = 	snop  }
0x90: {  	s2 =	sld [smem:$0x3FC9]  }
0x91: {  	s18 =	sld [smem:$0x3FD0];
	(tm) =	ssettm $0x1  }
0x92: {  	s4 =	sld [smem:$0x3FFB];
	_ =	sdelay $0x3  }
0x93: {  	_ =	strace s4  }
0x94: {  	s4 =	sld [smem:$0x3FFC];
	_ =	sdelay $0x3  }
0x95: {  	_ =	strace s4  }
0x96: {  	s4 =	sld [smem:$0x3FFD];
	_ =	sdelay $0x3  }
0x97: {  	_ =	strace s4  }
0x98: {  	_ =	strace $0x8FFFFFFF  }
0x99: {  	s19 =	sld [smem:$0x3FDB];
	_ =	sdelay $0x1  }
0x9a: {  	s5 =	simm.s32 $_scs_section_size  }
0x9b: {  	s6 =	simm.s32 $_size__tile_overlayer_lowered;
	s7 =	simm.s32 $_tile_overlayer_lowered  }
0x9c: {  	s22 =	simm.s32 $0x1BFF;
	s21 =	sshll.u32 s7, $0x1;
	s4 =	sadd.s32 s5, s19  }
0x9d: {  	s8 =	simm.s32 $0x0;
	s20 =	sshll.u32 s6, $0x1;
	s6 =	sadd.s32 s21, s4  }
0x9e: {  	[timem:s8], [sflag:s22] =	dma.local [hbm:s6], s20  }
0x9f: {  	_ =	swait.ge [sflag:s22], s20  }
0xa0: {  	s5 =	ssub.s32 $0x0, s20;
	[sflag:s22] =	ssyncset.done $0x0  }
0xa1: {  	[sflag:s22] =	ssyncadd.s32 s5;
	_ =	sdelay $0x1  }
0xa2: {  	s23 =	simm.s32 $0x1B8B  }
0xa3: {  	_ =	swait.ge [sflag:s23], $0x1  }
0xa4: {  	[sflag:s23] =	ssyncset.done $0x0  }
0xa5: {  	s25 =	simm.s32 $0x1B8E;
	s24 =	sld [smem:$0x3FFE];
	[sflag:s23] =	ssyncadd.s32 $0xFFFFFFFF  }
0xa6: {  	s26 =	simm.s32 $execute0_lowered;
	[smem:$0x3FD2] =	sst s25  }
0xa7: {  	s6 =	sshll.u32 s26, $0x1;
	_ =	strace $0x80000046;
	[dreg:$0x1] =	wrdreg $0xFFFFFFFF  }
0xa8: {  	s28 =	simm.s32 $_size_execute0_lowered;
	s4 =	sadd.s32 s4, s6;
	[dreg:$0x0] =	wrdreg $0x0  }
0xa9: {  	s6 =	sshll.u32 s28, $0x1;
	[dreg:$0x2] =	wrdreg s4  }
0xaa: {  	[dreg:$0x3] =	wrdreg s6  }
0xab: {  	[dreg:$0x4] =	wrdreg $0xC0  }
0xac: {  	_ =	task [dreg:s8], $0x5FFFF  }
0xad: {  	[dreg:$0x1] =	wrdreg $0xFFFFFFFF  }
0xae: {  	[dreg:$0x0] =	wrdreg $0x60  }
0xaf: {  	[dreg:$0x2] =	wrdreg s24  }
0xb0: {  	[dreg:$0x3] =	wrdreg s2  }
0xb1: {  	[dreg:$0x4] =	wrdreg s18  }
0xb2: {  	[dreg:$0x5] =	wrdreg $0x9  }
0xb3: {  	_ =	task.clear_ibuf [dreg:s8], $0x6FFFF;
	_ =	strace $0x90000046  }
0xb4: {  	s29 =	simm.s32 $0x9;
	_ =	strace $0x80000048  }
0xb5: {  	_ =	swait.ge [sflag:s29], $0x1  }
0xb6: {  	[sflag:s29] =	ssyncadd.s32 $0xFFFFFFFF  }
0xb7: {  	_ =	strace $0x90000048  }
0xb8: {  	_ =	sfence  }
0xb9: {  	s30 =	sld [smem:$0x0];
	_ =	sdelay $0x2  }
0xba: {  	s31 =	sshll.u32 s1, $0xD;
	s1 =	sshrl.u32 s1, $0x2  }
0xbb: {  	s3 =	sand.u32 $0x4000, s31;
	s1 =	sadd.s32 s1, s30  }
0xbc: {  	s0 =	sor.u32 s3, s0;
	s1 =	sshll.u32 s1, $0x11  }
0xbd: {  	s0 =	sor.u32 s1, s0  }
0xbe: {  	s0 =	sadd.s32 $0x8F2B, s0  }
0xbf: {  	[sflag:s0] =	ssyncadd.remote.s32 $0x1  }
0xc0: {  	_ =	sfence.sel $0xFFFF  }
0xc1: {  	[dreg:$0x0] =	wrdreg $0xFFFFFFFF;
	(pc) =	sbr.abs _section_cstart, $3  }
0xc2: {  	[dreg:$0x1] =	wrdreg $0xFFFFFFFF  }
0xc3: {  	_ =	task.clear_ibuf [dreg:s8], $0x2FFFF;
	_ =	strace $0x9FFFFFFF  }
0xc4: {  	(tm) =	ssettm $0x7FFFFFFF  }
0xc5: {  	_ =	shalt  }
tec
execute0_lowered:
.L_overlay_start_1:
0x0: {  	(tag) =	ssettag $0x1  }
0x1: {  	s0 =	rddreg [dreg:$0x0]  }
0x2: {  	s1 =	rddreg [dreg:$0x1]  }
0x3: {  	s4 =	rddreg [dreg:$0x2]  }
0x4: {  	s2 =	simm.s32 $0x0;
	s3 =	srdreg.scid;
	s6 =	stileid.u32  }
0x5: {  	s11 =	simm.s32 $0x80;
	s10 =	simm.s32 $0x16A00;
	s12 =	simm.s32 $0x17B00  }
0x6: {  	s18 =	simm.s32 $0x18C00;
	s19 =	simm.s32 $0x19D00;
	s20 =	simm.s32 $0x1AE00  }
0x7: {  	s21 =	simm.s32 $0x1BF00;
	s23 =	simm.s32 $0x5;
	s25 =	simm.s32 $0x6  }
0x8: {  	[smem:$0x7FF] =	sst s2;
	s5 =	sand.u32 $0x1, s3;
	s3 =	sadd.s32 $0x600, s0  }
0x9: {  	s6 =	sshll.u32 s6, $0x8;
	s0 =	sadd.s32 $0x400, s0;
	s7 =	sshll.u32 s5, $0x7  }
0xa: {  	_ =	strace $0x80000047;
	s28 =	ssub.s32 $0x2, s5;
	s29 =	sor.u32 s7, s6  }
0xb: {  	[dreg:$0x4] =	wrdreg s0;
	s30 =	sshrl.u32 s28, $0x1;
	s7 =	sshll.u32 s29, $0x4  }
0xc: {  	v0 =	vlaneseq.u32;
	s5 =	sshll.u32 s29, $0x9;
	s0 =	ssub.s32 s28, s30;
	s1 =	sadd.s32 s1, s7  }
0xd: {  	v0 =	vmul.u32 $0x88, v0;
	s6 =	sadd.s32 s4, s5;
	s0 =	smax.u32 s0, $0x1;
	[dreg:$0x5] =	wrdreg s1  }
0xe: {  	s5 =	simm.s32 $0x0;
	[dreg:$0x6] =	wrdreg s0;
	s31 =	sadd.s32 $0x800, s6  }
0xf: {  	v1 =	vadd.s32 $0x880, v0;
	s0 =	simm.s32 $0x14800;
	s1 =	simm.s32 $0x15900;
	[dreg:$0x7] =	wrdreg s31  }
.LBB2_1:
0x10: {  	[dreg:$0x8] =	wrdreg s5  }
0x11: {  	s4 =	rddreg [dreg:$0x5];
	s30 =	simm.s32 $0x7  }
0x12: {  	[tilespmem:s2], [sflag:$0x7] =	stream.linear.gather [hbm4b:s4+s2], $0x4000, $0x38;
	[tilespmem:$0x1D000] =	vst v63  }
0x13: {  	_ =	swait.ge [sflag:s30], $0x4000  }
0x14: {  	[sflag:s30] =	ssyncset.done $0x0  }
0x15: {  	s7 =	simm.s32 $0x4000;
	s31 =	rddreg [dreg:$0x4];
	[sflag:s30] =	ssyncadd.s32 $0xFFFFC000  }
0x16: {  	[tilespmem:s7], [sflag:$0x7] =	stream.linear.gather [hbm4b:s31+s2], $0x800, $0x38;
	[tilespmem:$0x1D000] =	vst v63  }
0x17: {  	_ =	swait.ge [sflag:s30], $0x800  }
0x18: {  	[sflag:s30] =	ssyncset.done $0x0  }
0x19: {  	s8 =	simm.s32 $0x4800;
	[sflag:s30] =	ssyncadd.s32 $0xFFFFF800  }
0x1a: {  	[tilespmem:s8], [sflag:$0x1] =	stream.indirect.gather [hbm4b:s3+s11], $0x20, s2, s11, $0xb8;
	[tilespmem:$0x1D000] =	vst v63  }
0x1b: {  	s9 =	simm.s32 $0x5800  }
0x1c: {  	[tilespmem:s9], [sflag:$0x1] =	stream.indirect.gather [hbm4b:s3+s11], $0x20, s11, s11, $0xb8;
	[tilespmem:$0x1D000] =	vst v63  }
0x1d: {  	s13 =	simm.s32 $0x100;
	s14 =	simm.s32 $0x6800  }
0x1e: {  	[tilespmem:s14], [sflag:$0x1] =	stream.indirect.gather [hbm4b:s3+s11], $0x20, s13, s11, $0xb8;
	[tilespmem:$0x1D000] =	vst v63  }
0x1f: {  	s15 =	simm.s32 $0x180;
	s16 =	simm.s32 $0x7800  }
0x20: {  	[tilespmem:s16], [sflag:$0x1] =	stream.indirect.gather [hbm4b:s3+s11], $0x20, s15, s11, $0xb8;
	[tilespmem:$0x1D000] =	vst v63  }
0x21: {  	s17 =	simm.s32 $0x200;
	s22 =	simm.s32 $0x8800  }
0x22: {  	[tilespmem:s22], [sflag:$0x2] =	stream.indirect.gather [hbm4b:s3+s11], $0x20, s17, s11, $0xb8;
	[tilespmem:$0x1D000] =	vst v63  }
0x23: {  	s24 =	simm.s32 $0x280;
	s26 =	simm.s32 $0x9800  }
0x24: {  	[tilespmem:s26], [sflag:$0x2] =	stream.indirect.gather [hbm4b:s3+s11], $0x20, s24, s11, $0xb8;
	[tilespmem:$0x1D000] =	vst v63  }
0x25: {  	s28 =	simm.s32 $0x300;
	s29 =	simm.s32 $0xA800  }
0x26: {  	[tilespmem:s29], [sflag:$0x2] =	stream.indirect.gather [hbm4b:s3+s11], $0x20, s28, s11, $0xb8;
	[tilespmem:$0x1D000] =	vst v63  }
0x27: {  	s5 =	simm.s32 $0x0;
	s31 =	simm.s32 $0xB800;
	s30 =	simm.s32 $0x380  }
0x28: {  	[tilespmem:s31], [sflag:$0x2] =	stream.indirect.gather [hbm4b:s3+s11], $0x20, s30, s11, $0xb8;
	[tilespmem:$0x1D000] =	vst v63  }
.LBB2_2:
0x29: {  	s4 =	sshll.u32 s5, $0xD  }
0x2a: {  	s9 =	sor.u32 $0x1000, s4  }
0x2b: {  	s8 =	simm.s32 $0xC800;
	s7 =	sshra.s32 s9, $0x2  }
0x2c: {  	[tilespmem:s8], [sflag:$0x3] =	stream.indirect.gather [hbm4b:s3+s11], $0x20, s7, s11, $0xb8;
	[tilespmem:$0x1D000] =	vst v63  }
0x2d: {  	s13 =	simm.s32 $0xD800;
	s22 =	sor.u32 $0x80, s7  }
0x2e: {  	[tilespmem:s13], [sflag:$0x3] =	stream.indirect.gather [hbm4b:s3+s11], $0x20, s22, s11, $0xb8;
	[tilespmem:$0x1D000] =	vst v63  }
0x2f: {  	s26 =	simm.s32 $0xE800;
	s24 =	sor.u32 $0x100, s7  }
0x30: {  	[tilespmem:s26], [sflag:$0x3] =	stream.indirect.gather [hbm4b:s3+s11], $0x20, s24, s11, $0xb8;
	[tilespmem:$0x1D000] =	vst v63  }
0x31: {  	s14 =	simm.s32 $0xF800;
	s15 =	simm.s32 $0x1;
	s7 =	sor.u32 $0x180, s7  }
0x32: {  	[tilespmem:s14], [sflag:$0x3] =	stream.indirect.gather [hbm4b:s3+s11], $0x20, s7, s11, $0xb8;
	[tilespmem:$0x1D000] =	vst v63  }
0x33: {  	_ =	swait.ge [sflag:s15], $0x4000  }
0x34: {  	p0 =	seq.s32 s5, $0x0;
	[sflag:s15] =	ssyncset.done $0x0  }
0x35: {  	s7 =	simm.s32 @!p0 $0x5;
	[sflag:s15] =	ssyncadd.s32 $0xFFFFC000  }
0x36: {  	_ =	swait.ge @!p0 [sflag:s7], $0x4000  }
0x37: {  	s16 =	simm.s32 $0x0;
	[sflag:s7] =	ssyncset.done @!p0 $0x0  }
0x38: {  	s17 =	smin.u32 s16, $0x3F;
	s8 =	simm.s32 $0x6800;
	[sflag:s7] =	ssyncadd.s32 @!p0 $0xFFFFC000  }
0x39: {  	s14 =	sshll.u32 s17, $0x5;
	v2 =	vld [tilespmem:s8+$0xFFFFE000]  }
0x3a: {  	v3 =	vmov s16;
	v4 =	vld [tilespmem:s14+$0x4000]  }
0x3b: {  	v3 =	vand.u32 $0x7F, v3  }
0x3c: {  	v5 =	vadd.s32 v0, v3;
	_ =	sdelay $0x2  }
0x3d: {  	v2 =	vadd.f32 v2, v4;
	_ =	sdelay $0x1  }
0x3e: {  	s22 =	simm.s32 $0x1;
	[tilespmem:v5+s0+$0x0] =	vst.idx.msk $0xffff, v2  }
0x3f: {  	s15 =	smin.u32 s22, $0x3F;
	s7 =	simm.s32 $0x6820;
	v2 =	vld [tilespmem:s8+$0xFFFFF000]  }
0x40: {  	s16 =	sshll.u32 s15, $0x5;
	v6 =	vld [tilespmem:s7+$0xFFFFE000]  }
0x41: {  	v7 =	vmov s22;
	v9 =	vld [tilespmem:s16+$0x4000]  }
0x42: {  	v7 =	vand.u32 $0x7F, v7  }
0x43: {  	v11 =	vadd.s32 v0, v7  }
0x44: {  	v2 =	vadd.f32 v2, v4;
	_ =	sdelay $0x1  }
0x45: {  	v6 =	vadd.f32 v6, v9;
	[tilespmem:v5+s1+$0x0] =	vst.idx.msk $0xffff, v2  }
0x46: {  	v2 =	vld [tilespmem:s8+$0x0]  }
0x47: {  	s24 =	simm.s32 $0x2;
	[tilespmem:v11+s0+$0x0] =	vst.idx.msk $0xffff, v6  }
0x48: {  	s26 =	simm.s32 $0x6840;
	s17 =	smin.u32 s24, $0x3F;
	v6 =	vld [tilespmem:s7+$0xFFFFF000]  }
0x49: {  	s15 =	sshll.u32 s17, $0x5;
	v8 =	vld [tilespmem:s26+$0xFFFFE000]  }
0x4a: {  	v10 =	vmov s24;
	v12 =	vld [tilespmem:s15+$0x4000]  }
0x4b: {  	v13 =	vand.u32 $0x7F, v10;
	v2 =	vadd.f32 v2, v4  }
0x4c: {  	v14 =	vadd.s32 v0, v13  }
0x4d: {  	v6 =	vadd.f32 v6, v9;
	[tilespmem:v5+s10+$0x0] =	vst.idx.msk $0xffff, v2  }
0x4e: {  	v2 =	vld [tilespmem:s8+$0x1000]  }
0x4f: {  	v8 =	vadd.f32 v8, v12;
	[tilespmem:v11+s1+$0x0] =	vst.idx.msk $0xffff, v6  }
0x50: {  	v10 =	vld [tilespmem:s7+$0x0]  }
0x51: {  	[tilespmem:v14+s0+$0x0] =	vst.idx.msk $0xffff, v8  }
0x52: {  	s17 =	simm.s32 $0x3;
	v15 =	vld [tilespmem:s26+$0xFFFFF000]  }
0x53: {  	s28 =	simm.s32 $0x6860;
	s22 =	smin.u32 s17, $0x3F;
	v2 =	vadd.f32 v2, v4  }
0x54: {  	s13 =	sshll.u32 s22, $0x5;
	v16 =	vld [tilespmem:s28+$0xFFFFE000];
	v4 =	vmov s17  }
0x55: {  	v17 =	vld [tilespmem:s13+$0x4000];
	v6 =	vand.u32 $0x7F, v4;
	v4 =	vadd.f32 v10, v9;
	[tilespmem:v5+s12+$0x0] =	vst.idx.msk $0xffff, v2  }
0x56: {  	v2 =	vld [tilespmem:s14+$0x4010]  }
0x57: {  	v8 =	vadd.s32 v0, v6;
	v5 =	vadd.f32 v15, v12;
	[tilespmem:v11+s10+$0x0] =	vst.idx.msk $0xffff, v4;
	v4 =	vld [tilespmem:s8+$0xFFFFE010]  }
0x58: {  	v10 =	vld [tilespmem:s7+$0x1000]  }
0x59: {  	v3 =	vadd.s32 v1, v3;
	[tilespmem:v14+s1+$0x0] =	vst.idx.msk $0xffff, v5  }
0x5a: {  	v15 =	vadd.f32 v16, v17;
	v5 =	vld [tilespmem:s26+$0x0]  }
0x5b: {  	s29 =	simm.s32 $0x6880;
	s24 =	simm.s32 $0x4  }
0x5c: {  	s22 =	smin.u32 s24, $0x3F;
	v16 =	vld [tilespmem:s29+$0xFFFFE000];
	[tilespmem:v8+s0+$0x0] =	vst.idx.msk $0xffff, v15;
	v4 =	vadd.f32 v4, v2  }
0x5d: {  	s14 =	sshll.u32 s22, $0x5;
	v15 =	vld [tilespmem:s28+$0xFFFFF000];
	v18 =	vadd.f32 v10, v9  }
0x5e: {  	v10 =	vld [tilespmem:s14+$0x4000];
	[tilespmem:v3+s0+$0x0] =	vst.idx.msk $0xffff, v4  }
0x5f: {  	v9 =	vmov s24;
	v5 =	vadd.f32 v5, v12;
	[tilespmem:v11+s12+$0x0] =	vst.idx.msk $0xffff, v18;
	v18 =	vld [tilespmem:s8+$0xFFFFF010]  }
0x60: {  	v9 =	vand.u32 $0x7F, v9;
	v4 =	vld [tilespmem:s16+$0x4010]  }
0x61: {  	v11 =	vadd.s32 v0, v9;
	[tilespmem:v14+s10+$0x0] =	vst.idx.msk $0xffff, v5;
	v19 =	vld [tilespmem:s7+$0xFFFFE010]  }
0x62: {  	v15 =	vadd.f32 v15, v17;
	v20 =	vld [tilespmem:s26+$0x1000]  }
0x63: {  	s30 =	simm.s32 $0x68A0;
	s24 =	simm.s32 $0x5;
	v5 =	vadd.s32 v1, v7  }
0x64: {  	v21 =	vld [tilespmem:s30+$0xFFFFE000];
	s22 =	smin.u32 s24, $0x3F;
	v16 =	vadd.f32 v16, v10;
	[tilespmem:v8+s1+$0x0] =	vst.idx.msk $0xffff, v15  }
0x65: {  	s16 =	sshll.u32 s22, $0x5;
	v7 =	vld [tilespmem:s28+$0x0];
	v15 =	vadd.f32 v18, v2  }
0x66: {  	[tilespmem:v11+s0+$0x0] =	vst.idx.msk $0xffff, v16;
	v16 =	vld [tilespmem:s16+$0x4000];
	v18 =	vadd.f32 v19, v4  }
0x67: {  	v22 =	vld [tilespmem:s29+$0xFFFFF000];
	[tilespmem:v3+s1+$0x0] =	vst.idx.msk $0xffff, v15;
	v15 =	vadd.f32 v20, v12  }
0x68: {  	v12 =	vmov s24;
	v19 =	vld [tilespmem:s8+$0x10];
	[tilespmem:v5+s0+$0x0] =	vst.idx.msk $0xffff, v18  }
0x69: {  	v12 =	vand.u32 $0x7F, v12;
	[tilespmem:v14+s12+$0x0] =	vst.idx.msk $0xffff, v15;
	v14 =	vld [tilespmem:s7+$0xFFFFF010]  }
0x6a: {  	v18 =	vadd.s32 v0, v12;
	v20 =	vadd.f32 v7, v17  }
0x6b: {  	v7 =	vld [tilespmem:s15+$0x4010]  }
0x6c: {  	v15 =	vadd.f32 v22, v10;
	v22 =	vld [tilespmem:s26+$0xFFFFE010];
	[tilespmem:v8+s10+$0x0] =	vst.idx.msk $0xffff, v20  }
0x6d: {  	s31 =	simm.s32 $0x68C0;
	v21 =	vadd.f32 v21, v16;
	v26 =	vld [tilespmem:s28+$0x1000]  }
0x6e: {  	v20 =	vld [tilespmem:s31+$0xFFFFE000];
	v19 =	vadd.f32 v19, v2;
	[tilespmem:v11+s1+$0x0] =	vst.idx.msk $0xffff, v15;
	v14 =	vadd.f32 v14, v4  }
0x6f: {  	v23 =	vld [tilespmem:s29+$0x0];
	[tilespmem:v18+s0+$0x0] =	vst.idx.msk $0xffff, v21  }
0x70: {  	s17 =	simm.s32 $0x6;
	[tilespmem:v3+s10+$0x0] =	vst.idx.msk $0xffff, v19;
	v25 =	vld [tilespmem:s30+$0xFFFFF000]  }
0x71: {  	v13 =	vadd.s32 v1, v13;
	s24 =	smin.u32 s17, $0x3F;
	v21 =	vmov v11;
	v15 =	vld [tilespmem:s8+$0x1010];
	[tilespmem:v5+s1+$0x0] =	vst.idx.msk $0xffff, v14  }
0x72: {  	s22 =	sshll.u32 s24, $0x5;
	s15 =	simm.s32 $0x68C0;
	v24 =	vadd.f32 v22, v7;
	s8 =	simm.s32 $0x7;
	v22 =	vmovc v18;
	v19 =	vld [tilespmem:s7+$0x10];
	v26 =	vadd.f32 v26, v17;
	v14 =	vmovc v5;
	v17 =	vmov v13  }
.LBB2_3:
0x73: {  	v28 =	vmov v13;
	_ =	sdelay $0x3  }
0x74: {  	v27 =	vmov v18  }
0x75: {  	p1 =	sne.s32 s8, $0x7F;
	v13 =	vmov s17;
	s17 =	smov.u32 s8;
	v29 =	vld [tilespmem:s22+$0x4000];
	[tilespmem:v28+s0+$0x0] =	vst.idx.msk $0xffff, v24  }
0x76: {  	v24 =	vand.u32 $0x7F, v13;
	v13 =	vadd.f32 v23, v10;
	[tilespmem:v8+s12+$0x0] =	vst.idx.msk $0xffff, v26;
	v26 =	vld [tilespmem:s26+$0xFFFFF010];
	v8 =	vmovc v11;
	v11 =	vmov v18  }
0x77: {  	v15 =	vadd.f32 v15, v2;
	v2 =	vmovc v4;
	v4 =	vmov v7;
	v18 =	vadd.s32 v0, v24;
	v7 =	vld [tilespmem:s13+$0x4010];
	s13 =	smov.u32 s14;
	s14 =	smov.u32 s16;
	s16 =	smov.u32 s22  }
0x78: {  	v23 =	vadd.f32 v25, v16;
	[tilespmem:v21+s10+$0x0] =	vst.idx.msk $0xffff, v13;
	v30 =	vld [tilespmem:s28+$0xFFFFE010];
	v21 =	vmov v27  }
0x79: {  	s31 =	sadd.s32 $0x20, s31;
	v19 =	vadd.f32 v19, v2;
	v27 =	vld [tilespmem:s29+$0x1000];
	[tilespmem:v3+s12+$0x0] =	vst.idx.msk $0xffff, v15;
	v3 =	vmov v5;
	v5 =	vmov v28  }
.Ltmp0:
0x7a: {  	v13 =	vadd.s32 v1, v6;
	v6 =	vmov v9;
	v15 =	vadd.f32 v20, v29;
	v20 =	vld [tilespmem:s31+$0xFFFFE000];
	[tilespmem:v22+s1+$0x0] =	vst.idx.msk $0xffff, v23;
	(pc) =	sbr.rel @p1 .LBB2_3-.Ltmp0, $4  }
0x7b: {  	v9 =	vmovc v12;
	v12 =	vmov v24;
	v22 =	vmov v18;
	v23 =	vld [tilespmem:s30+$0x0];
	v26 =	vadd.f32 v26, v4;
	[tilespmem:v14+s10+$0x0] =	vst.idx.msk $0xffff, v19  }
0x7c: {  	v14 =	vmov v28;
	[tilespmem:v18+s0+$0x0] =	vst.idx.msk $0xffff, v15;
	v15 =	vld [tilespmem:s7+$0x1010];
	s7 =	smov.u32 s26;
	s26 =	smov.u32 s28;
	s28 =	smov.u32 s29  }
0x7d: {  	s22 =	smin.u32 s8, $0x3F;
	s29 =	smov.u32 s30;
	s30 =	smov.u32 s15;
	v25 =	vld [tilespmem:s15+$0xFFFFF000];
	v24 =	vadd.f32 v30, v7;
	[tilespmem:v17+s1+$0x0] =	vst.idx.msk $0xffff, v26;
	v17 =	vmov v13  }
0x7e: {  	s8 =	sadd.s32 $0x1, s8;
	s22 =	sshll.u32 s22, $0x5;
	s15 =	smov.u32 s31;
	v26 =	vadd.f32 v27, v10;
	v19 =	vld [tilespmem:s7+$0x10];
	v10 =	vmov v16;
	v16 =	vmov v29  }
0x7f: {  	v27 =	vmov s17;
	v28 =	vld [tilespmem:s22+$0x4000]  }
0x80: {  	v27 =	vand.u32 $0x7F, v27  }
0x81: {  	v29 =	vadd.s32 v0, v27;
	_ =	sdelay $0x2  }
0x82: {  	v20 =	vadd.f32 v20, v28;
	_ =	sdelay $0x1  }
0x83: {  	[tilespmem:v29+s0+$0x0] =	vst.idx.msk $0xffff, v20  }
0x84: {  	v20 =	vld [tilespmem:s15+$0xFFFFF000];
	_ =	sdelay $0x2  }
0x85: {  	v25 =	vadd.f32 v25, v16;
	_ =	sdelay $0x1  }
0x86: {  	[tilespmem:v22+s1+$0x0] =	vst.idx.msk $0xffff, v25;
	v20 =	vadd.f32 v20, v28  }
0x87: {  	v22 =	vld [tilespmem:s30+$0x0]  }
0x88: {  	[tilespmem:v29+s1+$0x0] =	vst.idx.msk $0xffff, v20  }
0x89: {  	v20 =	vld [tilespmem:s15+$0x0]  }
0x8a: {  	v23 =	vadd.f32 v23, v10;
	_ =	sdelay $0x1  }
0x8b: {  	[tilespmem:v21+s10+$0x0] =	vst.idx.msk $0xffff, v23;
	v40 =	vadd.f32 v22, v16  }
0x8c: {  	v41 =	vld [tilespmem:s29+$0x1000]  }
0x8d: {  	[tilespmem:v18+s10+$0x0] =	vst.idx.msk $0xffff, v40;
	v20 =	vadd.f32 v20, v28  }
0x8e: {  	v21 =	vld [tilespmem:s30+$0x1000]  }
0x8f: {  	[tilespmem:v29+s10+$0x0] =	vst.idx.msk $0xffff, v20  }
0x90: {  	v20 =	vld [tilespmem:s15+$0x1000]  }
0x91: {  	[tilespmem:v8+s12+$0x0] =	vst.idx.msk $0xffff, v26;
	v42 =	vadd.f32 v41, v10  }
0x92: {  	v43 =	vld [tilespmem:s13+$0x4010]  }
0x93: {  	v44 =	vld [tilespmem:s28+$0xFFFFE010];
	[tilespmem:v11+s12+$0x0] =	vst.idx.msk $0xffff, v42;
	v45 =	vadd.f32 v21, v16  }
0x94: {  	v11 =	vld [tilespmem:s14+$0x4010]  }
0x95: {  	v46 =	vld [tilespmem:s29+$0xFFFFE010];
	[tilespmem:v18+s12+$0x0] =	vst.idx.msk $0xffff, v45;
	v47 =	vadd.f32 v20, v28  }
0x96: {  	v18 =	vld [tilespmem:s16+$0x4010]  }
0x97: {  	v6 =	vadd.s32 v1, v6;
	v48 =	vld [tilespmem:s30+$0xFFFFE010];
	[tilespmem:v29+s12+$0x0] =	vst.idx.msk $0xffff, v47  }
0x98: {  	v9 =	vadd.s32 v1, v9;
	v8 =	vld [tilespmem:s22+$0x4010]  }
0x99: {  	v49 =	vld [tilespmem:s15+$0xFFFFE010]  }
0x9a: {  	v12 =	vadd.s32 v1, v12;
	v22 =	vadd.f32 v44, v43  }
0x9b: {  	[tilespmem:v13+s0+$0x0] =	vst.idx.msk $0xffff, v24;
	v50 =	vadd.s32 v1, v27;
	v16 =	vadd.f32 v46, v11  }
0x9c: {  	v24 =	vld [tilespmem:s26+$0xFFFFF010];
	[tilespmem:v6+s0+$0x0] =	vst.idx.msk $0xffff, v22  }
0x9d: {  	v22 =	vld [tilespmem:s28+$0xFFFFF010];
	[tilespmem:v9+s0+$0x0] =	vst.idx.msk $0xffff, v16;
	v20 =	vadd.f32 v48, v18  }
0x9e: {  	v52 =	vld [tilespmem:s29+$0xFFFFF010];
	v51 =	vadd.f32 v49, v8  }
0x9f: {  	[tilespmem:v12+s0+$0x0] =	vst.idx.msk $0xffff, v20  }
0xa0: {  	v20 =	vld [tilespmem:s30+$0xFFFFF010];
	[tilespmem:v50+s0+$0x0] =	vst.idx.msk $0xffff, v51  }
0xa1: {  	v24 =	vadd.f32 v24, v7;
	v16 =	vld [tilespmem:s15+$0xFFFFF010]  }
0xa2: {  	v22 =	vadd.f32 v22, v43  }
0xa3: {  	[tilespmem:v17+s1+$0x0] =	vst.idx.msk $0xffff, v24;
	v53 =	vadd.f32 v52, v11  }
0xa4: {  	v54 =	vld [tilespmem:s26+$0x10];
	[tilespmem:v6+s1+$0x0] =	vst.idx.msk $0xffff, v22  }
0xa5: {  	v22 =	vld [tilespmem:s28+$0x10];
	[tilespmem:v9+s1+$0x0] =	vst.idx.msk $0xffff, v53;
	v20 =	vadd.f32 v20, v18  }
0xa6: {  	v17 =	vld [tilespmem:s29+$0x10];
	v16 =	vadd.f32 v16, v8  }
0xa7: {  	[tilespmem:v12+s1+$0x0] =	vst.idx.msk $0xffff, v20  }
0xa8: {  	v20 =	vld [tilespmem:s30+$0x10];
	[tilespmem:v50+s1+$0x0] =	vst.idx.msk $0xffff, v16  }
0xa9: {  	v21 =	vadd.f32 v54, v7;
	v56 =	vld [tilespmem:s15+$0x10]  }
0xaa: {  	v57 =	vadd.f32 v22, v43  }
0xab: {  	[tilespmem:v13+s10+$0x0] =	vst.idx.msk $0xffff, v21;
	v17 =	vadd.f32 v17, v11  }
0xac: {  	v55 =	vadd.f32 v19, v4;
	v21 =	vld [tilespmem:s26+$0x1010];
	[tilespmem:v6+s10+$0x0] =	vst.idx.msk $0xffff, v57  }
0xad: {  	v59 =	vld [tilespmem:s28+$0x1010];
	[tilespmem:v9+s10+$0x0] =	vst.idx.msk $0xffff, v17;
	v58 =	vadd.f32 v20, v18  }
0xae: {  	[tilespmem:v14+s10+$0x0] =	vst.idx.msk $0xffff, v55;
	v61 =	vld [tilespmem:s29+$0x1010];
	v60 =	vadd.f32 v56, v8  }
0xaf: {  	v2 =	vadd.f32 v15, v2;
	v16 =	vld [tilespmem:s7+$0x1010];
	[tilespmem:v12+s10+$0x0] =	vst.idx.msk $0xffff, v58  }
0xb0: {  	v14 =	vld [tilespmem:s30+$0x1010];
	[tilespmem:v50+s10+$0x0] =	vst.idx.msk $0xffff, v60  }
0xb1: {  	[tilespmem:v3+s12+$0x0] =	vst.idx.msk $0xffff, v2;
	v2 =	vadd.f32 v21, v7;
	v63 =	vld [tilespmem:s15+$0x1010]  }
0xb2: {  	v3 =	vadd.f32 v59, v43  }
0xb3: {  	[tilespmem:v13+s12+$0x0] =	vst.idx.msk $0xffff, v2;
	v2 =	vadd.f32 v61, v11  }
0xb4: {  	[tilespmem:v6+s12+$0x0] =	vst.idx.msk $0xffff, v3;
	v62 =	vadd.f32 v16, v4  }
0xb5: {  	[tilespmem:v9+s12+$0x0] =	vst.idx.msk $0xffff, v2;
	v3 =	vadd.f32 v14, v18  }
0xb6: {  	[tilespmem:v5+s12+$0x0] =	vst.idx.msk $0xffff, v62;
	v2 =	vadd.f32 v63, v8  }
0xb7: {  	s8 =	simm.s32 $0x14800;
	s7 =	sadd.s32 s4, s6;
	[tilespmem:v12+s12+$0x0] =	vst.idx.msk $0xffff, v3  }
0xb8: {  	s13 =	simm.s32 $0x10;
	s14 =	simm.s32 $0x14888;
	s15 =	sadd.s32 $0x0, s7;
	[tilespmem:v50+s12+$0x0] =	vst.idx.msk $0xffff, v2  }
.LBB2_5:
0xb9: {  	[hbm4b:s15+s2] =	stream.linear.scatter [tilespmem:s8], [sflag:$0x5], $0x80, $0x38;
	[tilespmem:$0x1D000] =	vst v63  }
0xba: {  	s15 =	smov.u32 s13;
	s8 =	smov.u32 s14;
	p1 =	sne.s32 s13, $0x7F0  }
.Ltmp1:
0xbb: {  	s13 =	sadd.s32 $0x10, s13;
	(pc) =	sbr.rel @p1 .LBB2_5-.Ltmp1, $2  }
0xbc: {  	_ =	sdelay $0x2  }
0xbd: {  	s14 =	sadd.s32 $0x88, s14;
	s15 =	sadd.s32 s15, s7  }
0xbe: {  	[hbm4b:s15+s2] =	stream.linear.scatter [tilespmem:s8], [sflag:$0x5], $0x80, $0x38;
	[tilespmem:$0x1D000] =	vst v63  }
0xbf: {  	s7 =	sor.u32 $0x1800, s4  }
0xc0: {  	s13 =	simm.s32 $0x10800;
	s16 =	sshra.s32 s7, $0x2  }
0xc1: {  	[tilespmem:s13], [sflag:$0x4] =	stream.indirect.gather [hbm4b:s3+s11], $0x20, s16, s11, $0xb8;
	[tilespmem:$0x1D000] =	vst v63  }
0xc2: {  	s14 =	simm.s32 $0x11800;
	s17 =	sadd.s32 $0x80, s16  }
0xc3: {  	[tilespmem:s14], [sflag:$0x4] =	stream.indirect.gather [hbm4b:s3+s11], $0x20, s17, s11, $0xb8;
	[tilespmem:$0x1D000] =	vst v63  }
0xc4: {  	s24 =	simm.s32 $0x12800;
	s22 =	sadd.s32 $0x100, s16  }
0xc5: {  	[tilespmem:s24], [sflag:$0x4] =	stream.indirect.gather [hbm4b:s3+s11], $0x20, s22, s11, $0xb8;
	[tilespmem:$0x1D000] =	vst v63  }
0xc6: {  	s26 =	simm.s32 $0x13800;
	s8 =	sadd.s32 $0x180, s16;
	s13 =	simm.s32 $0x2  }
0xc7: {  	[tilespmem:s26], [sflag:$0x4] =	stream.indirect.gather [hbm4b:s3+s11], $0x20, s8, s11, $0xb8;
	[tilespmem:$0x1D000] =	vst v63  }
0xc8: {  	_ =	swait.ge [sflag:s13], $0x4000  }
0xc9: {  	[sflag:s13] =	ssyncset.done $0x0  }
0xca: {  	s8 =	simm.s32 @!p0 $0x6;
	[sflag:s13] =	ssyncadd.s32 $0xFFFFC000  }
0xcb: {  	_ =	swait.ge @!p0 [sflag:s8], $0x4000  }
0xcc: {  	s14 =	simm.s32 $0x0;
	[sflag:s8] =	ssyncset.done @!p0 $0x0  }
0xcd: {  	s31 =	simm.s32 $0x0;
	s16 =	smin.u32 s14, $0x3F;
	[sflag:s8] =	ssyncadd.s32 @!p0 $0xFFFFC000  }
0xce: {  	s15 =	sshll.u32 s16, $0x5;
	v2 =	vld [tilespmem:s31+$0x8800]  }
0xcf: {  	v3 =	vmov s14;
	v4 =	vld [tilespmem:s15+$0x4000]  }
0xd0: {  	v3 =	vand.u32 $0x7F, v3  }
0xd1: {  	v5 =	vadd.s32 v0, v3;
	_ =	sdelay $0x2  }
0xd2: {  	v2 =	vadd.f32 v2, v4;
	_ =	sdelay $0x1  }
0xd3: {  	s17 =	simm.s32 $0x1;
	[tilespmem:v5+s18+$0x0] =	vst.idx.msk $0xffff, v2  }
0xd4: {  	s22 =	smin.u32 s17, $0x3F;
	s26 =	simm.s32 $0x20;
	v2 =	vld [tilespmem:s31+$0x9800]  }
0xd5: {  	s8 =	sshll.u32 s22, $0x5;
	v6 =	vld [tilespmem:s26+$0x8800]  }
0xd6: {  	v7 =	vmov s17;
	v9 =	vld [tilespmem:s8+$0x4000]  }
0xd7: {  	v7 =	vand.u32 $0x7F, v7  }
0xd8: {  	v11 =	vadd.s32 v0, v7  }
0xd9: {  	v2 =	vadd.f32 v2, v4;
	_ =	sdelay $0x1  }
0xda: {  	v6 =	vadd.f32 v6, v9;
	[tilespmem:v5+s19+$0x0] =	vst.idx.msk $0xffff, v2  }
0xdb: {  	v2 =	vld [tilespmem:s31+$0xA800]  }
0xdc: {  	s24 =	simm.s32 $0x2;
	[tilespmem:v11+s18+$0x0] =	vst.idx.msk $0xffff, v6  }
0xdd: {  	s28 =	simm.s32 $0x40;
	s17 =	smin.u32 s24, $0x3F;
	v6 =	vld [tilespmem:s26+$0x9800]  }
0xde: {  	s16 =	sshll.u32 s17, $0x5;
	v8 =	vld [tilespmem:s28+$0x8800]  }
0xdf: {  	v10 =	vmov s24;
	v12 =	vld [tilespmem:s16+$0x4000]  }
0xe0: {  	v13 =	vand.u32 $0x7F, v10;
	v2 =	vadd.f32 v2, v4  }
0xe1: {  	v14 =	vadd.s32 v0, v13  }
0xe2: {  	v6 =	vadd.f32 v6, v9;
	[tilespmem:v5+s20+$0x0] =	vst.idx.msk $0xffff, v2  }
0xe3: {  	v2 =	vld [tilespmem:s31+$0xB800]  }
0xe4: {  	v8 =	vadd.f32 v8, v12;
	[tilespmem:v11+s19+$0x0] =	vst.idx.msk $0xffff, v6  }
0xe5: {  	v10 =	vld [tilespmem:s26+$0xA800]  }
0xe6: {  	[tilespmem:v14+s18+$0x0] =	vst.idx.msk $0xffff, v8  }
0xe7: {  	s22 =	simm.s32 $0x3;
	v15 =	vld [tilespmem:s28+$0x9800]  }
0xe8: {  	s29 =	simm.s32 $0x60;
	s24 =	smin.u32 s22, $0x3F;
	v2 =	vadd.f32 v2, v4  }
0xe9: {  	v16 =	vld [tilespmem:s29+$0x8800];
	s14 =	sshll.u32 s24, $0x5;
	v4 =	vmov s22  }
0xea: {  	v17 =	vld [tilespmem:s14+$0x4000];
	v6 =	vand.u32 $0x7F, v4;
	v4 =	vadd.f32 v10, v9;
	[tilespmem:v5+s21+$0x0] =	vst.idx.msk $0xffff, v2  }
0xeb: {  	v2 =	vld [tilespmem:s15+$0x4010]  }
0xec: {  	v8 =	vadd.s32 v0, v6;
	v5 =	vadd.f32 v15, v12;
	[tilespmem:v11+s20+$0x0] =	vst.idx.msk $0xffff, v4;
	v4 =	vld [tilespmem:s31+$0x8810]  }
0xed: {  	v10 =	vld [tilespmem:s26+$0xB800]  }
0xee: {  	v3 =	vadd.s32 v1, v3;
	[tilespmem:v14+s19+$0x0] =	vst.idx.msk $0xffff, v5  }
0xef: {  	v15 =	vadd.f32 v16, v17;
	v5 =	vld [tilespmem:s28+$0xA800]  }
0xf0: {  	s30 =	simm.s32 $0x80;
	s17 =	simm.s32 $0x4  }
0xf1: {  	s22 =	smin.u32 s17, $0x3F;
	v16 =	vld [tilespmem:s30+$0x8800];
	[tilespmem:v8+s18+$0x0] =	vst.idx.msk $0xffff, v15;
	v4 =	vadd.f32 v4, v2  }
0xf2: {  	s15 =	sshll.u32 s22, $0x5;
	v15 =	vld [tilespmem:s29+$0x9800];
	v18 =	vadd.f32 v10, v9  }
0xf3: {  	v10 =	vld [tilespmem:s15+$0x4000];
	[tilespmem:v3+s18+$0x0] =	vst.idx.msk $0xffff, v4  }
0xf4: {  	v9 =	vmov s17;
	v5 =	vadd.f32 v5, v12;
	[tilespmem:v11+s21+$0x0] =	vst.idx.msk $0xffff, v18;
	v18 =	vld [tilespmem:s31+$0x9810]  }
0xf5: {  	v9 =	vand.u32 $0x7F, v9;
	v4 =	vld [tilespmem:s8+$0x4010]  }
0xf6: {  	v11 =	vadd.s32 v0, v9;
	[tilespmem:v14+s20+$0x0] =	vst.idx.msk $0xffff, v5;
	v19 =	vld [tilespmem:s26+$0x8810]  }
0xf7: {  	v15 =	vadd.f32 v15, v17;
	v20 =	vld [tilespmem:s28+$0xB800]  }
0xf8: {  	s13 =	simm.s32 $0xA0;
	s17 =	simm.s32 $0x5;
	v5 =	vadd.s32 v1, v7  }
0xf9: {  	v21 =	vld [tilespmem:s13+$0x8800];
	s24 =	smin.u32 s17, $0x3F;
	v16 =	vadd.f32 v16, v10;
	[tilespmem:v8+s19+$0x0] =	vst.idx.msk $0xffff, v15  }
0xfa: {  	s8 =	sshll.u32 s24, $0x5;
	v7 =	vld [tilespmem:s29+$0xA800];
	v15 =	vadd.f32 v18, v2  }
0xfb: {  	[tilespmem:v11+s18+$0x0] =	vst.idx.msk $0xffff, v16;
	v16 =	vld [tilespmem:s8+$0x4000];
	v18 =	vadd.f32 v19, v4  }
0xfc: {  	v22 =	vld [tilespmem:s30+$0x9800];
	[tilespmem:v3+s19+$0x0] =	vst.idx.msk $0xffff, v15;
	v15 =	vadd.f32 v20, v12  }
0xfd: {  	v12 =	vmov s17;
	v19 =	vld [tilespmem:s31+$0xA810];
	[tilespmem:v5+s18+$0x0] =	vst.idx.msk $0xffff, v18  }
0xfe: {  	v12 =	vand.u32 $0x7F, v12;
	[tilespmem:v14+s21+$0x0] =	vst.idx.msk $0xffff, v15;
	v14 =	vld [tilespmem:s26+$0x9810]  }
0xff: {  	v18 =	vadd.s32 v0, v12;
	v20 =	vadd.f32 v7, v17  }
0x100: {  	v7 =	vld [tilespmem:s16+$0x4010]  }
0x101: {  	v15 =	vadd.f32 v22, v10;
	v22 =	vld [tilespmem:s28+$0x8810];
	[tilespmem:v8+s20+$0x0] =	vst.idx.msk $0xffff, v20  }
0x102: {  	s16 =	simm.s32 $0xC0;
	v21 =	vadd.f32 v21, v16;
	v26 =	vld [tilespmem:s29+$0xB800]  }
0x103: {  	v20 =	vld [tilespmem:s16+$0x8800];
	v19 =	vadd.f32 v19, v2;
	[tilespmem:v11+s19+$0x0] =	vst.idx.msk $0xffff, v15;
	v14 =	vadd.f32 v14, v4  }
0x104: {  	v23 =	vld [tilespmem:s30+$0xA800];
	[tilespmem:v18+s18+$0x0] =	vst.idx.msk $0xffff, v21  }
0x105: {  	s17 =	simm.s32 $0x6;
	[tilespmem:v3+s20+$0x0] =	vst.idx.msk $0xffff, v19;
	v25 =	vld [tilespmem:s13+$0x9800]  }
0x106: {  	v13 =	vadd.s32 v1, v13;
	s22 =	smin.u32 s17, $0x3F;
	v21 =	vmov v11;
	v15 =	vld [tilespmem:s31+$0xB810];
	[tilespmem:v5+s19+$0x0] =	vst.idx.msk $0xffff, v14  }
0x107: {  	s22 =	sshll.u32 s22, $0x5;
	v24 =	vadd.f32 v22, v7;
	s31 =	simm.s32 $0x380;
	v22 =	vmovc v18;
	v19 =	vld [tilespmem:s26+$0xA810];
	v26 =	vadd.f32 v26, v17;
	v14 =	vmovc v5;
	v17 =	vmov v13  }
.LBB2_7:
0x108: {  	v28 =	vmov v13;
	_ =	sdelay $0x3  }
0x109: {  	v27 =	vmov v18  }
0x10a: {  	p0 =	sne.s32 s31, $0x3F80;
	v13 =	vmov s17;
	s24 =	smov.u32 s16;
	v29 =	vld [tilespmem:s22+$0x4000];
	[tilespmem:v28+s18+$0x0] =	vst.idx.msk $0xffff, v24  }
0x10b: {  	v24 =	vand.u32 $0x7F, v13;
	v13 =	vadd.f32 v23, v10;
	[tilespmem:v8+s21+$0x0] =	vst.idx.msk $0xffff, v26;
	v26 =	vld [tilespmem:s28+$0x9810];
	v8 =	vmovc v11;
	v11 =	vmov v18  }
0x10c: {  	v15 =	vadd.f32 v15, v2;
	v2 =	vmovc v4;
	v4 =	vmov v7;
	v18 =	vadd.s32 v0, v24;
	v7 =	vld [tilespmem:s14+$0x4010];
	s14 =	smov.u32 s15;
	s15 =	smov.u32 s8;
	s8 =	smov.u32 s22  }
0x10d: {  	v23 =	vadd.f32 v25, v16;
	[tilespmem:v21+s20+$0x0] =	vst.idx.msk $0xffff, v13;
	v30 =	vld [tilespmem:s29+$0x8810];
	v21 =	vmov v27  }
0x10e: {  	s16 =	sshra.s32 s31, $0x2;
	v19 =	vadd.f32 v19, v2;
	v27 =	vld [tilespmem:s30+$0xB800];
	[tilespmem:v3+s21+$0x0] =	vst.idx.msk $0xffff, v15;
	v3 =	vmov v5;
	v5 =	vmov v28  }
.Ltmp2:
0x10f: {  	v13 =	vadd.s32 v1, v6;
	v6 =	vmov v9;
	v15 =	vadd.f32 v20, v29;
	v20 =	vld [tilespmem:s16+$0x8800];
	[tilespmem:v22+s19+$0x0] =	vst.idx.msk $0xffff, v23;
	(pc) =	sbr.rel @p0 .LBB2_7-.Ltmp2, $4  }
0x110: {  	v9 =	vmovc v12;
	v12 =	vmov v24;
	v22 =	vmov v18;
	v23 =	vld [tilespmem:s13+$0xA800];
	v26 =	vadd.f32 v26, v4;
	[tilespmem:v14+s20+$0x0] =	vst.idx.msk $0xffff, v19  }
0x111: {  	s17 =	sadd.s32 $0x1, s17;
	v14 =	vmov v28;
	[tilespmem:v18+s18+$0x0] =	vst.idx.msk $0xffff, v15;
	v15 =	vld [tilespmem:s26+$0xB810];
	s26 =	smov.u32 s28;
	s28 =	smov.u32 s29  }
0x112: {  	s22 =	smin.u32 s17, $0x3F;
	s29 =	smov.u32 s30;
	s30 =	smov.u32 s13;
	v25 =	vld [tilespmem:s24+$0x9800];
	v24 =	vadd.f32 v30, v7;
	[tilespmem:v17+s19+$0x0] =	vst.idx.msk $0xffff, v26;
	v17 =	vmov v13  }
0x113: {  	s31 =	sadd.s32 $0x80, s31;
	s22 =	sshll.u32 s22, $0x5;
	s13 =	smov.u32 s24;
	v26 =	vadd.f32 v27, v10;
	v19 =	vld [tilespmem:s26+$0xA810];
	v10 =	vmov v16;
	v16 =	vmov v29  }
0x114: {  	v27 =	vmov s17;
	v28 =	vld [tilespmem:s22+$0x4000]  }
0x115: {  	v27 =	vand.u32 $0x7F, v27  }
0x116: {  	v29 =	vadd.s32 v0, v27;
	_ =	sdelay $0x2  }
0x117: {  	v20 =	vadd.f32 v20, v28;
	_ =	sdelay $0x1  }
0x118: {  	[tilespmem:v29+s18+$0x0] =	vst.idx.msk $0xffff, v20  }
0x119: {  	v20 =	vld [tilespmem:s16+$0x9800];
	_ =	sdelay $0x1  }
0x11a: {  	v25 =	vadd.f32 v25, v16;
	_ =	sdelay $0x1  }
0x11b: {  	[tilespmem:v22+s19+$0x0] =	vst.idx.msk $0xffff, v25  }
0x11c: {  	v22 =	vld [tilespmem:s13+$0xA800];
	v20 =	vadd.f32 v20, v28;
	_ =	sdelay $0x1  }
0x11d: {  	[tilespmem:v29+s19+$0x0] =	vst.idx.msk $0xffff, v20  }
0x11e: {  	v23 =	vadd.f32 v23, v10;
	v20 =	vld [tilespmem:s16+$0xA800];
	_ =	sdelay $0x1  }
0x11f: {  	[tilespmem:v21+s20+$0x0] =	vst.idx.msk $0xffff, v23;
	v40 =	vadd.f32 v22, v16  }
0x120: {  	v41 =	vld [tilespmem:s30+$0xB800]  }
0x121: {  	[tilespmem:v18+s20+$0x0] =	vst.idx.msk $0xffff, v40  }
0x122: {  	v21 =	vld [tilespmem:s13+$0xB800];
	v20 =	vadd.f32 v20, v28;
	_ =	sdelay $0x1  }
0x123: {  	[tilespmem:v29+s20+$0x0] =	vst.idx.msk $0xffff, v20  }
0x124: {  	[tilespmem:v8+s21+$0x0] =	vst.idx.msk $0xffff, v26;
	v42 =	vadd.f32 v41, v10;
	v20 =	vld [tilespmem:s16+$0xB800]  }
0x125: {  	v43 =	vld [tilespmem:s14+$0x4010]  }
0x126: {  	v44 =	vld [tilespmem:s29+$0x8810];
	[tilespmem:v11+s21+$0x0] =	vst.idx.msk $0xffff, v42;
	v45 =	vadd.f32 v21, v16  }
0x127: {  	v11 =	vld [tilespmem:s15+$0x4010]  }
0x128: {  	v46 =	vld [tilespmem:s30+$0x8810];
	[tilespmem:v18+s21+$0x0] =	vst.idx.msk $0xffff, v45  }
0x129: {  	v6 =	vadd.s32 v1, v6;
	v18 =	vld [tilespmem:s8+$0x4010];
	v47 =	vadd.f32 v20, v28  }
0x12a: {  	v9 =	vadd.s32 v1, v9;
	v48 =	vld [tilespmem:s13+$0x8810]  }
0x12b: {  	[tilespmem:v29+s21+$0x0] =	vst.idx.msk $0xffff, v47  }
0x12c: {  	v12 =	vadd.s32 v1, v12;
	v22 =	vadd.f32 v44, v43;
	v8 =	vld [tilespmem:s22+$0x4010]  }
0x12d: {  	[tilespmem:v13+s18+$0x0] =	vst.idx.msk $0xffff, v24;
	v16 =	vadd.f32 v46, v11;
	v49 =	vld [tilespmem:s16+$0x8810]  }
0x12e: {  	v24 =	vld [tilespmem:s28+$0x9810];
	[tilespmem:v6+s18+$0x0] =	vst.idx.msk $0xffff, v22  }
0x12f: {  	v50 =	vadd.s32 v1, v27;
	v22 =	vld [tilespmem:s29+$0x9810];
	[tilespmem:v9+s18+$0x0] =	vst.idx.msk $0xffff, v16;
	v20 =	vadd.f32 v48, v18  }
0x130: {  	v52 =	vld [tilespmem:s30+$0x9810]  }
0x131: {  	[tilespmem:v12+s18+$0x0] =	vst.idx.msk $0xffff, v20  }
0x132: {  	v20 =	vld [tilespmem:s13+$0x9810];
	v51 =	vadd.f32 v49, v8  }
0x133: {  	v24 =	vadd.f32 v24, v7  }
0x134: {  	v22 =	vadd.f32 v22, v43;
	[tilespmem:v50+s18+$0x0] =	vst.idx.msk $0xffff, v51  }
0x135: {  	[tilespmem:v17+s19+$0x0] =	vst.idx.msk $0xffff, v24;
	v53 =	vadd.f32 v52, v11;
	v16 =	vld [tilespmem:s16+$0x9810]  }
0x136: {  	v54 =	vld [tilespmem:s28+$0xA810];
	[tilespmem:v6+s19+$0x0] =	vst.idx.msk $0xffff, v22  }
0x137: {  	v22 =	vld [tilespmem:s29+$0xA810];
	[tilespmem:v9+s19+$0x0] =	vst.idx.msk $0xffff, v53;
	v20 =	vadd.f32 v20, v18  }
0x138: {  	v17 =	vld [tilespmem:s30+$0xA810]  }
0x139: {  	[tilespmem:v12+s19+$0x0] =	vst.idx.msk $0xffff, v20  }
0x13a: {  	v20 =	vld [tilespmem:s13+$0xA810];
	v16 =	vadd.f32 v16, v8  }
0x13b: {  	v21 =	vadd.f32 v54, v7  }
0x13c: {  	v57 =	vadd.f32 v22, v43;
	[tilespmem:v50+s19+$0x0] =	vst.idx.msk $0xffff, v16  }
0x13d: {  	[tilespmem:v13+s20+$0x0] =	vst.idx.msk $0xffff, v21;
	v17 =	vadd.f32 v17, v11;
	v56 =	vld [tilespmem:s16+$0xA810]  }
0x13e: {  	v55 =	vadd.f32 v19, v4;
	v21 =	vld [tilespmem:s28+$0xB810];
	[tilespmem:v6+s20+$0x0] =	vst.idx.msk $0xffff, v57  }
0x13f: {  	v59 =	vld [tilespmem:s29+$0xB810];
	[tilespmem:v9+s20+$0x0] =	vst.idx.msk $0xffff, v17;
	v58 =	vadd.f32 v20, v18  }
0x140: {  	[tilespmem:v14+s20+$0x0] =	vst.idx.msk $0xffff, v55;
	v61 =	vld [tilespmem:s30+$0xB810]  }
0x141: {  	v2 =	vadd.f32 v15, v2;
	v16 =	vld [tilespmem:s26+$0xB810];
	[tilespmem:v12+s20+$0x0] =	vst.idx.msk $0xffff, v58  }
0x142: {  	v14 =	vld [tilespmem:s13+$0xB810];
	v60 =	vadd.f32 v56, v8  }
0x143: {  	[tilespmem:v3+s21+$0x0] =	vst.idx.msk $0xffff, v2;
	v2 =	vadd.f32 v21, v7  }
0x144: {  	v3 =	vadd.f32 v59, v43;
	[tilespmem:v50+s20+$0x0] =	vst.idx.msk $0xffff, v60  }
0x145: {  	[tilespmem:v13+s21+$0x0] =	vst.idx.msk $0xffff, v2;
	v2 =	vadd.f32 v61, v11;
	v63 =	vld [tilespmem:s16+$0xB810]  }
0x146: {  	[tilespmem:v6+s21+$0x0] =	vst.idx.msk $0xffff, v3;
	v62 =	vadd.f32 v16, v4  }
0x147: {  	[tilespmem:v9+s21+$0x0] =	vst.idx.msk $0xffff, v2;
	v3 =	vadd.f32 v14, v18  }
0x148: {  	[tilespmem:v5+s21+$0x0] =	vst.idx.msk $0xffff, v62  }
0x149: {  	[tilespmem:v12+s21+$0x0] =	vst.idx.msk $0xffff, v3  }
0x14a: {  	s31 =	rddreg [dreg:$0x7];
	v2 =	vadd.f32 v63, v8  }
0x14b: {  	s14 =	simm.s32 $0x10;
	s8 =	sadd.s32 s31, s4  }
0x14c: {  	s15 =	simm.s32 $0x18C88;
	s13 =	simm.s32 $0x18C00;
	s16 =	sadd.s32 $0x0, s8;
	[tilespmem:v50+s21+$0x0] =	vst.idx.msk $0xffff, v2  }
.LBB2_9:
0x14d: {  	[hbm4b:s16+s2] =	stream.linear.scatter [tilespmem:s13], [sflag:$0x6], $0x80, $0x38;
	[tilespmem:$0x1D000] =	vst v63  }
0x14e: {  	s16 =	smov.u32 s14;
	s13 =	smov.u32 s15;
	p0 =	sne.s32 s14, $0x7F0  }
.Ltmp3:
0x14f: {  	s14 =	sadd.s32 $0x10, s14;
	(pc) =	sbr.rel @p0 .LBB2_9-.Ltmp3, $2  }
0x150: {  	_ =	sdelay $0x2  }
0x151: {  	s15 =	sadd.s32 $0x88, s15;
	s16 =	sadd.s32 s16, s8  }
0x152: {  	[hbm4b:s16+s2] =	stream.linear.scatter [tilespmem:s13], [sflag:$0x6], $0x80, $0x38;
	[tilespmem:$0x1D000] =	vst v63  }
0x153: {  	p0 =	seq.s32 s5, $0x7  }
0x154: {  	s4 =	sshra.s32 @!p0 s4, $0x2  }
0x155: {  	s13 =	simm.s32 @!p0 $0x80;
	s14 =	simm.s32 @!p0 $0x4800;
	s8 =	sadd.s32 @!p0 $0x800, s4  }
0x156: {  	[tilespmem:s14], [sflag:$0x1] =	stream.indirect.gather @!p0 [hbm4b:s3+s13], $0x20, s8, s13, $0xb8;
	[tilespmem:$0x1D000] =	vst v63  }
0x157: {  	s8 =	sadd.s32 @!p0 $0x880, s4;
	s14 =	simm.s32 @!p0 $0x5800  }
0x158: {  	[tilespmem:s14], [sflag:$0x1] =	stream.indirect.gather @!p0 [hbm4b:s3+s13], $0x20, s8, s13, $0xb8;
	[tilespmem:$0x1D000] =	vst v63  }
0x159: {  	s8 =	sadd.s32 @!p0 $0x900, s4;
	s14 =	simm.s32 @!p0 $0x6800  }
0x15a: {  	[tilespmem:s14], [sflag:$0x1] =	stream.indirect.gather @!p0 [hbm4b:s3+s13], $0x20, s8, s13, $0xb8;
	[tilespmem:$0x1D000] =	vst v63  }
0x15b: {  	s24 =	simm.s32 $0x3;
	s8 =	sadd.s32 @!p0 $0x980, s4;
	s14 =	simm.s32 @!p0 $0x7800  }
0x15c: {  	[tilespmem:s14], [sflag:$0x1] =	stream.indirect.gather @!p0 [hbm4b:s3+s13], $0x20, s8, s13, $0xb8;
	[tilespmem:$0x1D000] =	vst v63  }
0x15d: {  	_ =	swait.ge [sflag:s24], $0x4000  }
0x15e: {  	[sflag:s24] =	ssyncset.done $0x0  }
0x15f: {  	[sflag:s24] =	ssyncadd.s32 $0xFFFFC000  }
0x160: {  	_ =	swait.ge [sflag:s23], $0x4000  }
0x161: {  	s26 =	simm.s32 $0x0;
	[sflag:s23] =	ssyncset.done $0x0  }
0x162: {  	s31 =	simm.s32 $0x0;
	s14 =	smin.u32 s26, $0x3F;
	[sflag:s23] =	ssyncadd.s32 $0xFFFFC000  }
0x163: {  	s13 =	sshll.u32 s14, $0x5;
	v2 =	vld [tilespmem:s31+$0xC800]  }
0x164: {  	v3 =	vmov s26;
	v4 =	vld [tilespmem:s13+$0x4000]  }
0x165: {  	v3 =	vand.u32 $0x7F, v3  }
0x166: {  	v5 =	vadd.s32 v0, v3;
	_ =	sdelay $0x2  }
0x167: {  	v2 =	vadd.f32 v2, v4;
	_ =	sdelay $0x1  }
0x168: {  	s15 =	simm.s32 $0x1;
	[tilespmem:v5+s0+$0x0] =	vst.idx.msk $0xffff, v2  }
0x169: {  	s16 =	smin.u32 s15, $0x3F;
	s26 =	simm.s32 $0x20;
	v2 =	vld [tilespmem:s31+$0xD800]  }
0x16a: {  	s8 =	sshll.u32 s16, $0x5;
	v6 =	vld [tilespmem:s26+$0xC800]  }
0x16b: {  	v7 =	vmov s15;
	v9 =	vld [tilespmem:s8+$0x4000]  }
0x16c: {  	v7 =	vand.u32 $0x7F, v7  }
0x16d: {  	v11 =	vadd.s32 v0, v7  }
0x16e: {  	v2 =	vadd.f32 v2, v4;
	_ =	sdelay $0x1  }
0x16f: {  	v6 =	vadd.f32 v6, v9;
	[tilespmem:v5+s1+$0x0] =	vst.idx.msk $0xffff, v2  }
0x170: {  	v2 =	vld [tilespmem:s31+$0xE800]  }
0x171: {  	s17 =	simm.s32 $0x2;
	[tilespmem:v11+s0+$0x0] =	vst.idx.msk $0xffff, v6  }
0x172: {  	s28 =	simm.s32 $0x40;
	s15 =	smin.u32 s17, $0x3F;
	v6 =	vld [tilespmem:s26+$0xD800]  }
0x173: {  	s16 =	sshll.u32 s15, $0x5;
	v8 =	vld [tilespmem:s28+$0xC800]  }
0x174: {  	v10 =	vmov s17;
	v12 =	vld [tilespmem:s16+$0x4000]  }
0x175: {  	v13 =	vand.u32 $0x7F, v10;
	v2 =	vadd.f32 v2, v4  }
0x176: {  	v14 =	vadd.s32 v0, v13  }
0x177: {  	v6 =	vadd.f32 v6, v9;
	[tilespmem:v5+s10+$0x0] =	vst.idx.msk $0xffff, v2  }
0x178: {  	v2 =	vld [tilespmem:s31+$0xF800]  }
0x179: {  	v8 =	vadd.f32 v8, v12;
	[tilespmem:v11+s1+$0x0] =	vst.idx.msk $0xffff, v6  }
0x17a: {  	v10 =	vld [tilespmem:s26+$0xE800]  }
0x17b: {  	[tilespmem:v14+s0+$0x0] =	vst.idx.msk $0xffff, v8  }
0x17c: {  	s22 =	simm.s32 $0x3;
	v15 =	vld [tilespmem:s28+$0xD800]  }
0x17d: {  	s29 =	simm.s32 $0x60;
	s24 =	smin.u32 s22, $0x3F;
	v2 =	vadd.f32 v2, v4  }
0x17e: {  	s14 =	sshll.u32 s24, $0x5;
	v16 =	vld [tilespmem:s29+$0xC800];
	v4 =	vmov s22  }
0x17f: {  	v17 =	vld [tilespmem:s14+$0x4000];
	v6 =	vand.u32 $0x7F, v4;
	v4 =	vadd.f32 v10, v9;
	[tilespmem:v5+s12+$0x0] =	vst.idx.msk $0xffff, v2  }
0x180: {  	v2 =	vld [tilespmem:s13+$0x4010]  }
0x181: {  	v8 =	vadd.s32 v0, v6;
	v5 =	vadd.f32 v15, v12;
	[tilespmem:v11+s10+$0x0] =	vst.idx.msk $0xffff, v4;
	v4 =	vld [tilespmem:s31+$0xC810]  }
0x182: {  	v10 =	vld [tilespmem:s26+$0xF800]  }
0x183: {  	v3 =	vadd.s32 v1, v3;
	[tilespmem:v14+s1+$0x0] =	vst.idx.msk $0xffff, v5  }
0x184: {  	v15 =	vadd.f32 v16, v17;
	v5 =	vld [tilespmem:s28+$0xE800]  }
0x185: {  	s30 =	simm.s32 $0x80;
	s17 =	simm.s32 $0x4  }
0x186: {  	s22 =	smin.u32 s17, $0x3F;
	v16 =	vld [tilespmem:s30+$0xC800];
	[tilespmem:v8+s0+$0x0] =	vst.idx.msk $0xffff, v15;
	v4 =	vadd.f32 v4, v2  }
0x187: {  	s15 =	sshll.u32 s22, $0x5;
	v15 =	vld [tilespmem:s29+$0xD800];
	v18 =	vadd.f32 v10, v9  }
0x188: {  	v10 =	vld [tilespmem:s15+$0x4000];
	[tilespmem:v3+s0+$0x0] =	vst.idx.msk $0xffff, v4  }
0x189: {  	v9 =	vmov s17;
	v5 =	vadd.f32 v5, v12;
	[tilespmem:v11+s12+$0x0] =	vst.idx.msk $0xffff, v18;
	v18 =	vld [tilespmem:s31+$0xD810]  }
0x18a: {  	v9 =	vand.u32 $0x7F, v9;
	v4 =	vld [tilespmem:s8+$0x4010]  }
0x18b: {  	v11 =	vadd.s32 v0, v9;
	[tilespmem:v14+s10+$0x0] =	vst.idx.msk $0xffff, v5;
	v19 =	vld [tilespmem:s26+$0xC810]  }
0x18c: {  	v15 =	vadd.f32 v15, v17;
	v20 =	vld [tilespmem:s28+$0xF800]  }
0x18d: {  	s13 =	simm.s32 $0xA0;
	s17 =	simm.s32 $0x5;
	v5 =	vadd.s32 v1, v7  }
0x18e: {  	v21 =	vld [tilespmem:s13+$0xC800];
	s24 =	smin.u32 s17, $0x3F;
	v16 =	vadd.f32 v16, v10;
	[tilespmem:v8+s1+$0x0] =	vst.idx.msk $0xffff, v15  }
0x18f: {  	s8 =	sshll.u32 s24, $0x5;
	v7 =	vld [tilespmem:s29+$0xE800];
	v15 =	vadd.f32 v18, v2  }
0x190: {  	[tilespmem:v11+s0+$0x0] =	vst.idx.msk $0xffff, v16;
	v16 =	vld [tilespmem:s8+$0x4000];
	v18 =	vadd.f32 v19, v4  }
0x191: {  	v22 =	vld [tilespmem:s30+$0xD800];
	[tilespmem:v3+s1+$0x0] =	vst.idx.msk $0xffff, v15;
	v15 =	vadd.f32 v20, v12  }
0x192: {  	v12 =	vmov s17;
	v19 =	vld [tilespmem:s31+$0xE810];
	[tilespmem:v5+s0+$0x0] =	vst.idx.msk $0xffff, v18  }
0x193: {  	v12 =	vand.u32 $0x7F, v12;
	[tilespmem:v14+s12+$0x0] =	vst.idx.msk $0xffff, v15;
	v14 =	vld [tilespmem:s26+$0xD810]  }
0x194: {  	v18 =	vadd.s32 v0, v12;
	v20 =	vadd.f32 v7, v17  }
0x195: {  	v7 =	vld [tilespmem:s16+$0x4010]  }
0x196: {  	v15 =	vadd.f32 v22, v10;
	v22 =	vld [tilespmem:s28+$0xC810];
	[tilespmem:v8+s10+$0x0] =	vst.idx.msk $0xffff, v20  }
0x197: {  	s16 =	simm.s32 $0xC0;
	v21 =	vadd.f32 v21, v16;
	v26 =	vld [tilespmem:s29+$0xF800]  }
0x198: {  	v20 =	vld [tilespmem:s16+$0xC800];
	v19 =	vadd.f32 v19, v2;
	[tilespmem:v11+s1+$0x0] =	vst.idx.msk $0xffff, v15;
	v14 =	vadd.f32 v14, v4  }
0x199: {  	v23 =	vld [tilespmem:s30+$0xE800];
	[tilespmem:v18+s0+$0x0] =	vst.idx.msk $0xffff, v21  }
0x19a: {  	s17 =	simm.s32 $0x6;
	[tilespmem:v3+s10+$0x0] =	vst.idx.msk $0xffff, v19;
	v25 =	vld [tilespmem:s13+$0xD800]  }
0x19b: {  	v13 =	vadd.s32 v1, v13;
	s22 =	smin.u32 s17, $0x3F;
	v21 =	vmov v11;
	v15 =	vld [tilespmem:s31+$0xF810];
	[tilespmem:v5+s1+$0x0] =	vst.idx.msk $0xffff, v14  }
0x19c: {  	s22 =	sshll.u32 s22, $0x5;
	v24 =	vadd.f32 v22, v7;
	s31 =	simm.s32 $0x380;
	v22 =	vmovc v18;
	v19 =	vld [tilespmem:s26+$0xE810];
	v26 =	vadd.f32 v26, v17;
	v14 =	vmovc v5;
	v17 =	vmov v13  }
.LBB2_11:
0x19d: {  	v28 =	vmov v13;
	_ =	sdelay $0x3  }
0x19e: {  	v27 =	vmov v18  }
0x19f: {  	p1 =	sne.s32 s31, $0x3F80;
	v13 =	vmov s17;
	s24 =	smov.u32 s16;
	v29 =	vld [tilespmem:s22+$0x4000];
	[tilespmem:v28+s0+$0x0] =	vst.idx.msk $0xffff, v24  }
0x1a0: {  	v24 =	vand.u32 $0x7F, v13;
	v13 =	vadd.f32 v23, v10;
	[tilespmem:v8+s12+$0x0] =	vst.idx.msk $0xffff, v26;
	v26 =	vld [tilespmem:s28+$0xD810];
	v8 =	vmovc v11;
	v11 =	vmov v18  }
0x1a1: {  	v15 =	vadd.f32 v15, v2;
	v2 =	vmovc v4;
	v4 =	vmov v7;
	v18 =	vadd.s32 v0, v24;
	v7 =	vld [tilespmem:s14+$0x4010];
	s14 =	smov.u32 s15;
	s15 =	smov.u32 s8;
	s8 =	smov.u32 s22  }
0x1a2: {  	v23 =	vadd.f32 v25, v16;
	[tilespmem:v21+s10+$0x0] =	vst.idx.msk $0xffff, v13;
	v30 =	vld [tilespmem:s29+$0xC810];
	v21 =	vmov v27  }
0x1a3: {  	s16 =	sshra.s32 s31, $0x2;
	v19 =	vadd.f32 v19, v2;
	v27 =	vld [tilespmem:s30+$0xF800];
	[tilespmem:v3+s12+$0x0] =	vst.idx.msk $0xffff, v15;
	v3 =	vmov v5;
	v5 =	vmov v28  }
.Ltmp4:
0x1a4: {  	v13 =	vadd.s32 v1, v6;
	v6 =	vmov v9;
	v15 =	vadd.f32 v20, v29;
	v20 =	vld [tilespmem:s16+$0xC800];
	[tilespmem:v22+s1+$0x0] =	vst.idx.msk $0xffff, v23;
	(pc) =	sbr.rel @p1 .LBB2_11-.Ltmp4, $4  }
0x1a5: {  	v9 =	vmovc v12;
	v12 =	vmov v24;
	v22 =	vmov v18;
	v23 =	vld [tilespmem:s13+$0xE800];
	v26 =	vadd.f32 v26, v4;
	[tilespmem:v14+s10+$0x0] =	vst.idx.msk $0xffff, v19  }
0x1a6: {  	s17 =	sadd.s32 $0x1, s17;
	v14 =	vmov v28;
	[tilespmem:v18+s0+$0x0] =	vst.idx.msk $0xffff, v15;
	v15 =	vld [tilespmem:s26+$0xF810];
	s26 =	smov.u32 s28;
	s28 =	smov.u32 s29  }
0x1a7: {  	s22 =	smin.u32 s17, $0x3F;
	s29 =	smov.u32 s30;
	s30 =	smov.u32 s13;
	v25 =	vld [tilespmem:s24+$0xD800];
	v24 =	vadd.f32 v30, v7;
	[tilespmem:v17+s1+$0x0] =	vst.idx.msk $0xffff, v26;
	v17 =	vmov v13  }
0x1a8: {  	s31 =	sadd.s32 $0x80, s31;
	s22 =	sshll.u32 s22, $0x5;
	s13 =	smov.u32 s24;
	v26 =	vadd.f32 v27, v10;
	v19 =	vld [tilespmem:s26+$0xE810];
	v10 =	vmov v16;
	v16 =	vmov v29  }
0x1a9: {  	v27 =	vmov s17;
	v28 =	vld [tilespmem:s22+$0x4000]  }
0x1aa: {  	v27 =	vand.u32 $0x7F, v27  }
0x1ab: {  	v29 =	vadd.s32 v0, v27;
	_ =	sdelay $0x2  }
0x1ac: {  	v20 =	vadd.f32 v20, v28;
	_ =	sdelay $0x1  }
0x1ad: {  	[tilespmem:v29+s0+$0x0] =	vst.idx.msk $0xffff, v20  }
0x1ae: {  	v20 =	vld [tilespmem:s16+$0xD800];
	_ =	sdelay $0x2  }
0x1af: {  	v25 =	vadd.f32 v25, v16;
	_ =	sdelay $0x1  }
0x1b0: {  	[tilespmem:v22+s1+$0x0] =	vst.idx.msk $0xffff, v25;
	v20 =	vadd.f32 v20, v28  }
0x1b1: {  	v22 =	vld [tilespmem:s13+$0xE800]  }
0x1b2: {  	[tilespmem:v29+s1+$0x0] =	vst.idx.msk $0xffff, v20  }
0x1b3: {  	v20 =	vld [tilespmem:s16+$0xE800]  }
0x1b4: {  	v23 =	vadd.f32 v23, v10;
	_ =	sdelay $0x1  }
0x1b5: {  	[tilespmem:v21+s10+$0x0] =	vst.idx.msk $0xffff, v23;
	v40 =	vadd.f32 v22, v16  }
0x1b6: {  	v41 =	vld [tilespmem:s30+$0xF800]  }
0x1b7: {  	[tilespmem:v18+s10+$0x0] =	vst.idx.msk $0xffff, v40;
	v20 =	vadd.f32 v20, v28  }
0x1b8: {  	v21 =	vld [tilespmem:s13+$0xF800]  }
0x1b9: {  	[tilespmem:v29+s10+$0x0] =	vst.idx.msk $0xffff, v20  }
0x1ba: {  	v20 =	vld [tilespmem:s16+$0xF800]  }
0x1bb: {  	[tilespmem:v8+s12+$0x0] =	vst.idx.msk $0xffff, v26;
	v42 =	vadd.f32 v41, v10  }
0x1bc: {  	v43 =	vld [tilespmem:s14+$0x4010]  }
0x1bd: {  	v44 =	vld [tilespmem:s29+$0xC810];
	[tilespmem:v11+s12+$0x0] =	vst.idx.msk $0xffff, v42;
	v45 =	vadd.f32 v21, v16  }
0x1be: {  	v11 =	vld [tilespmem:s15+$0x4010]  }
0x1bf: {  	v46 =	vld [tilespmem:s30+$0xC810];
	[tilespmem:v18+s12+$0x0] =	vst.idx.msk $0xffff, v45;
	v47 =	vadd.f32 v20, v28  }
0x1c0: {  	v18 =	vld [tilespmem:s8+$0x4010]  }
0x1c1: {  	v6 =	vadd.s32 v1, v6;
	v48 =	vld [tilespmem:s13+$0xC810];
	[tilespmem:v29+s12+$0x0] =	vst.idx.msk $0xffff, v47  }
0x1c2: {  	v9 =	vadd.s32 v1, v9;
	v8 =	vld [tilespmem:s22+$0x4010]  }
0x1c3: {  	v49 =	vld [tilespmem:s16+$0xC810]  }
0x1c4: {  	v12 =	vadd.s32 v1, v12;
	v22 =	vadd.f32 v44, v43  }
0x1c5: {  	[tilespmem:v13+s0+$0x0] =	vst.idx.msk $0xffff, v24;
	v50 =	vadd.s32 v1, v27;
	v16 =	vadd.f32 v46, v11  }
0x1c6: {  	v24 =	vld [tilespmem:s28+$0xD810];
	[tilespmem:v6+s0+$0x0] =	vst.idx.msk $0xffff, v22  }
0x1c7: {  	v22 =	vld [tilespmem:s29+$0xD810];
	[tilespmem:v9+s0+$0x0] =	vst.idx.msk $0xffff, v16;
	v20 =	vadd.f32 v48, v18  }
0x1c8: {  	v52 =	vld [tilespmem:s30+$0xD810];
	v51 =	vadd.f32 v49, v8  }
0x1c9: {  	[tilespmem:v12+s0+$0x0] =	vst.idx.msk $0xffff, v20  }
0x1ca: {  	v20 =	vld [tilespmem:s13+$0xD810];
	[tilespmem:v50+s0+$0x0] =	vst.idx.msk $0xffff, v51  }
0x1cb: {  	v24 =	vadd.f32 v24, v7;
	v16 =	vld [tilespmem:s16+$0xD810]  }
0x1cc: {  	v22 =	vadd.f32 v22, v43  }
0x1cd: {  	[tilespmem:v17+s1+$0x0] =	vst.idx.msk $0xffff, v24;
	v53 =	vadd.f32 v52, v11  }
0x1ce: {  	v54 =	vld [tilespmem:s28+$0xE810];
	[tilespmem:v6+s1+$0x0] =	vst.idx.msk $0xffff, v22  }
0x1cf: {  	v22 =	vld [tilespmem:s29+$0xE810];
	[tilespmem:v9+s1+$0x0] =	vst.idx.msk $0xffff, v53;
	v20 =	vadd.f32 v20, v18  }
0x1d0: {  	v17 =	vld [tilespmem:s30+$0xE810];
	v16 =	vadd.f32 v16, v8  }
0x1d1: {  	[tilespmem:v12+s1+$0x0] =	vst.idx.msk $0xffff, v20  }
0x1d2: {  	v20 =	vld [tilespmem:s13+$0xE810];
	[tilespmem:v50+s1+$0x0] =	vst.idx.msk $0xffff, v16  }
0x1d3: {  	v21 =	vadd.f32 v54, v7;
	v56 =	vld [tilespmem:s16+$0xE810]  }
0x1d4: {  	v57 =	vadd.f32 v22, v43  }
0x1d5: {  	[tilespmem:v13+s10+$0x0] =	vst.idx.msk $0xffff, v21;
	v17 =	vadd.f32 v17, v11  }
0x1d6: {  	v55 =	vadd.f32 v19, v4;
	v21 =	vld [tilespmem:s28+$0xF810];
	[tilespmem:v6+s10+$0x0] =	vst.idx.msk $0xffff, v57  }
0x1d7: {  	v59 =	vld [tilespmem:s29+$0xF810];
	[tilespmem:v9+s10+$0x0] =	vst.idx.msk $0xffff, v17;
	v58 =	vadd.f32 v20, v18  }
0x1d8: {  	[tilespmem:v14+s10+$0x0] =	vst.idx.msk $0xffff, v55;
	v61 =	vld [tilespmem:s30+$0xF810];
	v60 =	vadd.f32 v56, v8  }
0x1d9: {  	v2 =	vadd.f32 v15, v2;
	v16 =	vld [tilespmem:s26+$0xF810];
	[tilespmem:v12+s10+$0x0] =	vst.idx.msk $0xffff, v58  }
0x1da: {  	v14 =	vld [tilespmem:s13+$0xF810];
	[tilespmem:v50+s10+$0x0] =	vst.idx.msk $0xffff, v60  }
0x1db: {  	[tilespmem:v3+s12+$0x0] =	vst.idx.msk $0xffff, v2;
	v2 =	vadd.f32 v21, v7;
	v63 =	vld [tilespmem:s16+$0xF810]  }
0x1dc: {  	v3 =	vadd.f32 v59, v43  }
0x1dd: {  	[tilespmem:v13+s12+$0x0] =	vst.idx.msk $0xffff, v2;
	v2 =	vadd.f32 v61, v11  }
0x1de: {  	[tilespmem:v6+s12+$0x0] =	vst.idx.msk $0xffff, v3;
	v62 =	vadd.f32 v16, v4  }
0x1df: {  	[tilespmem:v9+s12+$0x0] =	vst.idx.msk $0xffff, v2;
	v3 =	vadd.f32 v14, v18  }
0x1e0: {  	[tilespmem:v5+s12+$0x0] =	vst.idx.msk $0xffff, v62;
	v2 =	vadd.f32 v63, v8  }
0x1e1: {  	s14 =	simm.s32 $0x14888;
	s8 =	sadd.s32 s9, s6;
	[tilespmem:v12+s12+$0x0] =	vst.idx.msk $0xffff, v3  }
0x1e2: {  	s9 =	simm.s32 $0x14800;
	s15 =	sadd.s32 $0x0, s8;
	s13 =	simm.s32 $0x10;
	[tilespmem:v50+s12+$0x0] =	vst.idx.msk $0xffff, v2  }
.LBB2_13:
0x1e3: {  	[hbm4b:s15+s2] =	stream.linear.scatter [tilespmem:s9], [sflag:$0x5], $0x80, $0x38;
	[tilespmem:$0x1D000] =	vst v63  }
0x1e4: {  	s15 =	smov.u32 s13;
	s9 =	smov.u32 s14;
	p1 =	sne.s32 s13, $0x7F0  }
.Ltmp5:
0x1e5: {  	s13 =	sadd.s32 $0x10, s13;
	(pc) =	sbr.rel @p1 .LBB2_13-.Ltmp5, $2  }
0x1e6: {  	_ =	sdelay $0x2  }
0x1e7: {  	s14 =	sadd.s32 $0x88, s14;
	s15 =	sadd.s32 s15, s8  }
0x1e8: {  	[hbm4b:s15+s2] =	stream.linear.scatter [tilespmem:s9], [sflag:$0x5], $0x80, $0x38;
	[tilespmem:$0x1D000] =	vst v63  }
0x1e9: {  	s8 =	sadd.s32 @!p0 $0xA00, s4;
	s9 =	simm.s32 @!p0 $0x80;
	s13 =	simm.s32 @!p0 $0x8800  }
0x1ea: {  	[tilespmem:s13], [sflag:$0x2] =	stream.indirect.gather @!p0 [hbm4b:s3+s9], $0x20, s8, s9, $0xb8;
	[tilespmem:$0x1D000] =	vst v63  }
0x1eb: {  	s8 =	sadd.s32 @!p0 $0xA80, s4;
	s13 =	simm.s32 @!p0 $0x9800  }
0x1ec: {  	[tilespmem:s13], [sflag:$0x2] =	stream.indirect.gather @!p0 [hbm4b:s3+s9], $0x20, s8, s9, $0xb8;
	[tilespmem:$0x1D000] =	vst v63  }
0x1ed: {  	s8 =	sadd.s32 @!p0 $0xB00, s4;
	s13 =	simm.s32 @!p0 $0xA800  }
0x1ee: {  	[tilespmem:s13], [sflag:$0x2] =	stream.indirect.gather @!p0 [hbm4b:s3+s9], $0x20, s8, s9, $0xb8;
	[tilespmem:$0x1D000] =	vst v63  }
0x1ef: {  	s24 =	simm.s32 $0x4;
	s4 =	sadd.s32 @!p0 $0xB80, s4;
	s8 =	simm.s32 @!p0 $0xB800  }
0x1f0: {  	[tilespmem:s8], [sflag:$0x2] =	stream.indirect.gather @!p0 [hbm4b:s3+s9], $0x20, s4, s9, $0xb8;
	[tilespmem:$0x1D000] =	vst v63  }
0x1f1: {  	_ =	swait.ge [sflag:s24], $0x4000  }
0x1f2: {  	[sflag:s24] =	ssyncset.done $0x0  }
0x1f3: {  	[sflag:s24] =	ssyncadd.s32 $0xFFFFC000  }
0x1f4: {  	_ =	swait.ge [sflag:s25], $0x4000  }
0x1f5: {  	s26 =	simm.s32 $0x0;
	[sflag:s25] =	ssyncset.done $0x0  }
0x1f6: {  	s29 =	simm.s32 $0x0;
	s30 =	smin.u32 s26, $0x3F;
	[sflag:s25] =	ssyncadd.s32 $0xFFFFC000  }
0x1f7: {  	s31 =	sshll.u32 s30, $0x5;
	v2 =	vld [tilespmem:s29+$0x10800]  }
0x1f8: {  	v3 =	vmov s26;
	v4 =	vld [tilespmem:s31+$0x4000]  }
0x1f9: {  	v3 =	vand.u32 $0x7F, v3  }
0x1fa: {  	v5 =	vadd.s32 v0, v3;
	_ =	sdelay $0x2  }
0x1fb: {  	v2 =	vadd.f32 v2, v4;
	_ =	sdelay $0x1  }
0x1fc: {  	s14 =	simm.s32 $0x1;
	[tilespmem:v5+s18+$0x0] =	vst.idx.msk $0xffff, v2  }
0x1fd: {  	s15 =	smin.u32 s14, $0x3F;
	s4 =	simm.s32 $0x20;
	v2 =	vld [tilespmem:s29+$0x11800]  }
0x1fe: {  	s8 =	sshll.u32 s15, $0x5;
	v6 =	vld [tilespmem:s4+$0x10800]  }
0x1ff: {  	v7 =	vmov s14;
	v9 =	vld [tilespmem:s8+$0x4000]  }
0x200: {  	v7 =	vand.u32 $0x7F, v7  }
0x201: {  	v11 =	vadd.s32 v0, v7  }
0x202: {  	v2 =	vadd.f32 v2, v4;
	_ =	sdelay $0x1  }
0x203: {  	v6 =	vadd.f32 v6, v9;
	[tilespmem:v5+s19+$0x0] =	vst.idx.msk $0xffff, v2  }
0x204: {  	v2 =	vld [tilespmem:s29+$0x12800]  }
0x205: {  	s14 =	simm.s32 $0x2;
	[tilespmem:v11+s18+$0x0] =	vst.idx.msk $0xffff, v6  }
0x206: {  	s16 =	smin.u32 s14, $0x3F;
	s9 =	simm.s32 $0x40;
	v6 =	vld [tilespmem:s4+$0x11800]  }
0x207: {  	s16 =	sshll.u32 s16, $0x5;
	v8 =	vld [tilespmem:s9+$0x10800]  }
0x208: {  	v10 =	vmov s14;
	v12 =	vld [tilespmem:s16+$0x4000]  }
0x209: {  	v13 =	vand.u32 $0x7F, v10;
	v2 =	vadd.f32 v2, v4  }
0x20a: {  	v14 =	vadd.s32 v0, v13  }
0x20b: {  	v6 =	vadd.f32 v6, v9;
	[tilespmem:v5+s20+$0x0] =	vst.idx.msk $0xffff, v2  }
0x20c: {  	v2 =	vld [tilespmem:s29+$0x13800]  }
0x20d: {  	v8 =	vadd.f32 v8, v12;
	[tilespmem:v11+s19+$0x0] =	vst.idx.msk $0xffff, v6  }
0x20e: {  	v10 =	vld [tilespmem:s4+$0x12800]  }
0x20f: {  	[tilespmem:v14+s18+$0x0] =	vst.idx.msk $0xffff, v8  }
0x210: {  	s17 =	simm.s32 $0x3;
	v15 =	vld [tilespmem:s9+$0x11800]  }
0x211: {  	s26 =	simm.s32 $0x60;
	s22 =	smin.u32 s17, $0x3F;
	v2 =	vadd.f32 v2, v4  }
0x212: {  	s14 =	sshll.u32 s22, $0x5;
	v16 =	vld [tilespmem:s26+$0x10800];
	v4 =	vmov s17  }
0x213: {  	v17 =	vld [tilespmem:s14+$0x4000];
	v6 =	vand.u32 $0x7F, v4;
	v4 =	vadd.f32 v10, v9;
	[tilespmem:v5+s21+$0x0] =	vst.idx.msk $0xffff, v2  }
0x214: {  	v2 =	vld [tilespmem:s31+$0x4010]  }
0x215: {  	v8 =	vadd.s32 v0, v6;
	v5 =	vadd.f32 v15, v12;
	[tilespmem:v11+s20+$0x0] =	vst.idx.msk $0xffff, v4;
	v4 =	vld [tilespmem:s29+$0x10810]  }
0x216: {  	v10 =	vld [tilespmem:s4+$0x13800]  }
0x217: {  	v3 =	vadd.s32 v1, v3;
	[tilespmem:v14+s19+$0x0] =	vst.idx.msk $0xffff, v5  }
0x218: {  	v15 =	vadd.f32 v16, v17;
	v5 =	vld [tilespmem:s9+$0x12800]  }
0x219: {  	s28 =	simm.s32 $0x80;
	s24 =	simm.s32 $0x4  }
0x21a: {  	s30 =	smin.u32 s24, $0x3F;
	v16 =	vld [tilespmem:s28+$0x10800];
	[tilespmem:v8+s18+$0x0] =	vst.idx.msk $0xffff, v15;
	v4 =	vadd.f32 v4, v2  }
0x21b: {  	s15 =	sshll.u32 s30, $0x5;
	v15 =	vld [tilespmem:s26+$0x11800];
	v18 =	vadd.f32 v10, v9  }
0x21c: {  	v10 =	vld [tilespmem:s15+$0x4000];
	[tilespmem:v3+s18+$0x0] =	vst.idx.msk $0xffff, v4  }
0x21d: {  	v9 =	vmov s24;
	v5 =	vadd.f32 v5, v12;
	[tilespmem:v11+s21+$0x0] =	vst.idx.msk $0xffff, v18;
	v18 =	vld [tilespmem:s29+$0x11810]  }
0x21e: {  	v9 =	vand.u32 $0x7F, v9;
	v4 =	vld [tilespmem:s8+$0x4010]  }
0x21f: {  	v11 =	vadd.s32 v0, v9;
	[tilespmem:v14+s20+$0x0] =	vst.idx.msk $0xffff, v5;
	v19 =	vld [tilespmem:s4+$0x10810]  }
0x220: {  	v15 =	vadd.f32 v15, v17;
	v20 =	vld [tilespmem:s9+$0x13800]  }
0x221: {  	s13 =	simm.s32 $0xA0;
	s17 =	simm.s32 $0x5;
	v5 =	vadd.s32 v1, v7  }
0x222: {  	v21 =	vld [tilespmem:s13+$0x10800];
	s31 =	smin.u32 s17, $0x3F;
	v16 =	vadd.f32 v16, v10;
	[tilespmem:v8+s19+$0x0] =	vst.idx.msk $0xffff, v15  }
0x223: {  	s8 =	sshll.u32 s31, $0x5;
	v7 =	vld [tilespmem:s26+$0x12800];
	v15 =	vadd.f32 v18, v2  }
0x224: {  	[tilespmem:v11+s18+$0x0] =	vst.idx.msk $0xffff, v16;
	v16 =	vld [tilespmem:s8+$0x4000];
	v18 =	vadd.f32 v19, v4  }
0x225: {  	v22 =	vld [tilespmem:s28+$0x11800];
	[tilespmem:v3+s19+$0x0] =	vst.idx.msk $0xffff, v15;
	v15 =	vadd.f32 v20, v12  }
0x226: {  	v12 =	vmov s17;
	v19 =	vld [tilespmem:s29+$0x12810];
	[tilespmem:v5+s18+$0x0] =	vst.idx.msk $0xffff, v18  }
0x227: {  	v12 =	vand.u32 $0x7F, v12;
	[tilespmem:v14+s21+$0x0] =	vst.idx.msk $0xffff, v15;
	v14 =	vld [tilespmem:s4+$0x11810]  }
0x228: {  	v18 =	vadd.s32 v0, v12;
	v20 =	vadd.f32 v7, v17  }
0x229: {  	v7 =	vld [tilespmem:s16+$0x4010]  }
0x22a: {  	v15 =	vadd.f32 v22, v10;
	v22 =	vld [tilespmem:s9+$0x10810];
	[tilespmem:v8+s20+$0x0] =	vst.idx.msk $0xffff, v20  }
0x22b: {  	s16 =	simm.s32 $0xC0;
	v21 =	vadd.f32 v21, v16;
	v26 =	vld [tilespmem:s26+$0x13800]  }
0x22c: {  	v20 =	vld [tilespmem:s16+$0x10800];
	v19 =	vadd.f32 v19, v2;
	[tilespmem:v11+s19+$0x0] =	vst.idx.msk $0xffff, v15;
	v14 =	vadd.f32 v14, v4  }
0x22d: {  	v23 =	vld [tilespmem:s28+$0x12800];
	[tilespmem:v18+s18+$0x0] =	vst.idx.msk $0xffff, v21  }
0x22e: {  	s17 =	simm.s32 $0x6;
	[tilespmem:v3+s20+$0x0] =	vst.idx.msk $0xffff, v19;
	v25 =	vld [tilespmem:s13+$0x11800]  }
0x22f: {  	v13 =	vadd.s32 v1, v13;
	s22 =	smin.u32 s17, $0x3F;
	v21 =	vmov v11;
	v15 =	vld [tilespmem:s29+$0x13810];
	[tilespmem:v5+s19+$0x0] =	vst.idx.msk $0xffff, v14  }
0x230: {  	s22 =	sshll.u32 s22, $0x5;
	v24 =	vadd.f32 v22, v7;
	s29 =	simm.s32 $0x380;
	v22 =	vmovc v18;
	v19 =	vld [tilespmem:s4+$0x12810];
	v26 =	vadd.f32 v26, v17;
	v14 =	vmovc v5;
	v17 =	vmov v13  }
.LBB2_15:
0x231: {  	v28 =	vmov v13;
	_ =	sdelay $0x3  }
0x232: {  	v27 =	vmov v18  }
0x233: {  	p0 =	sne.s32 s29, $0x3F80;
	v13 =	vmov s17;
	s24 =	smov.u32 s16;
	v29 =	vld [tilespmem:s22+$0x4000];
	[tilespmem:v28+s18+$0x0] =	vst.idx.msk $0xffff, v24  }
0x234: {  	v24 =	vand.u32 $0x7F, v13;
	v13 =	vadd.f32 v23, v10;
	[tilespmem:v8+s21+$0x0] =	vst.idx.msk $0xffff, v26;
	v26 =	vld [tilespmem:s9+$0x11810];
	v8 =	vmovc v11;
	v11 =	vmov v18  }
0x235: {  	v15 =	vadd.f32 v15, v2;
	v2 =	vmovc v4;
	v4 =	vmov v7;
	v18 =	vadd.s32 v0, v24;
	v7 =	vld [tilespmem:s14+$0x4010];
	s14 =	smov.u32 s15;
	s15 =	smov.u32 s8;
	s8 =	smov.u32 s22  }
0x236: {  	v23 =	vadd.f32 v25, v16;
	[tilespmem:v21+s20+$0x0] =	vst.idx.msk $0xffff, v13;
	v30 =	vld [tilespmem:s26+$0x10810];
	v21 =	vmov v27  }
0x237: {  	s16 =	sshra.s32 s29, $0x2;
	v19 =	vadd.f32 v19, v2;
	v27 =	vld [tilespmem:s28+$0x13800];
	[tilespmem:v3+s21+$0x0] =	vst.idx.msk $0xffff, v15;
	v3 =	vmov v5;
	v5 =	vmov v28  }
.Ltmp6:
0x238: {  	v13 =	vadd.s32 v1, v6;
	v6 =	vmov v9;
	v15 =	vadd.f32 v20, v29;
	v20 =	vld [tilespmem:s16+$0x10800];
	[tilespmem:v22+s19+$0x0] =	vst.idx.msk $0xffff, v23;
	(pc) =	sbr.rel @p0 .LBB2_15-.Ltmp6, $4  }
0x239: {  	v9 =	vmovc v12;
	v12 =	vmov v24;
	v22 =	vmov v18;
	v23 =	vld [tilespmem:s13+$0x12800];
	v26 =	vadd.f32 v26, v4;
	[tilespmem:v14+s20+$0x0] =	vst.idx.msk $0xffff, v19  }
0x23a: {  	s17 =	sadd.s32 $0x1, s17;
	v14 =	vmov v28;
	[tilespmem:v18+s18+$0x0] =	vst.idx.msk $0xffff, v15;
	v15 =	vld [tilespmem:s4+$0x13810];
	s4 =	smov.u32 s9;
	s9 =	smov.u32 s26  }
0x23b: {  	s22 =	smin.u32 s17, $0x3F;
	s26 =	smov.u32 s28;
	s28 =	smov.u32 s13;
	v25 =	vld [tilespmem:s24+$0x11800];
	v24 =	vadd.f32 v30, v7;
	[tilespmem:v17+s19+$0x0] =	vst.idx.msk $0xffff, v26;
	v17 =	vmov v13  }
0x23c: {  	s29 =	sadd.s32 $0x80, s29;
	s22 =	sshll.u32 s22, $0x5;
	s13 =	smov.u32 s24;
	v26 =	vadd.f32 v27, v10;
	v19 =	vld [tilespmem:s4+$0x12810];
	v10 =	vmov v16;
	v16 =	vmov v29  }
0x23d: {  	v27 =	vmov s17;
	v28 =	vld [tilespmem:s22+$0x4000]  }
0x23e: {  	v27 =	vand.u32 $0x7F, v27  }
0x23f: {  	v29 =	vadd.s32 v0, v27;
	_ =	sdelay $0x2  }
0x240: {  	v20 =	vadd.f32 v20, v28;
	_ =	sdelay $0x1  }
0x241: {  	[tilespmem:v29+s18+$0x0] =	vst.idx.msk $0xffff, v20  }
0x242: {  	v20 =	vld [tilespmem:s16+$0x11800];
	_ =	sdelay $0x2  }
0x243: {  	v25 =	vadd.f32 v25, v16;
	_ =	sdelay $0x1  }
0x244: {  	[tilespmem:v22+s19+$0x0] =	vst.idx.msk $0xffff, v25;
	v20 =	vadd.f32 v20, v28  }
0x245: {  	v22 =	vld [tilespmem:s13+$0x12800]  }
0x246: {  	[tilespmem:v29+s19+$0x0] =	vst.idx.msk $0xffff, v20  }
0x247: {  	v20 =	vld [tilespmem:s16+$0x12800]  }
0x248: {  	v23 =	vadd.f32 v23, v10;
	_ =	sdelay $0x1  }
0x249: {  	[tilespmem:v21+s20+$0x0] =	vst.idx.msk $0xffff, v23;
	v40 =	vadd.f32 v22, v16  }
0x24a: {  	v41 =	vld [tilespmem:s28+$0x13800]  }
0x24b: {  	[tilespmem:v18+s20+$0x0] =	vst.idx.msk $0xffff, v40;
	v20 =	vadd.f32 v20, v28  }
0x24c: {  	v21 =	vld [tilespmem:s13+$0x13800]  }
0x24d: {  	[tilespmem:v29+s20+$0x0] =	vst.idx.msk $0xffff, v20  }
0x24e: {  	v20 =	vld [tilespmem:s16+$0x13800]  }
0x24f: {  	[tilespmem:v8+s21+$0x0] =	vst.idx.msk $0xffff, v26;
	v42 =	vadd.f32 v41, v10  }
0x250: {  	v43 =	vld [tilespmem:s14+$0x4010]  }
0x251: {  	v44 =	vld [tilespmem:s26+$0x10810];
	[tilespmem:v11+s21+$0x0] =	vst.idx.msk $0xffff, v42;
	v45 =	vadd.f32 v21, v16  }
0x252: {  	v11 =	vld [tilespmem:s15+$0x4010]  }
0x253: {  	v46 =	vld [tilespmem:s28+$0x10810];
	[tilespmem:v18+s21+$0x0] =	vst.idx.msk $0xffff, v45;
	v47 =	vadd.f32 v20, v28  }
0x254: {  	v18 =	vld [tilespmem:s8+$0x4010]  }
0x255: {  	v6 =	vadd.s32 v1, v6;
	v48 =	vld [tilespmem:s13+$0x10810];
	[tilespmem:v29+s21+$0x0] =	vst.idx.msk $0xffff, v47  }
0x256: {  	v9 =	vadd.s32 v1, v9;
	v8 =	vld [tilespmem:s22+$0x4010]  }
0x257: {  	v49 =	vld [tilespmem:s16+$0x10810]  }
0x258: {  	v12 =	vadd.s32 v1, v12;
	v22 =	vadd.f32 v44, v43  }
0x259: {  	[tilespmem:v13+s18+$0x0] =	vst.idx.msk $0xffff, v24;
	v50 =	vadd.s32 v1, v27;
	v16 =	vadd.f32 v46, v11  }
0x25a: {  	v24 =	vld [tilespmem:s9+$0x11810];
	[tilespmem:v6+s18+$0x0] =	vst.idx.msk $0xffff, v22  }
0x25b: {  	v22 =	vld [tilespmem:s26+$0x11810];
	[tilespmem:v9+s18+$0x0] =	vst.idx.msk $0xffff, v16;
	v20 =	vadd.f32 v48, v18  }
0x25c: {  	v52 =	vld [tilespmem:s28+$0x11810];
	v51 =	vadd.f32 v49, v8  }
0x25d: {  	[tilespmem:v12+s18+$0x0] =	vst.idx.msk $0xffff, v20  }
0x25e: {  	v20 =	vld [tilespmem:s13+$0x11810];
	[tilespmem:v50+s18+$0x0] =	vst.idx.msk $0xffff, v51  }
0x25f: {  	v24 =	vadd.f32 v24, v7;
	v16 =	vld [tilespmem:s16+$0x11810]  }
0x260: {  	v22 =	vadd.f32 v22, v43  }
0x261: {  	[tilespmem:v17+s19+$0x0] =	vst.idx.msk $0xffff, v24;
	v53 =	vadd.f32 v52, v11  }
0x262: {  	v54 =	vld [tilespmem:s9+$0x12810];
	[tilespmem:v6+s19+$0x0] =	vst.idx.msk $0xffff, v22  }
0x263: {  	v22 =	vld [tilespmem:s26+$0x12810];
	[tilespmem:v9+s19+$0x0] =	vst.idx.msk $0xffff, v53;
	v20 =	vadd.f32 v20, v18  }
0x264: {  	v17 =	vld [tilespmem:s28+$0x12810];
	v16 =	vadd.f32 v16, v8  }
0x265: {  	[tilespmem:v12+s19+$0x0] =	vst.idx.msk $0xffff, v20  }
0x266: {  	v20 =	vld [tilespmem:s13+$0x12810];
	[tilespmem:v50+s19+$0x0] =	vst.idx.msk $0xffff, v16  }
0x267: {  	v21 =	vadd.f32 v54, v7;
	v56 =	vld [tilespmem:s16+$0x12810]  }
0x268: {  	v57 =	vadd.f32 v22, v43  }
0x269: {  	[tilespmem:v13+s20+$0x0] =	vst.idx.msk $0xffff, v21;
	v17 =	vadd.f32 v17, v11  }
0x26a: {  	v55 =	vadd.f32 v19, v4;
	v21 =	vld [tilespmem:s9+$0x13810];
	[tilespmem:v6+s20+$0x0] =	vst.idx.msk $0xffff, v57  }
0x26b: {  	v59 =	vld [tilespmem:s26+$0x13810];
	[tilespmem:v9+s20+$0x0] =	vst.idx.msk $0xffff, v17;
	v58 =	vadd.f32 v20, v18  }
0x26c: {  	[tilespmem:v14+s20+$0x0] =	vst.idx.msk $0xffff, v55;
	v61 =	vld [tilespmem:s28+$0x13810];
	v60 =	vadd.f32 v56, v8  }
0x26d: {  	v2 =	vadd.f32 v15, v2;
	v16 =	vld [tilespmem:s4+$0x13810];
	[tilespmem:v12+s20+$0x0] =	vst.idx.msk $0xffff, v58  }
0x26e: {  	v14 =	vld [tilespmem:s13+$0x13810];
	[tilespmem:v50+s20+$0x0] =	vst.idx.msk $0xffff, v60  }
0x26f: {  	[tilespmem:v3+s21+$0x0] =	vst.idx.msk $0xffff, v2;
	v2 =	vadd.f32 v21, v7;
	v63 =	vld [tilespmem:s16+$0x13810]  }
0x270: {  	v3 =	vadd.f32 v59, v43  }
0x271: {  	[tilespmem:v13+s21+$0x0] =	vst.idx.msk $0xffff, v2;
	v2 =	vadd.f32 v61, v11  }
0x272: {  	[tilespmem:v6+s21+$0x0] =	vst.idx.msk $0xffff, v3;
	v62 =	vadd.f32 v16, v4  }
0x273: {  	[tilespmem:v9+s21+$0x0] =	vst.idx.msk $0xffff, v2;
	v3 =	vadd.f32 v14, v18  }
0x274: {  	[tilespmem:v5+s21+$0x0] =	vst.idx.msk $0xffff, v62;
	v2 =	vadd.f32 v63, v8  }
0x275: {  	s8 =	simm.s32 $0x10;
	s4 =	sadd.s32 s7, s6;
	[tilespmem:v12+s21+$0x0] =	vst.idx.msk $0xffff, v3  }
0x276: {  	s9 =	simm.s32 $0x18C88;
	s7 =	simm.s32 $0x18C00;
	s13 =	sadd.s32 $0x0, s4;
	[tilespmem:v50+s21+$0x0] =	vst.idx.msk $0xffff, v2  }
.LBB2_17:
0x277: {  	[hbm4b:s13+s2] =	stream.linear.scatter [tilespmem:s7], [sflag:$0x6], $0x80, $0x38;
	[tilespmem:$0x1D000] =	vst v63  }
0x278: {  	s13 =	smov.u32 s8;
	s7 =	smov.u32 s9;
	p0 =	sne.s32 s8, $0x7F0  }
.Ltmp7:
0x279: {  	s8 =	sadd.s32 $0x10, s8;
	(pc) =	sbr.rel @p0 .LBB2_17-.Ltmp7, $2  }
0x27a: {  	_ =	sdelay $0x2  }
0x27b: {  	s9 =	sadd.s32 $0x88, s9;
	s13 =	sadd.s32 s13, s4  }
0x27c: {  	s5 =	sadd.s32 $0x1, s5  }
0x27d: {  	p0 =	sne.s32 s5, $0x8  }
.Ltmp8:
0x27e: {  	_ = 	snop;
	(pc) =	sbr.rel @p0 .LBB2_2-.Ltmp8, $2  }
0x27f: {  	_ =	sdelay $0x2  }
0x280: {  	[hbm4b:s13+s2] =	stream.linear.scatter [tilespmem:s7], [sflag:$0x6], $0x80, $0x38;
	[tilespmem:$0x1D000] =	vst v63  }
0x281: {  	_ =	swait.ge [sflag:s23], $0x4000  }
0x282: {  	[sflag:s23] =	ssyncset.done $0x0  }
0x283: {  	[sflag:s23] =	ssyncadd.s32 $0xFFFFC000  }
0x284: {  	_ =	swait.ge [sflag:s25], $0x4000  }
0x285: {  	s5 =	rddreg [dreg:$0x8]  }
0x286: {  	s4 =	rddreg [dreg:$0x6];
	s5 =	sadd.s32 $0x1, s5  }
0x287: {  	p0 =	sne.s32 s5, s4  }
.Ltmp9:
0x288: {  	_ = 	snop;
	(pc) =	sbr.rel @p0 .LBB2_1-.Ltmp9, $3  }
0x289: {  	_ =	sdelay $0x1  }
0x28a: {  	[sflag:s25] =	ssyncset.done $0x0  }
0x28b: {  	[sflag:s25] =	ssyncadd.s32 $0xFFFFC000  }
0x28c: {  	_ =	sfence.sel $0x180000  }
0x28d: {  	[bflag:$0x0] =	sbarrier.arrive $0xFFFF  }
0x28e: {  	_ =	strace $0x90000047  }
0x28f: {  	s0 =	stileid.u32;
	[bflag:$0x2] =	sbarrier.arrive $0xFFFF  }
0x290: {  	p0 =	sne.s32 s0, $0x0;
	s0 =	rddreg [dreg:$0x3]  }
0x291: {  	s0 =	sadd.s32 @!p0 $0x100000, s0  }
0x292: {  	[sflag:s0] =	ssyncadd.tile.s32 @!p0 $0x1;
	_ =	shalt  }
.Lfunc_end2:
_tile_overlayer_lowered:
.L_overlay_start_2:
0x293: {  	(tag) =	ssettag $0x2  }
0x294: {  	s0 =	rddreg [dreg:$0x0];
	s2 =	stileid.u32  }
0x295: {  	s1 =	rddreg [dreg:$0x1];
	p0 =	sne.s32 s2, $0x0  }
0x296: {  	s3 =	rddreg [dreg:$0x2];
	[bflag:$0x3] =	sbarrier.arrive $0xFFFF;
	s2 =	simm.s32 @!p0 $0x1C07  }
0x297: {  	[timem:s3], [sflag:s2] =	dma.local @!p0 [hbm:s0], s1  }
0x298: {  	s0 =	simm.s32 @!p0 $0x7  }
0x299: {  	_ =	swait.ge @!p0 [sflag:s0], s1  }
0x29a: {  	s1 =	ssub.s32 @!p0 $0x0, s1;
	[sflag:s0] =	ssyncset.done @!p0 $0x0  }
0x29b: {  	[sflag:s0] =	ssyncadd.s32 @!p0 s1  }
0x29c: {  	[bflag:$0x3] =	sbarrier.arrive $0xFFFF  }
0x29d: {  	_ =	shalt  }

</sc_bundles>
